<compile_context>
chip_gen: v7x
topology: tpu7x:2x2x1
jax: 0.10.2.dev20260603
libtpu: 0.0.44.dev20260713+nightly
codegen_flags: <defaults>
</compile_context>

<pallas_src>
import functools

import jax
import jax.numpy as jnp
from jax import lax
from jax.experimental import pallas as pl
from jax.experimental.pallas import tpu as pltpu
from jax.experimental.pallas import tpu_sc as plsc

N = 10000
E = 160000
D = 256
H = 256
C = 64
NP = 10240

NC = 2
NS = 16
CE = 128
RPT = NP // NS
NCH = 80
EPT_P = NCH * CE
NCH_D = 40
EPW_P = NCH_D * CE
CE2 = 256
NE2 = EPW_P // CE2
DEG_W = 128

@functools.cache
def _get_deg_sc():
    mesh = plsc.VectorSubcoreMesh(core_axis_name="c", subcore_axis_name="s")

    @functools.partial(
        pl.kernel,
        out_type=jax.ShapeDtypeStruct((NC, NP, DEG_W), jnp.float32),
        mesh=mesh,
        scratch_types=[
            pltpu.VMEM((NCH_D, CE), jnp.int32),
            pltpu.VMEM((CE, DEG_W), jnp.float32),
            pltpu.VMEM_SHARED((NP, DEG_W), jnp.float32),
        ],
    )
    def deg_sc(dst_hbm, ones_hbm, zeros_hbm, out_hbm, dst_v, ones_v, acc):
        c = lax.axis_index("c")
        s = lax.axis_index("s")
        wid = c * NS + s
        pltpu.sync_copy(dst_hbm.at[wid], dst_v)
        pltpu.sync_copy(ones_hbm, ones_v)
        r0 = s * RPT
        pltpu.sync_copy(zeros_hbm.at[pl.ds(r0, RPT)], acc.at[pl.ds(r0, RPT)])
        plsc.subcore_barrier()

        def body(j, carry):
            pltpu.sync_copy(ones_v, acc.at[dst_v.at[j]], add=True)
            return carry

        lax.fori_loop(0, NCH_D, body, 0)
        plsc.subcore_barrier()
        pltpu.sync_copy(acc.at[pl.ds(r0, RPT)], out_hbm.at[c, pl.ds(r0, RPT)])

    return deg_sc


@functools.cache
def _make_prop(W):
    mesh = plsc.VectorSubcoreMesh(core_axis_name="c", subcore_axis_name="s")
    @functools.partial(
        pl.kernel,
        out_type=(
            jax.ShapeDtypeStruct((NP, W), jnp.float32),
            jax.ShapeDtypeStruct((NP, W), jnp.float32),
        ),
        mesh=mesh,
        scratch_types=[
            pltpu.VMEM((NCH, CE), jnp.int32),
            pltpu.VMEM((8, CE), jnp.int32),
            pltpu.VMEM((8, CE), jnp.int32),
            pltpu.VMEM((CE, W), jnp.float32),
            pltpu.VMEM((CE, W), jnp.float32),
            pltpu.VMEM_SHARED((NP, W), jnp.float32),
            pltpu.SemaphoreType.DMA,
            pltpu.SemaphoreType.DMA,
            pltpu.SemaphoreType.DMA,
            pltpu.SemaphoreType.DMA,
            pltpu.SemaphoreType.DMA,
            pltpu.SemaphoreType.DMA,
        ],
    )
    def prop(z0, z1, src_hbm, dst_hbm, zeros_hbm, out0, out1,
             dst_v, sbuf_a, sbuf_b, buf_a, buf_b, acc,
             sia, sib, sga, sgb, ssa, ssb):
        c = lax.axis_index("c")
        s = lax.axis_index("s")
        pltpu.sync_copy(dst_hbm.at[s], dst_v)
        r0 = s * RPT
        pltpu.sync_copy(zeros_hbm.at[pl.ds(r0, RPT)], acc.at[pl.ds(r0, RPT)])
        plsc.subcore_barrier()

        def run(z_hbm, out_hbm):
            def idx_start(j, sbuf, sem):
                pltpu.async_copy(src_hbm.at[s, pl.ds(j * CE, CE)],
                                 sbuf.at[0], sem)

            def idx_wait(sbuf, sem):
                pltpu.make_async_copy(src_hbm.at[s, pl.ds(0, CE)],
                                      sbuf.at[0], sem).wait()

            def gat_start(sbuf, buf, sem):
                pltpu.async_copy(z_hbm.at[sbuf.at[0]], buf, sem)

            def gat_wait(buf, sem):
                pltpu.make_async_copy(z_hbm.at[sbuf_a.at[0]], buf, sem).wait()

            def sct_start(buf, j, sem):
                pltpu.async_copy(buf, acc.at[dst_v.at[j]], sem, add=True)

            def sct_wait(buf, sem):
                pltpu.make_async_copy(buf, acc.at[dst_v.at[0]], sem).wait()

            idx_start(0, sbuf_a, sia)
            idx_wait(sbuf_a, sia)
            gat_start(sbuf_a, buf_a, sga)
            idx_start(1, sbuf_b, sib)

            def body(i, carry):
                j = 2 * i
                idx_wait(sbuf_b, sib)
                gat_wait(buf_a, sga)
                gat_start(sbuf_b, buf_b, sgb)
                pltpu.sync_copy(buf_a, acc.at[dst_v.at[j]], add=True)
                idx_start(j + 2, sbuf_a, sia)
                gat_wait(buf_b, sgb)
                idx_wait(sbuf_a, sia)
                gat_start(sbuf_a, buf_a, sga)
                pltpu.sync_copy(buf_b, acc.at[dst_v.at[j + 1]], add=True)
                idx_start(j + 3, sbuf_b, sib)
                return carry

            lax.fori_loop(0, NCH // 2 - 1, body, 0)
            idx_wait(sbuf_b, sib)
            gat_wait(buf_a, sga)
            gat_start(sbuf_b, buf_b, sgb)
            pltpu.sync_copy(buf_a, acc.at[dst_v.at[NCH - 2]], add=True)
            gat_wait(buf_b, sgb)
            pltpu.sync_copy(buf_b, acc.at[dst_v.at[NCH - 1]], add=True)
            plsc.subcore_barrier()
            pltpu.sync_copy(acc.at[pl.ds(r0, RPT)],
                            out_hbm.at[pl.ds(r0, RPT)])

        @pl.when(c == 0)
        def _():
            run(z0, out0)

        @pl.when(c == 1)
        def _():
            run(z1, out1)

    return prop


@functools.cache
def _get_prop_es():
    mesh = plsc.VectorSubcoreMesh(core_axis_name="c", subcore_axis_name="s")

    @functools.partial(
        pl.kernel,
        out_type=jax.ShapeDtypeStruct((NC, NP, 128), jnp.float32),
        mesh=mesh,
        scratch_types=[
            pltpu.VMEM((EPW_P,), jnp.int32),
            pltpu.VMEM((NCH_D, CE), jnp.int32),
            pltpu.VMEM((CE, 128), jnp.float32),
            pltpu.VMEM((CE, 128), jnp.float32),
            pltpu.VMEM_SHARED((NP, 128), jnp.float32),
            pltpu.SemaphoreType.DMA,
            pltpu.SemaphoreType.DMA,
        ],
    )
    def prop_es(y_hbm, src_hbm, dst_hbm, zeros_hbm, out_hbm,
                src_v, dst_v, buf_a, buf_b, acc, sga, sgb):
        c = lax.axis_index("c")
        s = lax.axis_index("s")
        wid = c * NS + s
        pltpu.sync_copy(src_hbm.at[wid], src_v)
        pltpu.sync_copy(dst_hbm.at[wid], dst_v)
        r0 = s * RPT
        pltpu.sync_copy(zeros_hbm.at[pl.ds(r0, RPT)], acc.at[pl.ds(r0, RPT)])
        plsc.subcore_barrier()

        def gat_start(j, buf, sem):
            pltpu.async_copy(
                y_hbm.at[src_v.at[pl.ds(j * CE, CE)]], buf, sem)

        def gat_wait(buf, sem):
            pltpu.make_async_copy(y_hbm.at[src_v.at[pl.ds(0, CE)]],
                                  buf, sem).wait()

        gat_start(0, buf_a, sga)
        gat_start(1, buf_b, sgb)

        def body(i, carry):
            j = 2 * i
            gat_wait(buf_a, sga)
            pltpu.sync_copy(buf_a, acc.at[dst_v.at[j]], add=True)
            gat_start(j + 2, buf_a, sga)
            gat_wait(buf_b, sgb)
            pltpu.sync_copy(buf_b, acc.at[dst_v.at[j + 1]], add=True)
            gat_start(j + 3, buf_b, sgb)
            return carry

        lax.fori_loop(0, NCH_D // 2 - 1, body, 0)
        gat_wait(buf_a, sga)
        pltpu.sync_copy(buf_a, acc.at[dst_v.at[NCH_D - 2]], add=True)
        gat_wait(buf_b, sgb)
        pltpu.sync_copy(buf_b, acc.at[dst_v.at[NCH_D - 1]], add=True)
        plsc.subcore_barrier()
        pltpu.sync_copy(acc.at[pl.ds(r0, RPT)], out_hbm.at[c, pl.ds(r0, RPT)])

    return prop_es


_RB = 1000


def _mm1_body(x_ref, w_ref, deg_ref, z0_ref, z1_ref, dinv_ref):
    deg = (deg_ref[0] + deg_ref[1])[:, :1]
    dinv = lax.rsqrt(jnp.maximum(deg, 1.0))
    z = jnp.dot(x_ref[...], w_ref[...], preferred_element_type=jnp.float32)
    z = z * dinv
    z0_ref[...] = z[:, : H // NC]
    z1_ref[...] = z[:, H // NC :]
    dinv_ref[...] = jnp.broadcast_to(dinv, (_RB, 128))


def _mm1(x, W1, deg_acc):
    return pl.pallas_call(
        _mm1_body,
        grid=(N // _RB,),
        in_specs=[
            pl.BlockSpec((_RB, D), lambda i: (i, 0)),
            pl.BlockSpec((D, H), lambda i: (0, 0)),
            pl.BlockSpec((NC, _RB, DEG_W), lambda i: (0, i, 0)),
        ],
        out_specs=[
            pl.BlockSpec((_RB, H // NC), lambda i: (i, 0)),
            pl.BlockSpec((_RB, H // NC), lambda i: (i, 0)),
            pl.BlockSpec((_RB, 128), lambda i: (i, 0)),
        ],
        out_shape=[
            jax.ShapeDtypeStruct((N, H // NC), jnp.float32),
            jax.ShapeDtypeStruct((N, H // NC), jnp.float32),
            jax.ShapeDtypeStruct((N, 128), jnp.float32),
        ],
    )(x, W1, deg_acc)


def _mm2_body(s10_ref, s11_ref, dinv_ref, w_ref, y_ref):
    dinv = dinv_ref[...]
    h0 = jnp.maximum(s10_ref[...] * dinv, 0.0)
    h1 = jnp.maximum(s11_ref[...] * dinv, 0.0)
    h = jnp.concatenate([h0, h1], axis=1)
    y = jnp.dot(h, w_ref[...], preferred_element_type=jnp.float32)
    y = y * dinv[:, :C]
    y_ref[...] = jnp.concatenate([y, jnp.zeros((_RB, 128 - C), y.dtype)],
                                 axis=1)


def _mm2(s10, s11, dinvb, W2):
    return pl.pallas_call(
        _mm2_body,
        grid=(N // _RB,),
        in_specs=[
            pl.BlockSpec((_RB, H // NC), lambda i: (i, 0)),
            pl.BlockSpec((_RB, H // NC), lambda i: (i, 0)),
            pl.BlockSpec((_RB, 128), lambda i: (i, 0)),
            pl.BlockSpec((H, C), lambda i: (0, 0)),
        ],
        out_specs=pl.BlockSpec((_RB, 128), lambda i: (i, 0)),
        out_shape=jax.ShapeDtypeStruct((N, 128), jnp.float32),
    )(s10, s11, dinvb, W2)


def _tail_body(p_ref, dinv_ref, out_ref):
    s2 = p_ref[0][:, :C] + p_ref[1][:, :C]
    out_ref[...] = s2 * dinv_ref[...][:, :C]


def _tail(parts, dinvb):
    return pl.pallas_call(
        _tail_body,
        grid=(N // _RB,),
        in_specs=[
            pl.BlockSpec((NC, _RB, 128), lambda i: (0, i, 0)),
            pl.BlockSpec((_RB, 128), lambda i: (i, 0)),
        ],
        out_specs=pl.BlockSpec((_RB, C), lambda i: (i, 0)),
        out_shape=jax.ShapeDtypeStruct((N, C), jnp.float32),
    )(parts, dinvb)


def kernel(x, adj, W1, W2):
    order = jnp.argsort(adj[0])
    src = adj[0][order]
    dst = adj[1][order]
    ept = E // NS
    epw = E // (NC * NS)
    src_r = jnp.pad(src.reshape(NS, ept), ((0, 0), (0, EPT_P - ept)))
    dst_r = jnp.pad(dst.reshape(NS, ept), ((0, 0), (0, EPT_P - ept)),
                    constant_values=N).reshape(NS, NCH, CE)
    src_e = jnp.pad(src.reshape(NC * NS, epw), ((0, 0), (0, EPW_P - epw)))
    dst_e = jnp.pad(dst.reshape(NC * NS, epw), ((0, 0), (0, EPW_P - epw)),
                    constant_values=N).reshape(NC * NS, NCH_D, CE)
    ones_deg = jnp.ones((CE, DEG_W), jnp.float32)
    zeros_deg = jnp.zeros((NP, DEG_W), jnp.float32)
    zeros_h = jnp.zeros((NP, H // NC), jnp.float32)
    zeros_y = jnp.zeros((NP, 128), jnp.float32)

    deg_acc = _get_deg_sc()(dst_e, ones_deg, zeros_deg)
    z0, z1, dinvb = _mm1(x, W1, deg_acc)
    s10, s11 = _make_prop(128)(z0, z1, src_r, dst_r, zeros_h)
    y = _mm2(s10, s11, dinvb, W2)
    parts = _get_prop_es()(y, src_e, dst_e, zeros_y)
    return _tail(parts, dinvb)

# --- scband reference (transcript-rebuilt; emitter-appended) ---
"""Pipeline reference for scband-latgcn-32074815766864 (READ-ONLY COPY).

The authoritative reference and input builder live on the scoring server;
editing this copy changes nothing except your own understanding.
"""

import jax, jax.numpy as jnp
import numpy as np

N = 10000
E = 160000
D = 256
H = 256
C = 64


def setup_inputs(seed: int = 0):
    key = jax.random.key(seed)
    k1, k2, k3, k4 = jax.random.split(key, 4)
    x = jax.random.normal(k1, (N, D), dtype=jnp.float32)
    adj = jax.random.randint(k2, (2, E), 0, N, dtype=jnp.int32)
    W1 = jax.random.normal(k3, (D, H), dtype=jnp.float32) * (1.0 / np.sqrt(D))
    W2 = jax.random.normal(k4, (H, C), dtype=jnp.float32) * (1.0 / np.sqrt(H))
    return {"x": x, "adj": adj, "W1": W1, "W2": W2}


def _gcn_norm(src, dst):
    deg = jnp.zeros((N,), jnp.float32).at[dst].add(1.0)
    deg = jnp.maximum(deg, 1.0)
    dinv = 1.0 / jnp.sqrt(deg)
    return dinv[src] * dinv[dst]


def _prop(h, src, dst, norm):
    # sparse adj @ h  (GCN propagation): gather from src, weight, scatter-add to dst
    msg = h[src] * norm[:, None]
    return jax.ops.segment_sum(msg, dst, num_segments=N)


def reference(x, adj, W1, W2):
    # LATGCN eval-mode forward: conv1 = Dropout(id) -> GCNConv(D,H,bias=False) -> ReLU
    #                            conv2 = Dropout(id) -> GCNConv(H,C,bias=False)
    src = adj[0]
    dst = adj[1]
    norm = _gcn_norm(src, dst)
    h = jax.nn.relu(_prop(x @ W1, src, dst, norm))
    logit = _prop(h @ W2, src, dst, norm)
    return logit

if __name__ == "__main__":
    import jax
    _d = setup_inputs()
    print(jax.jit(kernel)(*tuple(_d.values())))

</pallas_src>

<mosaic_0001>
#map = affine_map<(d0, d1) -> (0, 0)>
#map1 = affine_map<(d0, d1) -> (0, 0, 0)>
module attributes {stable_mosaic.version = 14 : i64} {
  func.func @prop(%arg0: i32, %arg1: i32, %arg2: memref<10000x128xf32, #tpu.memory_space<hbm>>, %arg3: memref<10000x128xf32, #tpu.memory_space<hbm>>, %arg4: memref<16x10240xi32, #tpu.memory_space<hbm>>, %arg5: memref<16x80x128xi32, #tpu.memory_space<hbm>>, %arg6: memref<10240x128xf32, #tpu.memory_space<hbm>>, %arg7: memref<10240x128xf32, #tpu.memory_space<hbm>>, %arg8: memref<10240x128xf32, #tpu.memory_space<hbm>>, %arg9: memref<80x128xi32, #tpu.memory_space<vmem>>, %arg10: memref<8x128xi32, #tpu.memory_space<vmem>>, %arg11: memref<8x128xi32, #tpu.memory_space<vmem>>, %arg12: memref<128x128xf32, #tpu.memory_space<vmem>>, %arg13: memref<128x128xf32, #tpu.memory_space<vmem>>, %arg14: memref<10240x128xf32, #tpu.memory_space<vmem_shared>>, %arg15: memref<!tpu.dma_semaphore, #tpu.memory_space<semaphore_mem>>, %arg16: memref<!tpu.dma_semaphore, #tpu.memory_space<semaphore_mem>>, %arg17: memref<!tpu.dma_semaphore, #tpu.memory_space<semaphore_mem>>, %arg18: memref<!tpu.dma_semaphore, #tpu.memory_space<semaphore_mem>>, %arg19: memref<!tpu.dma_semaphore, #tpu.memory_space<semaphore_mem>>, %arg20: memref<!tpu.dma_semaphore, #tpu.memory_space<semaphore_mem>>) attributes {dimension_semantics = [#tpu.dimension_semantics<core_parallel>, #tpu.dimension_semantics<subcore_parallel>], iteration_bounds = array<i64: 2, 16>, scalar_prefetch = 0 : i64, scratch_operands = 12 : i64, tpu.core_type = #tpu.core_type<sc_vector_subcore>, window_params = [{transform_indices = #map}, {transform_indices = #map}, {transform_indices = #map}, {transform_indices = #map1}, {transform_indices = #map}, {transform_indices = #map}, {transform_indices = #map}]} {
    "tpu.region"() ({
      %run_scoped3A = tpu.sem_alloc : memref<!tpu.dma_semaphore, #tpu.memory_space<semaphore_mem>>
      %dma_start3A = arith.constant 0 : i32
      %dma_start3A_8 = arith.constant 0 : i32
      %dma_start3A_9 = tpu.memref_slice %arg5[%arg1, %dma_start3A, %dma_start3A_8] : memref<16x80x128xi32, #tpu.memory_space<hbm>> -> memref<1x80x128xi32, #tpu.memory_space<hbm>>
      %dma_start3A_10 = tpu.memref_squeeze %dma_start3A_9 : memref<1x80x128xi32, #tpu.memory_space<hbm>> -> memref<80x128xi32, #tpu.memory_space<hbm>>
      %dma_start3A_11 = arith.constant 0 : i32
      %dma_start3A_12 = arith.constant 0 : i32
      %dma_start3A_13 = tpu.memref_slice %arg5[%arg1, %dma_start3A_11, %dma_start3A_12] : memref<16x80x128xi32, #tpu.memory_space<hbm>> -> memref<1x80x128xi32, #tpu.memory_space<hbm>>
      %dma_start3A_14 = tpu.memref_squeeze %dma_start3A_13 : memref<1x80x128xi32, #tpu.memory_space<hbm>> -> memref<80x128xi32, #tpu.memory_space<hbm>>
      tpu.enqueue_dma source(%dma_start3A_14 : memref<80x128xi32, #tpu.memory_space<hbm>>) target(%arg9 : memref<80x128xi32, #tpu.memory_space<vmem>>) target_semaphore(%run_scoped3A : memref<!tpu.dma_semaphore, #tpu.memory_space<semaphore_mem>>)
      %dma_wait3A = arith.constant 0 : i32
      %dma_wait3A_15 = arith.constant 0 : i32
      %dma_wait3A_16 = tpu.memref_slice %arg5[%arg1, %dma_wait3A, %dma_wait3A_15] : memref<16x80x128xi32, #tpu.memory_space<hbm>> -> memref<1x80x128xi32, #tpu.memory_space<hbm>>
      %dma_wait3A_17 = tpu.memref_squeeze %dma_wait3A_16 : memref<1x80x128xi32, #tpu.memory_space<hbm>> -> memref<80x128xi32, #tpu.memory_space<hbm>>
      %dma_wait3A_18 = arith.constant 0 : i32
      %dma_wait3A_19 = arith.constant 0 : i32
      %dma_wait3A_20 = tpu.memref_slice %arg5[%arg1, %dma_wait3A_18, %dma_wait3A_19] : memref<16x80x128xi32, #tpu.memory_space<hbm>> -> memref<1x80x128xi32, #tpu.memory_space<hbm>>
      %dma_wait3A_21 = tpu.memref_squeeze %dma_wait3A_20 : memref<1x80x128xi32, #tpu.memory_space<hbm>> -> memref<80x128xi32, #tpu.memory_space<hbm>>
      tpu.wait_dma2 semaphore(%run_scoped3A : memref<!tpu.dma_semaphore, #tpu.memory_space<semaphore_mem>>) src(%dma_wait3A_21 : memref<80x128xi32, #tpu.memory_space<hbm>>) dst(%arg9 : memref<80x128xi32, #tpu.memory_space<vmem>>)
      tpu.yield
    }) : () -> ()
    %mul3A = arith.constant 640 : i32
    %mul3A_0 = arith.muli %arg1, %mul3A : i32
    "tpu.region"() ({
      %run_scoped3A = tpu.sem_alloc : memref<!tpu.dma_semaphore, #tpu.memory_space<semaphore_mem>>
      %dma_start3A = arith.constant 0 : i32
      %dma_start3A_8 = tpu.memref_slice %arg14[%mul3A_0, %dma_start3A] : memref<10240x128xf32, #tpu.memory_space<vmem_shared>> -> memref<640x128xf32, #tpu.memory_space<vmem_shared>>
      %dma_start3A_9 = arith.constant 0 : i32
      %dma_start3A_10 = tpu.memref_slice %arg6[%mul3A_0, %dma_start3A_9] : memref<10240x128xf32, #tpu.memory_space<hbm>> -> memref<640x128xf32, #tpu.memory_space<hbm>>
      tpu.enqueue_dma source(%dma_start3A_10 : memref<640x128xf32, #tpu.memory_space<hbm>>) target(%dma_start3A_8 : memref<640x128xf32, #tpu.memory_space<vmem_shared>>) target_semaphore(%run_scoped3A : memref<!tpu.dma_semaphore, #tpu.memory_space<semaphore_mem>>)
      %dma_wait3A = arith.constant 0 : i32
      %dma_wait3A_11 = tpu.memref_slice %arg14[%mul3A_0, %dma_wait3A] : memref<10240x128xf32, #tpu.memory_space<vmem_shared>> -> memref<640x128xf32, #tpu.memory_space<vmem_shared>>
      %dma_wait3A_12 = arith.constant 0 : i32
      %dma_wait3A_13 = tpu.memref_slice %arg6[%mul3A_0, %dma_wait3A_12] : memref<10240x128xf32, #tpu.memory_space<hbm>> -> memref<640x128xf32, #tpu.memory_space<hbm>>
      tpu.wait_dma2 semaphore(%run_scoped3A : memref<!tpu.dma_semaphore, #tpu.memory_space<semaphore_mem>>) src(%dma_wait3A_13 : memref<640x128xf32, #tpu.memory_space<hbm>>) dst(%dma_wait3A_11 : memref<640x128xf32, #tpu.memory_space<vmem_shared>>)
      tpu.yield
    }) : () -> ()
    %barrier3A = arith.constant 0 : index
    tpu.barrier barrier_id(%barrier3A)
    %eq3A = arith.constant 0 : i32
    %eq3A_1 = arith.cmpi eq, %arg0, %eq3A : i32
    %convert_element_type3A = arith.extui %eq3A_1 : i1 to i32
    %cond3A = arith.constant 0 : i32
    %cond3A_2 = arith.cmpi ne, %convert_element_type3A, %cond3A : i32
    scf.if %cond3A_2 {
      %dma_start3A = arith.constant 0 : i32
      %dma_start3A_8 = arith.constant 0 : i32
      %dma_start3A_9 = tpu.memref_slice %arg10[%dma_start3A, %dma_start3A_8] : memref<8x128xi32, #tpu.memory_space<vmem>> -> memref<1x128xi32, #tpu.memory_space<vmem>>
      %dma_start3A_10 = tpu.memref_squeeze %dma_start3A_9 : memref<1x128xi32, #tpu.memory_space<vmem>> -> memref<128xi32, #tpu.memory_space<vmem>>
      %dma_start3A_11 = arith.constant 0 : i32
      %dma_start3A_12 = tpu.memref_slice %arg4[%arg1, %dma_start3A_11] : memref<16x10240xi32, #tpu.memory_space<hbm>> -> memref<1x128xi32, #tpu.memory_space<hbm>>
      %dma_start3A_13 = tpu.memref_squeeze %dma_start3A_12 : memref<1x128xi32, #tpu.memory_space<hbm>> -> memref<128xi32, #tpu.memory_space<hbm>>
      %dma_start3A_14 = arith.constant 0 : i32
      %dma_start3A_15 = tpu.memref_slice %arg10[%dma_start3A, %dma_start3A_14] : memref<8x128xi32, #tpu.memory_space<vmem>> -> memref<1x128xi32, #tpu.memory_space<vmem>>
      %dma_start3A_16 = tpu.memref_squeeze %dma_start3A_15 : memref<1x128xi32, #tpu.memory_space<vmem>> -> memref<128xi32, #tpu.memory_space<vmem>>
      %dma_start3A_17 = arith.constant 0 : i32
      %dma_start3A_18 = tpu.memref_slice %arg4[%arg1, %dma_start3A_17] : memref<16x10240xi32, #tpu.memory_space<hbm>> -> memref<1x128xi32, #tpu.memory_space<hbm>>
      %dma_start3A_19 = tpu.memref_squeeze %dma_start3A_18 : memref<1x128xi32, #tpu.memory_space<hbm>> -> memref<128xi32, #tpu.memory_space<hbm>>
      tpu.enqueue_dma source(%dma_start3A_19 : memref<128xi32, #tpu.memory_space<hbm>>) target(%dma_start3A_16 : memref<128xi32, #tpu.memory_space<vmem>>) target_semaphore(%arg15 : memref<!tpu.dma_semaphore, #tpu.memory_space<semaphore_mem>>)
      %dma_wait3A = arith.constant 0 : i32
      %dma_wait3A_20 = arith.constant 0 : i32
      %dma_wait3A_21 = tpu.memref_slice %arg10[%dma_wait3A, %dma_wait3A_20] : memref<8x128xi32, #tpu.memory_space<vmem>> -> memref<1x128xi32, #tpu.memory_space<vmem>>
      %dma_wait3A_22 = tpu.memref_squeeze %dma_wait3A_21 : memref<1x128xi32, #tpu.memory_space<vmem>> -> memref<128xi32, #tpu.memory_space<vmem>>
      %dma_wait3A_23 = arith.constant 0 : i32
      %dma_wait3A_24 = tpu.memref_slice %arg4[%arg1, %dma_wait3A_23] : memref<16x10240xi32, #tpu.memory_space<hbm>> -> memref<1x128xi32, #tpu.memory_space<hbm>>
      %dma_wait3A_25 = tpu.memref_squeeze %dma_wait3A_24 : memref<1x128xi32, #tpu.memory_space<hbm>> -> memref<128xi32, #tpu.memory_space<hbm>>
      %dma_wait3A_26 = arith.constant 0 : i32
      %dma_wait3A_27 = tpu.memref_slice %arg10[%dma_wait3A, %dma_wait3A_26] : memref<8x128xi32, #tpu.memory_space<vmem>> -> memref<1x128xi32, #tpu.memory_space<vmem>>
      %dma_wait3A_28 = tpu.memref_squeeze %dma_wait3A_27 : memref<1x128xi32, #tpu.memory_space<vmem>> -> memref<128xi32, #tpu.memory_space<vmem>>
      %dma_wait3A_29 = arith.constant 0 : i32
      %dma_wait3A_30 = tpu.memref_slice %arg4[%arg1, %dma_wait3A_29] : memref<16x10240xi32, #tpu.memory_space<hbm>> -> memref<1x128xi32, #tpu.memory_space<hbm>>
      %dma_wait3A_31 = tpu.memref_squeeze %dma_wait3A_30 : memref<1x128xi32, #tpu.memory_space<hbm>> -> memref<128xi32, #tpu.memory_space<hbm>>
      tpu.wait_dma2 semaphore(%arg15 : memref<!tpu.dma_semaphore, #tpu.memory_space<semaphore_mem>>) src(%dma_wait3A_31 : memref<128xi32, #tpu.memory_space<hbm>>) dst(%dma_wait3A_28 : memref<128xi32, #tpu.memory_space<vmem>>)
      %dma_start3A_32 = arith.constant 0 : i32
      %dma_start3A_33 = arith.constant 0 : i32
      %dma_start3A_34 = tpu.memref_slice %arg10[%dma_start3A_32, %dma_start3A_33] : memref<8x128xi32, #tpu.memory_space<vmem>> -> memref<1x128xi32, #tpu.memory_space<vmem>>
      %dma_start3A_35 = tpu.memref_squeeze %dma_start3A_34 : memref<1x128xi32, #tpu.memory_space<vmem>> -> memref<128xi32, #tpu.memory_space<vmem>>
      %dma_start3A_36 = arith.constant 0 : i32
      %dma_start3A_37 = arith.constant 0 : i32
      %dma_start3A_38 = tpu.memref_slice %arg2[%dma_start3A_36, %dma_start3A_37] : memref<10000x128xf32, #tpu.memory_space<hbm>> -> memref<10000x128xf32, #tpu.memory_space<hbm>>
      tpu.enqueue_indirect_dma source(%dma_start3A_38 : memref<10000x128xf32, #tpu.memory_space<hbm>>) target(%arg12 : memref<128x128xf32, #tpu.memory_space<vmem>>) offsets(%dma_start3A_35 : memref<128xi32, #tpu.memory_space<vmem>>) semaphore(%arg17 : memref<!tpu.dma_semaphore, #tpu.memory_space<semaphore_mem>>)
      %dma_start3A_39 = arith.constant 0 : i32
      %dma_start3A_40 = arith.constant 0 : i32
      %dma_start3A_41 = tpu.memref_slice %arg11[%dma_start3A_39, %dma_start3A_40] : memref<8x128xi32, #tpu.memory_space<vmem>> -> memref<1x128xi32, #tpu.memory_space<vmem>>
      %dma_start3A_42 = tpu.memref_squeeze %dma_start3A_41 : memref<1x128xi32, #tpu.memory_space<vmem>> -> memref<128xi32, #tpu.memory_space<vmem>>
      %dma_start3A_43 = arith.constant 128 : i32
      %dma_start3A_44 = tpu.memref_slice %arg4[%arg1, %dma_start3A_43] : memref<16x10240xi32, #tpu.memory_space<hbm>> -> memref<1x128xi32, #tpu.memory_space<hbm>>
      %dma_start3A_45 = tpu.memref_squeeze %dma_start3A_44 : memref<1x128xi32, #tpu.memory_space<hbm>> -> memref<128xi32, #tpu.memory_space<hbm>>
      %dma_start3A_46 = arith.constant 0 : i32
      %dma_start3A_47 = tpu.memref_slice %arg11[%dma_start3A_39, %dma_start3A_46] : memref<8x128xi32, #tpu.memory_space<vmem>> -> memref<1x128xi32, #tpu.memory_space<vmem>>
      %dma_start3A_48 = tpu.memref_squeeze %dma_start3A_47 : memref<1x128xi32, #tpu.memory_space<vmem>> -> memref<128xi32, #tpu.memory_space<vmem>>
      %dma_start3A_49 = arith.constant 128 : i32
      %dma_start3A_50 = tpu.memref_slice %arg4[%arg1, %dma_start3A_49] : memref<16x10240xi32, #tpu.memory_space<hbm>> -> memref<1x128xi32, #tpu.memory_space<hbm>>
      %dma_start3A_51 = tpu.memref_squeeze %dma_start3A_50 : memref<1x128xi32, #tpu.memory_space<hbm>> -> memref<128xi32, #tpu.memory_space<hbm>>
      tpu.enqueue_dma source(%dma_start3A_51 : memref<128xi32, #tpu.memory_space<hbm>>) target(%dma_start3A_48 : memref<128xi32, #tpu.memory_space<vmem>>) target_semaphore(%arg16 : memref<!tpu.dma_semaphore, #tpu.memory_space<semaphore_mem>>)
      %scan3A = arith.constant 0 : i32
      %scan3A_52 = arith.constant 0 : i32
      %scan3A_53 = arith.constant 39 : i32
      %scan3A_54 = arith.addi %scan3A_52, %scan3A_53 : i32
      %scan3A_55 = arith.constant 1 : i32
      scf.for %scan3A_93 = %scan3A_52 to %scan3A_54 step %scan3A_55  : i32 {
        %mul3A_94 = arith.constant 2 : i32
        %mul3A_95 = arith.muli %mul3A_94, %scan3A_93 : i32
        %dma_wait3A_96 = arith.constant 0 : i32
        %dma_wait3A_97 = arith.constant 0 : i32
        %dma_wait3A_98 = tpu.memref_slice %arg11[%dma_wait3A_96, %dma_wait3A_97] : memref<8x128xi32, #tpu.memory_space<vmem>> -> memref<1x128xi32, #tpu.memory_space<vmem>>
        %dma_wait3A_99 = tpu.memref_squeeze %dma_wait3A_98 : memref<1x128xi32, #tpu.memory_space<vmem>> -> memref<128xi32, #tpu.memory_space<vmem>>
        %dma_wait3A_100 = arith.constant 0 : i32
        %dma_wait3A_101 = tpu.memref_slice %arg4[%arg1, %dma_wait3A_100] : memref<16x10240xi32, #tpu.memory_space<hbm>> -> memref<1x128xi32, #tpu.memory_space<hbm>>
        %dma_wait3A_102 = tpu.memref_squeeze %dma_wait3A_101 : memref<1x128xi32, #tpu.memory_space<hbm>> -> memref<128xi32, #tpu.memory_space<hbm>>
        %dma_wait3A_103 = arith.constant 0 : i32
        %dma_wait3A_104 = tpu.memref_slice %arg11[%dma_wait3A_96, %dma_wait3A_103] : memref<8x128xi32, #tpu.memory_space<vmem>> -> memref<1x128xi32, #tpu.memory_space<vmem>>
        %dma_wait3A_105 = tpu.memref_squeeze %dma_wait3A_104 : memref<1x128xi32, #tpu.memory_space<vmem>> -> memref<128xi32, #tpu.memory_space<vmem>>
        %dma_wait3A_106 = arith.constant 0 : i32
        %dma_wait3A_107 = tpu.memref_slice %arg4[%arg1, %dma_wait3A_106] : memref<16x10240xi32, #tpu.memory_space<hbm>> -> memref<1x128xi32, #tpu.memory_space<hbm>>
        %dma_wait3A_108 = tpu.memref_squeeze %dma_wait3A_107 : memref<1x128xi32, #tpu.memory_space<hbm>> -> memref<128xi32, #tpu.memory_space<hbm>>
        tpu.wait_dma2 semaphore(%arg16 : memref<!tpu.dma_semaphore, #tpu.memory_space<semaphore_mem>>) src(%dma_wait3A_108 : memref<128xi32, #tpu.memory_space<hbm>>) dst(%dma_wait3A_105 : memref<128xi32, #tpu.memory_space<vmem>>)
        %dma_wait3A_109 = arith.constant 0 : i32
        %dma_wait3A_110 = arith.constant 0 : i32
        %dma_wait3A_111 = tpu.memref_slice %arg10[%dma_wait3A_109, %dma_wait3A_110] : memref<8x128xi32, #tpu.memory_space<vmem>> -> memref<1x128xi32, #tpu.memory_space<vmem>>
        %dma_wait3A_112 = tpu.memref_squeeze %dma_wait3A_111 : memref<1x128xi32, #tpu.memory_space<vmem>> -> memref<128xi32, #tpu.memory_space<vmem>>
        %dma_wait3A_113 = arith.constant 0 : i32
        %dma_wait3A_114 = arith.constant 0 : i32
        %dma_wait3A_115 = tpu.memref_slice %arg2[%dma_wait3A_113, %dma_wait3A_114] : memref<10000x128xf32, #tpu.memory_space<hbm>> -> memref<10000x128xf32, #tpu.memory_space<hbm>>
        tpu.wait_indirect_dma semaphore(%arg17 : memref<!tpu.dma_semaphore, #tpu.memory_space<semaphore_mem>>) src(%dma_wait3A_115 : memref<10000x128xf32, #tpu.memory_space<hbm>>) dst(%arg12 : memref<128x128xf32, #tpu.memory_space<vmem>>)
        %dma_start3A_116 = arith.constant 0 : i32
        %dma_start3A_117 = arith.constant 0 : i32
        %dma_start3A_118 = tpu.memref_slice %arg11[%dma_start3A_116, %dma_start3A_117] : memref<8x128xi32, #tpu.memory_space<vmem>> -> memref<1x128xi32, #tpu.memory_space<vmem>>
        %dma_start3A_119 = tpu.memref_squeeze %dma_start3A_118 : memref<1x128xi32, #tpu.memory_space<vmem>> -> memref<128xi32, #tpu.memory_space<vmem>>
        %dma_start3A_120 = arith.constant 0 : i32
        %dma_start3A_121 = arith.constant 0 : i32
        %dma_start3A_122 = tpu.memref_slice %arg2[%dma_start3A_120, %dma_start3A_121] : memref<10000x128xf32, #tpu.memory_space<hbm>> -> memref<10000x128xf32, #tpu.memory_space<hbm>>
        tpu.enqueue_indirect_dma source(%dma_start3A_122 : memref<10000x128xf32, #tpu.memory_space<hbm>>) target(%arg13 : memref<128x128xf32, #tpu.memory_space<vmem>>) offsets(%dma_start3A_119 : memref<128xi32, #tpu.memory_space<vmem>>) semaphore(%arg18 : memref<!tpu.dma_semaphore, #tpu.memory_space<semaphore_mem>>)
        "tpu.region"() ({
          %run_scoped3A_181 = tpu.sem_alloc : memref<!tpu.dma_semaphore, #tpu.memory_space<semaphore_mem>>
          %dma_start3A_182 = arith.constant 0 : i32
          %dma_start3A_183 = tpu.memref_slice %arg9[%mul3A_95, %dma_start3A_182] : memref<80x128xi32, #tpu.memory_space<vmem>> -> memref<1x128xi32, #tpu.memory_space<vmem>>
          %dma_start3A_184 = tpu.memref_squeeze %dma_start3A_183 : memref<1x128xi32, #tpu.memory_space<vmem>> -> memref<128xi32, #tpu.memory_space<vmem>>
          %dma_start3A_185 = arith.constant 0 : i32
          %dma_start3A_186 = arith.constant 0 : i32
          %dma_start3A_187 = tpu.memref_slice %arg14[%dma_start3A_185, %dma_start3A_186] : memref<10240x128xf32, #tpu.memory_space<vmem_shared>> -> memref<10240x128xf32, #tpu.memory_space<vmem_shared>>
          tpu.enqueue_indirect_dma source(%arg12 : memref<128x128xf32, #tpu.memory_space<vmem>>) target(%dma_start3A_187 : memref<10240x128xf32, #tpu.memory_space<vmem_shared>>) offsets(%dma_start3A_184 : memref<128xi32, #tpu.memory_space<vmem>>) semaphore(%run_scoped3A_181 : memref<!tpu.dma_semaphore, #tpu.memory_space<semaphore_mem>>) {add = true}
          %dma_wait3A_188 = arith.constant 0 : i32
          %dma_wait3A_189 = tpu.memref_slice %arg9[%mul3A_95, %dma_wait3A_188] : memref<80x128xi32, #tpu.memory_space<vmem>> -> memref<1x128xi32, #tpu.memory_space<vmem>>
          %dma_wait3A_190 = tpu.memref_squeeze %dma_wait3A_189 : memref<1x128xi32, #tpu.memory_space<vmem>> -> memref<128xi32, #tpu.memory_space<vmem>>
          %dma_wait3A_191 = arith.constant 0 : i32
          %dma_wait3A_192 = arith.constant 0 : i32
          %dma_wait3A_193 = tpu.memref_slice %arg14[%dma_wait3A_191, %dma_wait3A_192] : memref<10240x128xf32, #tpu.memory_space<vmem_shared>> -> memref<10240x128xf32, #tpu.memory_space<vmem_shared>>
          tpu.wait_indirect_dma semaphore(%run_scoped3A_181 : memref<!tpu.dma_semaphore, #tpu.memory_space<semaphore_mem>>) src(%arg12 : memref<128x128xf32, #tpu.memory_space<vmem>>) dst(%dma_wait3A_193 : memref<10240x128xf32, #tpu.memory_space<vmem_shared>>)
          tpu.yield
        }) : () -> ()
        %add3A = arith.constant 2 : i32
        %add3A_123 = arith.addi %mul3A_95, %add3A : i32
        %mul3A_124 = arith.constant 128 : i32
        %mul3A_125 = arith.muli %add3A_123, %mul3A_124 : i32
        %dma_start3A_126 = arith.constant 0 : i32
        %dma_start3A_127 = arith.constant 0 : i32
        %dma_start3A_128 = tpu.memref_slice %arg10[%dma_start3A_126, %dma_start3A_127] : memref<8x128xi32, #tpu.memory_space<vmem>> -> memref<1x128xi32, #tpu.memory_space<vmem>>
        %dma_start3A_129 = tpu.memref_squeeze %dma_start3A_128 : memref<1x128xi32, #tpu.memory_space<vmem>> -> memref<128xi32, #tpu.memory_space<vmem>>
        %dma_start3A_130 = tpu.memref_slice %arg4[%arg1, %mul3A_125] : memref<16x10240xi32, #tpu.memory_space<hbm>> -> memref<1x128xi32, #tpu.memory_space<hbm>>
        %dma_start3A_131 = tpu.memref_squeeze %dma_start3A_130 : memref<1x128xi32, #tpu.memory_space<hbm>> -> memref<128xi32, #tpu.memory_space<hbm>>
        %dma_start3A_132 = arith.constant 0 : i32
        %dma_start3A_133 = tpu.memref_slice %arg10[%dma_start3A_126, %dma_start3A_132] : memref<8x128xi32, #tpu.memory_space<vmem>> -> memref<1x128xi32, #tpu.memory_space<vmem>>
        %dma_start3A_134 = tpu.memref_squeeze %dma_start3A_133 : memref<1x128xi32, #tpu.memory_space<vmem>> -> memref<128xi32, #tpu.memory_space<vmem>>
        %dma_start3A_135 = tpu.memref_slice %arg4[%arg1, %mul3A_125] : memref<16x10240xi32, #tpu.memory_space<hbm>> -> memref<1x128xi32, #tpu.memory_space<hbm>>
        %dma_start3A_136 = tpu.memref_squeeze %dma_start3A_135 : memref<1x128xi32, #tpu.memory_space<hbm>> -> memref<128xi32, #tpu.memory_space<hbm>>
        tpu.enqueue_dma source(%dma_start3A_136 : memref<128xi32, #tpu.memory_space<hbm>>) target(%dma_start3A_134 : memref<128xi32, #tpu.memory_space<vmem>>) target_semaphore(%arg15 : memref<!tpu.dma_semaphore, #tpu.memory_space<semaphore_mem>>)
        %dma_wait3A_137 = arith.constant 0 : i32
        %dma_wait3A_138 = arith.constant 0 : i32
        %dma_wait3A_139 = tpu.memref_slice %arg10[%dma_wait3A_137, %dma_wait3A_138] : memref<8x128xi32, #tpu.memory_space<vmem>> -> memref<1x128xi32, #tpu.memory_space<vmem>>
        %dma_wait3A_140 = tpu.memref_squeeze %dma_wait3A_139 : memref<1x128xi32, #tpu.memory_space<vmem>> -> memref<128xi32, #tpu.memory_space<vmem>>
        %dma_wait3A_141 = arith.constant 0 : i32
        %dma_wait3A_142 = arith.constant 0 : i32
        %dma_wait3A_143 = tpu.memref_slice %arg2[%dma_wait3A_141, %dma_wait3A_142] : memref<10000x128xf32, #tpu.memory_space<hbm>> -> memref<10000x128xf32, #tpu.memory_space<hbm>>
        tpu.wait_indirect_dma semaphore(%arg18 : memref<!tpu.dma_semaphore, #tpu.memory_space<semaphore_mem>>) src(%dma_wait3A_143 : memref<10000x128xf32, #tpu.memory_space<hbm>>) dst(%arg13 : memref<128x128xf32, #tpu.memory_space<vmem>>)
        %dma_wait3A_144 = arith.constant 0 : i32
        %dma_wait3A_145 = arith.constant 0 : i32
        %dma_wait3A_146 = tpu.memref_slice %arg10[%dma_wait3A_144, %dma_wait3A_145] : memref<8x128xi32, #tpu.memory_space<vmem>> -> memref<1x128xi32, #tpu.memory_space<vmem>>
        %dma_wait3A_147 = tpu.memref_squeeze %dma_wait3A_146 : memref<1x128xi32, #tpu.memory_space<vmem>> -> memref<128xi32, #tpu.memory_space<vmem>>
        %dma_wait3A_148 = arith.constant 0 : i32
        %dma_wait3A_149 = tpu.memref_slice %arg4[%arg1, %dma_wait3A_148] : memref<16x10240xi32, #tpu.memory_space<hbm>> -> memref<1x128xi32, #tpu.memory_space<hbm>>
        %dma_wait3A_150 = tpu.memref_squeeze %dma_wait3A_149 : memref<1x128xi32, #tpu.memory_space<hbm>> -> memref<128xi32, #tpu.memory_space<hbm>>
        %dma_wait3A_151 = arith.constant 0 : i32
        %dma_wait3A_152 = tpu.memref_slice %arg10[%dma_wait3A_144, %dma_wait3A_151] : memref<8x128xi32, #tpu.memory_space<vmem>> -> memref<1x128xi32, #tpu.memory_space<vmem>>
        %dma_wait3A_153 = tpu.memref_squeeze %dma_wait3A_152 : memref<1x128xi32, #tpu.memory_space<vmem>> -> memref<128xi32, #tpu.memory_space<vmem>>
        %dma_wait3A_154 = arith.constant 0 : i32
        %dma_wait3A_155 = tpu.memref_slice %arg4[%arg1, %dma_wait3A_154] : memref<16x10240xi32, #tpu.memory_space<hbm>> -> memref<1x128xi32, #tpu.memory_space<hbm>>
        %dma_wait3A_156 = tpu.memref_squeeze %dma_wait3A_155 : memref<1x128xi32, #tpu.memory_space<hbm>> -> memref<128xi32, #tpu.memory_space<hbm>>
        tpu.wait_dma2 semaphore(%arg15 : memref<!tpu.dma_semaphore, #tpu.memory_space<semaphore_mem>>) src(%dma_wait3A_156 : memref<128xi32, #tpu.memory_space<hbm>>) dst(%dma_wait3A_153 : memref<128xi32, #tpu.memory_space<vmem>>)
        %dma_start3A_157 = arith.constant 0 : i32
        %dma_start3A_158 = arith.constant 0 : i32
        %dma_start3A_159 = tpu.memref_slice %arg10[%dma_start3A_157, %dma_start3A_158] : memref<8x128xi32, #tpu.memory_space<vmem>> -> memref<1x128xi32, #tpu.memory_space<vmem>>
        %dma_start3A_160 = tpu.memref_squeeze %dma_start3A_159 : memref<1x128xi32, #tpu.memory_space<vmem>> -> memref<128xi32, #tpu.memory_space<vmem>>
        %dma_start3A_161 = arith.constant 0 : i32
        %dma_start3A_162 = arith.constant 0 : i32
        %dma_start3A_163 = tpu.memref_slice %arg2[%dma_start3A_161, %dma_start3A_162] : memref<10000x128xf32, #tpu.memory_space<hbm>> -> memref<10000x128xf32, #tpu.memory_space<hbm>>
        tpu.enqueue_indirect_dma source(%dma_start3A_163 : memref<10000x128xf32, #tpu.memory_space<hbm>>) target(%arg12 : memref<128x128xf32, #tpu.memory_space<vmem>>) offsets(%dma_start3A_160 : memref<128xi32, #tpu.memory_space<vmem>>) semaphore(%arg17 : memref<!tpu.dma_semaphore, #tpu.memory_space<semaphore_mem>>)
        %add3A_164 = arith.constant 1 : i32
        %add3A_165 = arith.addi %mul3A_95, %add3A_164 : i32
        "tpu.region"() ({
          %run_scoped3A_181 = tpu.sem_alloc : memref<!tpu.dma_semaphore, #tpu.memory_space<semaphore_mem>>
          %dma_start3A_182 = arith.constant 0 : i32
          %dma_start3A_183 = tpu.memref_slice %arg9[%add3A_165, %dma_start3A_182] : memref<80x128xi32, #tpu.memory_space<vmem>> -> memref<1x128xi32, #tpu.memory_space<vmem>>
          %dma_start3A_184 = tpu.memref_squeeze %dma_start3A_183 : memref<1x128xi32, #tpu.memory_space<vmem>> -> memref<128xi32, #tpu.memory_space<vmem>>
          %dma_start3A_185 = arith.constant 0 : i32
          %dma_start3A_186 = arith.constant 0 : i32
          %dma_start3A_187 = tpu.memref_slice %arg14[%dma_start3A_185, %dma_start3A_186] : memref<10240x128xf32, #tpu.memory_space<vmem_shared>> -> memref<10240x128xf32, #tpu.memory_space<vmem_shared>>
          tpu.enqueue_indirect_dma source(%arg13 : memref<128x128xf32, #tpu.memory_space<vmem>>) target(%dma_start3A_187 : memref<10240x128xf32, #tpu.memory_space<vmem_shared>>) offsets(%dma_start3A_184 : memref<128xi32, #tpu.memory_space<vmem>>) semaphore(%run_scoped3A_181 : memref<!tpu.dma_semaphore, #tpu.memory_space<semaphore_mem>>) {add = true}
          %dma_wait3A_188 = arith.constant 0 : i32
          %dma_wait3A_189 = tpu.memref_slice %arg9[%add3A_165, %dma_wait3A_188] : memref<80x128xi32, #tpu.memory_space<vmem>> -> memref<1x128xi32, #tpu.memory_space<vmem>>
          %dma_wait3A_190 = tpu.memref_squeeze %dma_wait3A_189 : memref<1x128xi32, #tpu.memory_space<vmem>> -> memref<128xi32, #tpu.memory_space<vmem>>
          %dma_wait3A_191 = arith.constant 0 : i32
          %dma_wait3A_192 = arith.constant 0 : i32
          %dma_wait3A_193 = tpu.memref_slice %arg14[%dma_wait3A_191, %dma_wait3A_192] : memref<10240x128xf32, #tpu.memory_space<vmem_shared>> -> memref<10240x128xf32, #tpu.memory_space<vmem_shared>>
          tpu.wait_indirect_dma semaphore(%run_scoped3A_181 : memref<!tpu.dma_semaphore, #tpu.memory_space<semaphore_mem>>) src(%arg13 : memref<128x128xf32, #tpu.memory_space<vmem>>) dst(%dma_wait3A_193 : memref<10240x128xf32, #tpu.memory_space<vmem_shared>>)
          tpu.yield
        }) : () -> ()
        %add3A_166 = arith.constant 3 : i32
        %add3A_167 = arith.addi %mul3A_95, %add3A_166 : i32
        %mul3A_168 = arith.constant 128 : i32
        %mul3A_169 = arith.muli %add3A_167, %mul3A_168 : i32
        %dma_start3A_170 = arith.constant 0 : i32
        %dma_start3A_171 = arith.constant 0 : i32
        %dma_start3A_172 = tpu.memref_slice %arg11[%dma_start3A_170, %dma_start3A_171] : memref<8x128xi32, #tpu.memory_space<vmem>> -> memref<1x128xi32, #tpu.memory_space<vmem>>
        %dma_start3A_173 = tpu.memref_squeeze %dma_start3A_172 : memref<1x128xi32, #tpu.memory_space<vmem>> -> memref<128xi32, #tpu.memory_space<vmem>>
        %dma_start3A_174 = tpu.memref_slice %arg4[%arg1, %mul3A_169] : memref<16x10240xi32, #tpu.memory_space<hbm>> -> memref<1x128xi32, #tpu.memory_space<hbm>>
        %dma_start3A_175 = tpu.memref_squeeze %dma_start3A_174 : memref<1x128xi32, #tpu.memory_space<hbm>> -> memref<128xi32, #tpu.memory_space<hbm>>
        %dma_start3A_176 = arith.constant 0 : i32
        %dma_start3A_177 = tpu.memref_slice %arg11[%dma_start3A_170, %dma_start3A_176] : memref<8x128xi32, #tpu.memory_space<vmem>> -> memref<1x128xi32, #tpu.memory_space<vmem>>
        %dma_start3A_178 = tpu.memref_squeeze %dma_start3A_177 : memref<1x128xi32, #tpu.memory_space<vmem>> -> memref<128xi32, #tpu.memory_space<vmem>>
        %dma_start3A_179 = tpu.memref_slice %arg4[%arg1, %mul3A_169] : memref<16x10240xi32, #tpu.memory_space<hbm>> -> memref<1x128xi32, #tpu.memory_space<hbm>>
        %dma_start3A_180 = tpu.memref_squeeze %dma_start3A_179 : memref<1x128xi32, #tpu.memory_space<hbm>> -> memref<128xi32, #tpu.memory_space<hbm>>
        tpu.enqueue_dma source(%dma_start3A_180 : memref<128xi32, #tpu.memory_space<hbm>>) target(%dma_start3A_178 : memref<128xi32, #tpu.memory_space<vmem>>) target_semaphore(%arg16 : memref<!tpu.dma_semaphore, #tpu.memory_space<semaphore_mem>>)
      }
      %scan3A_56 = arith.constant 39 : i32
      %dma_wait3A_57 = arith.constant 0 : i32
      %dma_wait3A_58 = arith.constant 0 : i32
      %dma_wait3A_59 = tpu.memref_slice %arg11[%dma_wait3A_57, %dma_wait3A_58] : memref<8x128xi32, #tpu.memory_space<vmem>> -> memref<1x128xi32, #tpu.memory_space<vmem>>
      %dma_wait3A_60 = tpu.memref_squeeze %dma_wait3A_59 : memref<1x128xi32, #tpu.memory_space<vmem>> -> memref<128xi32, #tpu.memory_space<vmem>>
      %dma_wait3A_61 = arith.constant 0 : i32
      %dma_wait3A_62 = tpu.memref_slice %arg4[%arg1, %dma_wait3A_61] : memref<16x10240xi32, #tpu.memory_space<hbm>> -> memref<1x128xi32, #tpu.memory_space<hbm>>
      %dma_wait3A_63 = tpu.memref_squeeze %dma_wait3A_62 : memref<1x128xi32, #tpu.memory_space<hbm>> -> memref<128xi32, #tpu.memory_space<hbm>>
      %dma_wait3A_64 = arith.constant 0 : i32
      %dma_wait3A_65 = tpu.memref_slice %arg11[%dma_wait3A_57, %dma_wait3A_64] : memref<8x128xi32, #tpu.memory_space<vmem>> -> memref<1x128xi32, #tpu.memory_space<vmem>>
      %dma_wait3A_66 = tpu.memref_squeeze %dma_wait3A_65 : memref<1x128xi32, #tpu.memory_space<vmem>> -> memref<128xi32, #tpu.memory_space<vmem>>
      %dma_wait3A_67 = arith.constant 0 : i32
      %dma_wait3A_68 = tpu.memref_slice %arg4[%arg1, %dma_wait3A_67] : memref<16x10240xi32, #tpu.memory_space<hbm>> -> memref<1x128xi32, #tpu.memory_space<hbm>>
      %dma_wait3A_69 = tpu.memref_squeeze %dma_wait3A_68 : memref<1x128xi32, #tpu.memory_space<hbm>> -> memref<128xi32, #tpu.memory_space<hbm>>
      tpu.wait_dma2 semaphore(%arg16 : memref<!tpu.dma_semaphore, #tpu.memory_space<semaphore_mem>>) src(%dma_wait3A_69 : memref<128xi32, #tpu.memory_space<hbm>>) dst(%dma_wait3A_66 : memref<128xi32, #tpu.memory_space<vmem>>)
      %dma_wait3A_70 = arith.constant 0 : i32
      %dma_wait3A_71 = arith.constant 0 : i32
      %dma_wait3A_72 = tpu.memref_slice %arg10[%dma_wait3A_70, %dma_wait3A_71] : memref<8x128xi32, #tpu.memory_space<vmem>> -> memref<1x128xi32, #tpu.memory_space<vmem>>
      %dma_wait3A_73 = tpu.memref_squeeze %dma_wait3A_72 : memref<1x128xi32, #tpu.memory_space<vmem>> -> memref<128xi32, #tpu.memory_space<vmem>>
      %dma_wait3A_74 = arith.constant 0 : i32
      %dma_wait3A_75 = arith.constant 0 : i32
      %dma_wait3A_76 = tpu.memref_slice %arg2[%dma_wait3A_74, %dma_wait3A_75] : memref<10000x128xf32, #tpu.memory_space<hbm>> -> memref<10000x128xf32, #tpu.memory_space<hbm>>
      tpu.wait_indirect_dma semaphore(%arg17 : memref<!tpu.dma_semaphore, #tpu.memory_space<semaphore_mem>>) src(%dma_wait3A_76 : memref<10000x128xf32, #tpu.memory_space<hbm>>) dst(%arg12 : memref<128x128xf32, #tpu.memory_space<vmem>>)
      %dma_start3A_77 = arith.constant 0 : i32
      %dma_start3A_78 = arith.constant 0 : i32
      %dma_start3A_79 = tpu.memref_slice %arg11[%dma_start3A_77, %dma_start3A_78] : memref<8x128xi32, #tpu.memory_space<vmem>> -> memref<1x128xi32, #tpu.memory_space<vmem>>
      %dma_start3A_80 = tpu.memref_squeeze %dma_start3A_79 : memref<1x128xi32, #tpu.memory_space<vmem>> -> memref<128xi32, #tpu.memory_space<vmem>>
      %dma_start3A_81 = arith.constant 0 : i32
      %dma_start3A_82 = arith.constant 0 : i32
      %dma_start3A_83 = tpu.memref_slice %arg2[%dma_start3A_81, %dma_start3A_82] : memref<10000x128xf32, #tpu.memory_space<hbm>> -> memref<10000x128xf32, #tpu.memory_space<hbm>>
      tpu.enqueue_indirect_dma source(%dma_start3A_83 : memref<10000x128xf32, #tpu.memory_space<hbm>>) target(%arg13 : memref<128x128xf32, #tpu.memory_space<vmem>>) offsets(%dma_start3A_80 : memref<128xi32, #tpu.memory_space<vmem>>) semaphore(%arg18 : memref<!tpu.dma_semaphore, #tpu.memory_space<semaphore_mem>>)
      %run_scoped3A = arith.constant 78 : i32
      "tpu.region"() ({
        %run_scoped3A_93 = tpu.sem_alloc : memref<!tpu.dma_semaphore, #tpu.memory_space<semaphore_mem>>
        %dma_start3A_94 = arith.constant 0 : i32
        %dma_start3A_95 = tpu.memref_slice %arg9[%run_scoped3A, %dma_start3A_94] : memref<80x128xi32, #tpu.memory_space<vmem>> -> memref<1x128xi32, #tpu.memory_space<vmem>>
        %dma_start3A_96 = tpu.memref_squeeze %dma_start3A_95 : memref<1x128xi32, #tpu.memory_space<vmem>> -> memref<128xi32, #tpu.memory_space<vmem>>
        %dma_start3A_97 = arith.constant 0 : i32
        %dma_start3A_98 = arith.constant 0 : i32
        %dma_start3A_99 = tpu.memref_slice %arg14[%dma_start3A_97, %dma_start3A_98] : memref<10240x128xf32, #tpu.memory_space<vmem_shared>> -> memref<10240x128xf32, #tpu.memory_space<vmem_shared>>
        tpu.enqueue_indirect_dma source(%arg12 : memref<128x128xf32, #tpu.memory_space<vmem>>) target(%dma_start3A_99 : memref<10240x128xf32, #tpu.memory_space<vmem_shared>>) offsets(%dma_start3A_96 : memref<128xi32, #tpu.memory_space<vmem>>) semaphore(%run_scoped3A_93 : memref<!tpu.dma_semaphore, #tpu.memory_space<semaphore_mem>>) {add = true}
        %dma_wait3A_100 = arith.constant 0 : i32
        %dma_wait3A_101 = tpu.memref_slice %arg9[%run_scoped3A, %dma_wait3A_100] : memref<80x128xi32, #tpu.memory_space<vmem>> -> memref<1x128xi32, #tpu.memory_space<vmem>>
        %dma_wait3A_102 = tpu.memref_squeeze %dma_wait3A_101 : memref<1x128xi32, #tpu.memory_space<vmem>> -> memref<128xi32, #tpu.memory_space<vmem>>
        %dma_wait3A_103 = arith.constant 0 : i32
        %dma_wait3A_104 = arith.constant 0 : i32
        %dma_wait3A_105 = tpu.memref_slice %arg14[%dma_wait3A_103, %dma_wait3A_104] : memref<10240x128xf32, #tpu.memory_space<vmem_shared>> -> memref<10240x128xf32, #tpu.memory_space<vmem_shared>>
        tpu.wait_indirect_dma semaphore(%run_scoped3A_93 : memref<!tpu.dma_semaphore, #tpu.memory_space<semaphore_mem>>) src(%arg12 : memref<128x128xf32, #tpu.memory_space<vmem>>) dst(%dma_wait3A_105 : memref<10240x128xf32, #tpu.memory_space<vmem_shared>>)
        tpu.yield
      }) : () -> ()
      %dma_wait3A_84 = arith.constant 0 : i32
      %dma_wait3A_85 = arith.constant 0 : i32
      %dma_wait3A_86 = tpu.memref_slice %arg10[%dma_wait3A_84, %dma_wait3A_85] : memref<8x128xi32, #tpu.memory_space<vmem>> -> memref<1x128xi32, #tpu.memory_space<vmem>>
      %dma_wait3A_87 = tpu.memref_squeeze %dma_wait3A_86 : memref<1x128xi32, #tpu.memory_space<vmem>> -> memref<128xi32, #tpu.memory_space<vmem>>
      %dma_wait3A_88 = arith.constant 0 : i32
      %dma_wait3A_89 = arith.constant 0 : i32
      %dma_wait3A_90 = tpu.memref_slice %arg2[%dma_wait3A_88, %dma_wait3A_89] : memref<10000x128xf32, #tpu.memory_space<hbm>> -> memref<10000x128xf32, #tpu.memory_space<hbm>>
      tpu.wait_indirect_dma semaphore(%arg18 : memref<!tpu.dma_semaphore, #tpu.memory_space<semaphore_mem>>) src(%dma_wait3A_90 : memref<10000x128xf32, #tpu.memory_space<hbm>>) dst(%arg13 : memref<128x128xf32, #tpu.memory_space<vmem>>)
      %run_scoped3A_91 = arith.constant 79 : i32
      "tpu.region"() ({
        %run_scoped3A_93 = tpu.sem_alloc : memref<!tpu.dma_semaphore, #tpu.memory_space<semaphore_mem>>
        %dma_start3A_94 = arith.constant 0 : i32
        %dma_start3A_95 = tpu.memref_slice %arg9[%run_scoped3A_91, %dma_start3A_94] : memref<80x128xi32, #tpu.memory_space<vmem>> -> memref<1x128xi32, #tpu.memory_space<vmem>>
        %dma_start3A_96 = tpu.memref_squeeze %dma_start3A_95 : memref<1x128xi32, #tpu.memory_space<vmem>> -> memref<128xi32, #tpu.memory_space<vmem>>
        %dma_start3A_97 = arith.constant 0 : i32
        %dma_start3A_98 = arith.constant 0 : i32
        %dma_start3A_99 = tpu.memref_slice %arg14[%dma_start3A_97, %dma_start3A_98] : memref<10240x128xf32, #tpu.memory_space<vmem_shared>> -> memref<10240x128xf32, #tpu.memory_space<vmem_shared>>
        tpu.enqueue_indirect_dma source(%arg13 : memref<128x128xf32, #tpu.memory_space<vmem>>) target(%dma_start3A_99 : memref<10240x128xf32, #tpu.memory_space<vmem_shared>>) offsets(%dma_start3A_96 : memref<128xi32, #tpu.memory_space<vmem>>) semaphore(%run_scoped3A_93 : memref<!tpu.dma_semaphore, #tpu.memory_space<semaphore_mem>>) {add = true}
        %dma_wait3A_100 = arith.constant 0 : i32
        %dma_wait3A_101 = tpu.memref_slice %arg9[%run_scoped3A_91, %dma_wait3A_100] : memref<80x128xi32, #tpu.memory_space<vmem>> -> memref<1x128xi32, #tpu.memory_space<vmem>>
        %dma_wait3A_102 = tpu.memref_squeeze %dma_wait3A_101 : memref<1x128xi32, #tpu.memory_space<vmem>> -> memref<128xi32, #tpu.memory_space<vmem>>
        %dma_wait3A_103 = arith.constant 0 : i32
        %dma_wait3A_104 = arith.constant 0 : i32
        %dma_wait3A_105 = tpu.memref_slice %arg14[%dma_wait3A_103, %dma_wait3A_104] : memref<10240x128xf32, #tpu.memory_space<vmem_shared>> -> memref<10240x128xf32, #tpu.memory_space<vmem_shared>>
        tpu.wait_indirect_dma semaphore(%run_scoped3A_93 : memref<!tpu.dma_semaphore, #tpu.memory_space<semaphore_mem>>) src(%arg13 : memref<128x128xf32, #tpu.memory_space<vmem>>) dst(%dma_wait3A_105 : memref<10240x128xf32, #tpu.memory_space<vmem_shared>>)
        tpu.yield
      }) : () -> ()
      %barrier3A_92 = arith.constant 0 : index
      tpu.barrier barrier_id(%barrier3A_92)
      "tpu.region"() ({
        %run_scoped3A_93 = tpu.sem_alloc : memref<!tpu.dma_semaphore, #tpu.memory_space<semaphore_mem>>
        %dma_start3A_94 = arith.constant 0 : i32
        %dma_start3A_95 = tpu.memref_slice %arg7[%mul3A_0, %dma_start3A_94] : memref<10240x128xf32, #tpu.memory_space<hbm>> -> memref<640x128xf32, #tpu.memory_space<hbm>>
        %dma_start3A_96 = arith.constant 0 : i32
        %dma_start3A_97 = tpu.memref_slice %arg14[%mul3A_0, %dma_start3A_96] : memref<10240x128xf32, #tpu.memory_space<vmem_shared>> -> memref<640x128xf32, #tpu.memory_space<vmem_shared>>
        tpu.enqueue_dma source(%dma_start3A_97 : memref<640x128xf32, #tpu.memory_space<vmem_shared>>) target(%dma_start3A_95 : memref<640x128xf32, #tpu.memory_space<hbm>>) target_semaphore(%run_scoped3A_93 : memref<!tpu.dma_semaphore, #tpu.memory_space<semaphore_mem>>)
        %dma_wait3A_98 = arith.constant 0 : i32
        %dma_wait3A_99 = tpu.memref_slice %arg7[%mul3A_0, %dma_wait3A_98] : memref<10240x128xf32, #tpu.memory_space<hbm>> -> memref<640x128xf32, #tpu.memory_space<hbm>>
        %dma_wait3A_100 = arith.constant 0 : i32
        %dma_wait3A_101 = tpu.memref_slice %arg14[%mul3A_0, %dma_wait3A_100] : memref<10240x128xf32, #tpu.memory_space<vmem_shared>> -> memref<640x128xf32, #tpu.memory_space<vmem_shared>>
        tpu.wait_dma2 semaphore(%run_scoped3A_93 : memref<!tpu.dma_semaphore, #tpu.memory_space<semaphore_mem>>) src(%dma_wait3A_101 : memref<640x128xf32, #tpu.memory_space<vmem_shared>>) dst(%dma_wait3A_99 : memref<640x128xf32, #tpu.memory_space<hbm>>)
        tpu.yield
      }) : () -> ()
    } else {
    }
    %eq3A_3 = arith.constant 1 : i32
    %eq3A_4 = arith.cmpi eq, %arg0, %eq3A_3 : i32
    %convert_element_type3A_5 = arith.extui %eq3A_4 : i1 to i32
    %cond3A_6 = arith.constant 0 : i32
    %cond3A_7 = arith.cmpi ne, %convert_element_type3A_5, %cond3A_6 : i32
    scf.if %cond3A_7 {
      %dma_start3A = arith.constant 0 : i32
      %dma_start3A_8 = arith.constant 0 : i32
      %dma_start3A_9 = tpu.memref_slice %arg10[%dma_start3A, %dma_start3A_8] : memref<8x128xi32, #tpu.memory_space<vmem>> -> memref<1x128xi32, #tpu.memory_space<vmem>>
      %dma_start3A_10 = tpu.memref_squeeze %dma_start3A_9 : memref<1x128xi32, #tpu.memory_space<vmem>> -> memref<128xi32, #tpu.memory_space<vmem>>
      %dma_start3A_11 = arith.constant 0 : i32
      %dma_start3A_12 = tpu.memref_slice %arg4[%arg1, %dma_start3A_11] : memref<16x10240xi32, #tpu.memory_space<hbm>> -> memref<1x128xi32, #tpu.memory_space<hbm>>
      %dma_start3A_13 = tpu.memref_squeeze %dma_start3A_12 : memref<1x128xi32, #tpu.memory_space<hbm>> -> memref<128xi32, #tpu.memory_space<hbm>>
      %dma_start3A_14 = arith.constant 0 : i32
      %dma_start3A_15 = tpu.memref_slice %arg10[%dma_start3A, %dma_start3A_14] : memref<8x128xi32, #tpu.memory_space<vmem>> -> memref<1x128xi32, #tpu.memory_space<vmem>>
      %dma_start3A_16 = tpu.memref_squeeze %dma_start3A_15 : memref<1x128xi32, #tpu.memory_space<vmem>> -> memref<128xi32, #tpu.memory_space<vmem>>
      %dma_start3A_17 = arith.constant 0 : i32
      %dma_start3A_18 = tpu.memref_slice %arg4[%arg1, %dma_start3A_17] : memref<16x10240xi32, #tpu.memory_space<hbm>> -> memref<1x128xi32, #tpu.memory_space<hbm>>
      %dma_start3A_19 = tpu.memref_squeeze %dma_start3A_18 : memref<1x128xi32, #tpu.memory_space<hbm>> -> memref<128xi32, #tpu.memory_space<hbm>>
      tpu.enqueue_dma source(%dma_start3A_19 : memref<128xi32, #tpu.memory_space<hbm>>) target(%dma_start3A_16 : memref<128xi32, #tpu.memory_space<vmem>>) target_semaphore(%arg15 : memref<!tpu.dma_semaphore, #tpu.memory_space<semaphore_mem>>)
      %dma_wait3A = arith.constant 0 : i32
      %dma_wait3A_20 = arith.constant 0 : i32
      %dma_wait3A_21 = tpu.memref_slice %arg10[%dma_wait3A, %dma_wait3A_20] : memref<8x128xi32, #tpu.memory_space<vmem>> -> memref<1x128xi32, #tpu.memory_space<vmem>>
      %dma_wait3A_22 = tpu.memref_squeeze %dma_wait3A_21 : memref<1x128xi32, #tpu.memory_space<vmem>> -> memref<128xi32, #tpu.memory_space<vmem>>
      %dma_wait3A_23 = arith.constant 0 : i32
      %dma_wait3A_24 = tpu.memref_slice %arg4[%arg1, %dma_wait3A_23] : memref<16x10240xi32, #tpu.memory_space<hbm>> -> memref<1x128xi32, #tpu.memory_space<hbm>>
      %dma_wait3A_25 = tpu.memref_squeeze %dma_wait3A_24 : memref<1x128xi32, #tpu.memory_space<hbm>> -> memref<128xi32, #tpu.memory_space<hbm>>
      %dma_wait3A_26 = arith.constant 0 : i32
      %dma_wait3A_27 = tpu.memref_slice %arg10[%dma_wait3A, %dma_wait3A_26] : memref<8x128xi32, #tpu.memory_space<vmem>> -> memref<1x128xi32, #tpu.memory_space<vmem>>
      %dma_wait3A_28 = tpu.memref_squeeze %dma_wait3A_27 : memref<1x128xi32, #tpu.memory_space<vmem>> -> memref<128xi32, #tpu.memory_space<vmem>>
      %dma_wait3A_29 = arith.constant 0 : i32
      %dma_wait3A_30 = tpu.memref_slice %arg4[%arg1, %dma_wait3A_29] : memref<16x10240xi32, #tpu.memory_space<hbm>> -> memref<1x128xi32, #tpu.memory_space<hbm>>
      %dma_wait3A_31 = tpu.memref_squeeze %dma_wait3A_30 : memref<1x128xi32, #tpu.memory_space<hbm>> -> memref<128xi32, #tpu.memory_space<hbm>>
      tpu.wait_dma2 semaphore(%arg15 : memref<!tpu.dma_semaphore, #tpu.memory_space<semaphore_mem>>) src(%dma_wait3A_31 : memref<128xi32, #tpu.memory_space<hbm>>) dst(%dma_wait3A_28 : memref<128xi32, #tpu.memory_space<vmem>>)
      %dma_start3A_32 = arith.constant 0 : i32
      %dma_start3A_33 = arith.constant 0 : i32
      %dma_start3A_34 = tpu.memref_slice %arg10[%dma_start3A_32, %dma_start3A_33] : memref<8x128xi32, #tpu.memory_space<vmem>> -> memref<1x128xi32, #tpu.memory_space<vmem>>
      %dma_start3A_35 = tpu.memref_squeeze %dma_start3A_34 : memref<1x128xi32, #tpu.memory_space<vmem>> -> memref<128xi32, #tpu.memory_space<vmem>>
      %dma_start3A_36 = arith.constant 0 : i32
      %dma_start3A_37 = arith.constant 0 : i32
      %dma_start3A_38 = tpu.memref_slice %arg3[%dma_start3A_36, %dma_start3A_37] : memref<10000x128xf32, #tpu.memory_space<hbm>> -> memref<10000x128xf32, #tpu.memory_space<hbm>>
      tpu.enqueue_indirect_dma source(%dma_start3A_38 : memref<10000x128xf32, #tpu.memory_space<hbm>>) target(%arg12 : memref<128x128xf32, #tpu.memory_space<vmem>>) offsets(%dma_start3A_35 : memref<128xi32, #tpu.memory_space<vmem>>) semaphore(%arg17 : memref<!tpu.dma_semaphore, #tpu.memory_space<semaphore_mem>>)
      %dma_start3A_39 = arith.constant 0 : i32
      %dma_start3A_40 = arith.constant 0 : i32
      %dma_start3A_41 = tpu.memref_slice %arg11[%dma_start3A_39, %dma_start3A_40] : memref<8x128xi32, #tpu.memory_space<vmem>> -> memref<1x128xi32, #tpu.memory_space<vmem>>
      %dma_start3A_42 = tpu.memref_squeeze %dma_start3A_41 : memref<1x128xi32, #tpu.memory_space<vmem>> -> memref<128xi32, #tpu.memory_space<vmem>>
      %dma_start3A_43 = arith.constant 128 : i32
      %dma_start3A_44 = tpu.memref_slice %arg4[%arg1, %dma_start3A_43] : memref<16x10240xi32, #tpu.memory_space<hbm>> -> memref<1x128xi32, #tpu.memory_space<hbm>>
      %dma_start3A_45 = tpu.memref_squeeze %dma_start3A_44 : memref<1x128xi32, #tpu.memory_space<hbm>> -> memref<128xi32, #tpu.memory_space<hbm>>
      %dma_start3A_46 = arith.constant 0 : i32
      %dma_start3A_47 = tpu.memref_slice %arg11[%dma_start3A_39, %dma_start3A_46] : memref<8x128xi32, #tpu.memory_space<vmem>> -> memref<1x128xi32, #tpu.memory_space<vmem>>
      %dma_start3A_48 = tpu.memref_squeeze %dma_start3A_47 : memref<1x128xi32, #tpu.memory_space<vmem>> -> memref<128xi32, #tpu.memory_space<vmem>>
      %dma_start3A_49 = arith.constant 128 : i32
      %dma_start3A_50 = tpu.memref_slice %arg4[%arg1, %dma_start3A_49] : memref<16x10240xi32, #tpu.memory_space<hbm>> -> memref<1x128xi32, #tpu.memory_space<hbm>>
      %dma_start3A_51 = tpu.memref_squeeze %dma_start3A_50 : memref<1x128xi32, #tpu.memory_space<hbm>> -> memref<128xi32, #tpu.memory_space<hbm>>
      tpu.enqueue_dma source(%dma_start3A_51 : memref<128xi32, #tpu.memory_space<hbm>>) target(%dma_start3A_48 : memref<128xi32, #tpu.memory_space<vmem>>) target_semaphore(%arg16 : memref<!tpu.dma_semaphore, #tpu.memory_space<semaphore_mem>>)
      %scan3A = arith.constant 0 : i32
      %scan3A_52 = arith.constant 0 : i32
      %scan3A_53 = arith.constant 39 : i32
      %scan3A_54 = arith.addi %scan3A_52, %scan3A_53 : i32
      %scan3A_55 = arith.constant 1 : i32
      scf.for %scan3A_93 = %scan3A_52 to %scan3A_54 step %scan3A_55  : i32 {
        %mul3A_94 = arith.constant 2 : i32
        %mul3A_95 = arith.muli %mul3A_94, %scan3A_93 : i32
        %dma_wait3A_96 = arith.constant 0 : i32
        %dma_wait3A_97 = arith.constant 0 : i32
        %dma_wait3A_98 = tpu.memref_slice %arg11[%dma_wait3A_96, %dma_wait3A_97] : memref<8x128xi32, #tpu.memory_space<vmem>> -> memref<1x128xi32, #tpu.memory_space<vmem>>
        %dma_wait3A_99 = tpu.memref_squeeze %dma_wait3A_98 : memref<1x128xi32, #tpu.memory_space<vmem>> -> memref<128xi32, #tpu.memory_space<vmem>>
        %dma_wait3A_100 = arith.constant 0 : i32
        %dma_wait3A_101 = tpu.memref_slice %arg4[%arg1, %dma_wait3A_100] : memref<16x10240xi32, #tpu.memory_space<hbm>> -> memref<1x128xi32, #tpu.memory_space<hbm>>
        %dma_wait3A_102 = tpu.memref_squeeze %dma_wait3A_101 : memref<1x128xi32, #tpu.memory_space<hbm>> -> memref<128xi32, #tpu.memory_space<hbm>>
        %dma_wait3A_103 = arith.constant 0 : i32
        %dma_wait3A_104 = tpu.memref_slice %arg11[%dma_wait3A_96, %dma_wait3A_103] : memref<8x128xi32, #tpu.memory_space<vmem>> -> memref<1x128xi32, #tpu.memory_space<vmem>>
        %dma_wait3A_105 = tpu.memref_squeeze %dma_wait3A_104 : memref<1x128xi32, #tpu.memory_space<vmem>> -> memref<128xi32, #tpu.memory_space<vmem>>
        %dma_wait3A_106 = arith.constant 0 : i32
        %dma_wait3A_107 = tpu.memref_slice %arg4[%arg1, %dma_wait3A_106] : memref<16x10240xi32, #tpu.memory_space<hbm>> -> memref<1x128xi32, #tpu.memory_space<hbm>>
        %dma_wait3A_108 = tpu.memref_squeeze %dma_wait3A_107 : memref<1x128xi32, #tpu.memory_space<hbm>> -> memref<128xi32, #tpu.memory_space<hbm>>
        tpu.wait_dma2 semaphore(%arg16 : memref<!tpu.dma_semaphore, #tpu.memory_space<semaphore_mem>>) src(%dma_wait3A_108 : memref<128xi32, #tpu.memory_space<hbm>>) dst(%dma_wait3A_105 : memref<128xi32, #tpu.memory_space<vmem>>)
        %dma_wait3A_109 = arith.constant 0 : i32
        %dma_wait3A_110 = arith.constant 0 : i32
        %dma_wait3A_111 = tpu.memref_slice %arg10[%dma_wait3A_109, %dma_wait3A_110] : memref<8x128xi32, #tpu.memory_space<vmem>> -> memref<1x128xi32, #tpu.memory_space<vmem>>
        %dma_wait3A_112 = tpu.memref_squeeze %dma_wait3A_111 : memref<1x128xi32, #tpu.memory_space<vmem>> -> memref<128xi32, #tpu.memory_space<vmem>>
        %dma_wait3A_113 = arith.constant 0 : i32
        %dma_wait3A_114 = arith.constant 0 : i32
        %dma_wait3A_115 = tpu.memref_slice %arg3[%dma_wait3A_113, %dma_wait3A_114] : memref<10000x128xf32, #tpu.memory_space<hbm>> -> memref<10000x128xf32, #tpu.memory_space<hbm>>
        tpu.wait_indirect_dma semaphore(%arg17 : memref<!tpu.dma_semaphore, #tpu.memory_space<semaphore_mem>>) src(%dma_wait3A_115 : memref<10000x128xf32, #tpu.memory_space<hbm>>) dst(%arg12 : memref<128x128xf32, #tpu.memory_space<vmem>>)
        %dma_start3A_116 = arith.constant 0 : i32
        %dma_start3A_117 = arith.constant 0 : i32
        %dma_start3A_118 = tpu.memref_slice %arg11[%dma_start3A_116, %dma_start3A_117] : memref<8x128xi32, #tpu.memory_space<vmem>> -> memref<1x128xi32, #tpu.memory_space<vmem>>
        %dma_start3A_119 = tpu.memref_squeeze %dma_start3A_118 : memref<1x128xi32, #tpu.memory_space<vmem>> -> memref<128xi32, #tpu.memory_space<vmem>>
        %dma_start3A_120 = arith.constant 0 : i32
        %dma_start3A_121 = arith.constant 0 : i32
        %dma_start3A_122 = tpu.memref_slice %arg3[%dma_start3A_120, %dma_start3A_121] : memref<10000x128xf32, #tpu.memory_space<hbm>> -> memref<10000x128xf32, #tpu.memory_space<hbm>>
        tpu.enqueue_indirect_dma source(%dma_start3A_122 : memref<10000x128xf32, #tpu.memory_space<hbm>>) target(%arg13 : memref<128x128xf32, #tpu.memory_space<vmem>>) offsets(%dma_start3A_119 : memref<128xi32, #tpu.memory_space<vmem>>) semaphore(%arg18 : memref<!tpu.dma_semaphore, #tpu.memory_space<semaphore_mem>>)
        "tpu.region"() ({
          %run_scoped3A_181 = tpu.sem_alloc : memref<!tpu.dma_semaphore, #tpu.memory_space<semaphore_mem>>
          %dma_start3A_182 = arith.constant 0 : i32
          %dma_start3A_183 = tpu.memref_slice %arg9[%mul3A_95, %dma_start3A_182] : memref<80x128xi32, #tpu.memory_space<vmem>> -> memref<1x128xi32, #tpu.memory_space<vmem>>
          %dma_start3A_184 = tpu.memref_squeeze %dma_start3A_183 : memref<1x128xi32, #tpu.memory_space<vmem>> -> memref<128xi32, #tpu.memory_space<vmem>>
          %dma_start3A_185 = arith.constant 0 : i32
          %dma_start3A_186 = arith.constant 0 : i32
          %dma_start3A_187 = tpu.memref_slice %arg14[%dma_start3A_185, %dma_start3A_186] : memref<10240x128xf32, #tpu.memory_space<vmem_shared>> -> memref<10240x128xf32, #tpu.memory_space<vmem_shared>>
          tpu.enqueue_indirect_dma source(%arg12 : memref<128x128xf32, #tpu.memory_space<vmem>>) target(%dma_start3A_187 : memref<10240x128xf32, #tpu.memory_space<vmem_shared>>) offsets(%dma_start3A_184 : memref<128xi32, #tpu.memory_space<vmem>>) semaphore(%run_scoped3A_181 : memref<!tpu.dma_semaphore, #tpu.memory_space<semaphore_mem>>) {add = true}
          %dma_wait3A_188 = arith.constant 0 : i32
          %dma_wait3A_189 = tpu.memref_slice %arg9[%mul3A_95, %dma_wait3A_188] : memref<80x128xi32, #tpu.memory_space<vmem>> -> memref<1x128xi32, #tpu.memory_space<vmem>>
          %dma_wait3A_190 = tpu.memref_squeeze %dma_wait3A_189 : memref<1x128xi32, #tpu.memory_space<vmem>> -> memref<128xi32, #tpu.memory_space<vmem>>
          %dma_wait3A_191 = arith.constant 0 : i32
          %dma_wait3A_192 = arith.constant 0 : i32
          %dma_wait3A_193 = tpu.memref_slice %arg14[%dma_wait3A_191, %dma_wait3A_192] : memref<10240x128xf32, #tpu.memory_space<vmem_shared>> -> memref<10240x128xf32, #tpu.memory_space<vmem_shared>>
          tpu.wait_indirect_dma semaphore(%run_scoped3A_181 : memref<!tpu.dma_semaphore, #tpu.memory_space<semaphore_mem>>) src(%arg12 : memref<128x128xf32, #tpu.memory_space<vmem>>) dst(%dma_wait3A_193 : memref<10240x128xf32, #tpu.memory_space<vmem_shared>>)
          tpu.yield
        }) : () -> ()
        %add3A = arith.constant 2 : i32
        %add3A_123 = arith.addi %mul3A_95, %add3A : i32
        %mul3A_124 = arith.constant 128 : i32
        %mul3A_125 = arith.muli %add3A_123, %mul3A_124 : i32
        %dma_start3A_126 = arith.constant 0 : i32
        %dma_start3A_127 = arith.constant 0 : i32
        %dma_start3A_128 = tpu.memref_slice %arg10[%dma_start3A_126, %dma_start3A_127] : memref<8x128xi32, #tpu.memory_space<vmem>> -> memref<1x128xi32, #tpu.memory_space<vmem>>
        %dma_start3A_129 = tpu.memref_squeeze %dma_start3A_128 : memref<1x128xi32, #tpu.memory_space<vmem>> -> memref<128xi32, #tpu.memory_space<vmem>>
        %dma_start3A_130 = tpu.memref_slice %arg4[%arg1, %mul3A_125] : memref<16x10240xi32, #tpu.memory_space<hbm>> -> memref<1x128xi32, #tpu.memory_space<hbm>>
        %dma_start3A_131 = tpu.memref_squeeze %dma_start3A_130 : memref<1x128xi32, #tpu.memory_space<hbm>> -> memref<128xi32, #tpu.memory_space<hbm>>
        %dma_start3A_132 = arith.constant 0 : i32
        %dma_start3A_133 = tpu.memref_slice %arg10[%dma_start3A_126, %dma_start3A_132] : memref<8x128xi32, #tpu.memory_space<vmem>> -> memref<1x128xi32, #tpu.memory_space<vmem>>
        %dma_start3A_134 = tpu.memref_squeeze %dma_start3A_133 : memref<1x128xi32, #tpu.memory_space<vmem>> -> memref<128xi32, #tpu.memory_space<vmem>>
        %dma_start3A_135 = tpu.memref_slice %arg4[%arg1, %mul3A_125] : memref<16x10240xi32, #tpu.memory_space<hbm>> -> memref<1x128xi32, #tpu.memory_space<hbm>>
        %dma_start3A_136 = tpu.memref_squeeze %dma_start3A_135 : memref<1x128xi32, #tpu.memory_space<hbm>> -> memref<128xi32, #tpu.memory_space<hbm>>
        tpu.enqueue_dma source(%dma_start3A_136 : memref<128xi32, #tpu.memory_space<hbm>>) target(%dma_start3A_134 : memref<128xi32, #tpu.memory_space<vmem>>) target_semaphore(%arg15 : memref<!tpu.dma_semaphore, #tpu.memory_space<semaphore_mem>>)
        %dma_wait3A_137 = arith.constant 0 : i32
        %dma_wait3A_138 = arith.constant 0 : i32
        %dma_wait3A_139 = tpu.memref_slice %arg10[%dma_wait3A_137, %dma_wait3A_138] : memref<8x128xi32, #tpu.memory_space<vmem>> -> memref<1x128xi32, #tpu.memory_space<vmem>>
        %dma_wait3A_140 = tpu.memref_squeeze %dma_wait3A_139 : memref<1x128xi32, #tpu.memory_space<vmem>> -> memref<128xi32, #tpu.memory_space<vmem>>
        %dma_wait3A_141 = arith.constant 0 : i32
        %dma_wait3A_142 = arith.constant 0 : i32
        %dma_wait3A_143 = tpu.memref_slice %arg3[%dma_wait3A_141, %dma_wait3A_142] : memref<10000x128xf32, #tpu.memory_space<hbm>> -> memref<10000x128xf32, #tpu.memory_space<hbm>>
        tpu.wait_indirect_dma semaphore(%arg18 : memref<!tpu.dma_semaphore, #tpu.memory_space<semaphore_mem>>) src(%dma_wait3A_143 : memref<10000x128xf32, #tpu.memory_space<hbm>>) dst(%arg13 : memref<128x128xf32, #tpu.memory_space<vmem>>)
        %dma_wait3A_144 = arith.constant 0 : i32
        %dma_wait3A_145 = arith.constant 0 : i32
        %dma_wait3A_146 = tpu.memref_slice %arg10[%dma_wait3A_144, %dma_wait3A_145] : memref<8x128xi32, #tpu.memory_space<vmem>> -> memref<1x128xi32, #tpu.memory_space<vmem>>
        %dma_wait3A_147 = tpu.memref_squeeze %dma_wait3A_146 : memref<1x128xi32, #tpu.memory_space<vmem>> -> memref<128xi32, #tpu.memory_space<vmem>>
        %dma_wait3A_148 = arith.constant 0 : i32
        %dma_wait3A_149 = tpu.memref_slice %arg4[%arg1, %dma_wait3A_148] : memref<16x10240xi32, #tpu.memory_space<hbm>> -> memref<1x128xi32, #tpu.memory_space<hbm>>
        %dma_wait3A_150 = tpu.memref_squeeze %dma_wait3A_149 : memref<1x128xi32, #tpu.memory_space<hbm>> -> memref<128xi32, #tpu.memory_space<hbm>>
        %dma_wait3A_151 = arith.constant 0 : i32
        %dma_wait3A_152 = tpu.memref_slice %arg10[%dma_wait3A_144, %dma_wait3A_151] : memref<8x128xi32, #tpu.memory_space<vmem>> -> memref<1x128xi32, #tpu.memory_space<vmem>>
        %dma_wait3A_153 = tpu.memref_squeeze %dma_wait3A_152 : memref<1x128xi32, #tpu.memory_space<vmem>> -> memref<128xi32, #tpu.memory_space<vmem>>
        %dma_wait3A_154 = arith.constant 0 : i32
        %dma_wait3A_155 = tpu.memref_slice %arg4[%arg1, %dma_wait3A_154] : memref<16x10240xi32, #tpu.memory_space<hbm>> -> memref<1x128xi32, #tpu.memory_space<hbm>>
        %dma_wait3A_156 = tpu.memref_squeeze %dma_wait3A_155 : memref<1x128xi32, #tpu.memory_space<hbm>> -> memref<128xi32, #tpu.memory_space<hbm>>
        tpu.wait_dma2 semaphore(%arg15 : memref<!tpu.dma_semaphore, #tpu.memory_space<semaphore_mem>>) src(%dma_wait3A_156 : memref<128xi32, #tpu.memory_space<hbm>>) dst(%dma_wait3A_153 : memref<128xi32, #tpu.memory_space<vmem>>)
        %dma_start3A_157 = arith.constant 0 : i32
        %dma_start3A_158 = arith.constant 0 : i32
        %dma_start3A_159 = tpu.memref_slice %arg10[%dma_start3A_157, %dma_start3A_158] : memref<8x128xi32, #tpu.memory_space<vmem>> -> memref<1x128xi32, #tpu.memory_space<vmem>>
        %dma_start3A_160 = tpu.memref_squeeze %dma_start3A_159 : memref<1x128xi32, #tpu.memory_space<vmem>> -> memref<128xi32, #tpu.memory_space<vmem>>
        %dma_start3A_161 = arith.constant 0 : i32
        %dma_start3A_162 = arith.constant 0 : i32
        %dma_start3A_163 = tpu.memref_slice %arg3[%dma_start3A_161, %dma_start3A_162] : memref<10000x128xf32, #tpu.memory_space<hbm>> -> memref<10000x128xf32, #tpu.memory_space<hbm>>
        tpu.enqueue_indirect_dma source(%dma_start3A_163 : memref<10000x128xf32, #tpu.memory_space<hbm>>) target(%arg12 : memref<128x128xf32, #tpu.memory_space<vmem>>) offsets(%dma_start3A_160 : memref<128xi32, #tpu.memory_space<vmem>>) semaphore(%arg17 : memref<!tpu.dma_semaphore, #tpu.memory_space<semaphore_mem>>)
        %add3A_164 = arith.constant 1 : i32
        %add3A_165 = arith.addi %mul3A_95, %add3A_164 : i32
        "tpu.region"() ({
          %run_scoped3A_181 = tpu.sem_alloc : memref<!tpu.dma_semaphore, #tpu.memory_space<semaphore_mem>>
          %dma_start3A_182 = arith.constant 0 : i32
          %dma_start3A_183 = tpu.memref_slice %arg9[%add3A_165, %dma_start3A_182] : memref<80x128xi32, #tpu.memory_space<vmem>> -> memref<1x128xi32, #tpu.memory_space<vmem>>
          %dma_start3A_184 = tpu.memref_squeeze %dma_start3A_183 : memref<1x128xi32, #tpu.memory_space<vmem>> -> memref<128xi32, #tpu.memory_space<vmem>>
          %dma_start3A_185 = arith.constant 0 : i32
          %dma_start3A_186 = arith.constant 0 : i32
          %dma_start3A_187 = tpu.memref_slice %arg14[%dma_start3A_185, %dma_start3A_186] : memref<10240x128xf32, #tpu.memory_space<vmem_shared>> -> memref<10240x128xf32, #tpu.memory_space<vmem_shared>>
          tpu.enqueue_indirect_dma source(%arg13 : memref<128x128xf32, #tpu.memory_space<vmem>>) target(%dma_start3A_187 : memref<10240x128xf32, #tpu.memory_space<vmem_shared>>) offsets(%dma_start3A_184 : memref<128xi32, #tpu.memory_space<vmem>>) semaphore(%run_scoped3A_181 : memref<!tpu.dma_semaphore, #tpu.memory_space<semaphore_mem>>) {add = true}
          %dma_wait3A_188 = arith.constant 0 : i32
          %dma_wait3A_189 = tpu.memref_slice %arg9[%add3A_165, %dma_wait3A_188] : memref<80x128xi32, #tpu.memory_space<vmem>> -> memref<1x128xi32, #tpu.memory_space<vmem>>
          %dma_wait3A_190 = tpu.memref_squeeze %dma_wait3A_189 : memref<1x128xi32, #tpu.memory_space<vmem>> -> memref<128xi32, #tpu.memory_space<vmem>>
          %dma_wait3A_191 = arith.constant 0 : i32
          %dma_wait3A_192 = arith.constant 0 : i32
          %dma_wait3A_193 = tpu.memref_slice %arg14[%dma_wait3A_191, %dma_wait3A_192] : memref<10240x128xf32, #tpu.memory_space<vmem_shared>> -> memref<10240x128xf32, #tpu.memory_space<vmem_shared>>
          tpu.wait_indirect_dma semaphore(%run_scoped3A_181 : memref<!tpu.dma_semaphore, #tpu.memory_space<semaphore_mem>>) src(%arg13 : memref<128x128xf32, #tpu.memory_space<vmem>>) dst(%dma_wait3A_193 : memref<10240x128xf32, #tpu.memory_space<vmem_shared>>)
          tpu.yield
        }) : () -> ()
        %add3A_166 = arith.constant 3 : i32
        %add3A_167 = arith.addi %mul3A_95, %add3A_166 : i32
        %mul3A_168 = arith.constant 128 : i32
        %mul3A_169 = arith.muli %add3A_167, %mul3A_168 : i32
        %dma_start3A_170 = arith.constant 0 : i32
        %dma_start3A_171 = arith.constant 0 : i32
        %dma_start3A_172 = tpu.memref_slice %arg11[%dma_start3A_170, %dma_start3A_171] : memref<8x128xi32, #tpu.memory_space<vmem>> -> memref<1x128xi32, #tpu.memory_space<vmem>>
        %dma_start3A_173 = tpu.memref_squeeze %dma_start3A_172 : memref<1x128xi32, #tpu.memory_space<vmem>> -> memref<128xi32, #tpu.memory_space<vmem>>
        %dma_start3A_174 = tpu.memref_slice %arg4[%arg1, %mul3A_169] : memref<16x10240xi32, #tpu.memory_space<hbm>> -> memref<1x128xi32, #tpu.memory_space<hbm>>
        %dma_start3A_175 = tpu.memref_squeeze %dma_start3A_174 : memref<1x128xi32, #tpu.memory_space<hbm>> -> memref<128xi32, #tpu.memory_space<hbm>>
        %dma_start3A_176 = arith.constant 0 : i32
        %dma_start3A_177 = tpu.memref_slice %arg11[%dma_start3A_170, %dma_start3A_176] : memref<8x128xi32, #tpu.memory_space<vmem>> -> memref<1x128xi32, #tpu.memory_space<vmem>>
        %dma_start3A_178 = tpu.memref_squeeze %dma_start3A_177 : memref<1x128xi32, #tpu.memory_space<vmem>> -> memref<128xi32, #tpu.memory_space<vmem>>
        %dma_start3A_179 = tpu.memref_slice %arg4[%arg1, %mul3A_169] : memref<16x10240xi32, #tpu.memory_space<hbm>> -> memref<1x128xi32, #tpu.memory_space<hbm>>
        %dma_start3A_180 = tpu.memref_squeeze %dma_start3A_179 : memref<1x128xi32, #tpu.memory_space<hbm>> -> memref<128xi32, #tpu.memory_space<hbm>>
        tpu.enqueue_dma source(%dma_start3A_180 : memref<128xi32, #tpu.memory_space<hbm>>) target(%dma_start3A_178 : memref<128xi32, #tpu.memory_space<vmem>>) target_semaphore(%arg16 : memref<!tpu.dma_semaphore, #tpu.memory_space<semaphore_mem>>)
      }
      %scan3A_56 = arith.constant 39 : i32
      %dma_wait3A_57 = arith.constant 0 : i32
      %dma_wait3A_58 = arith.constant 0 : i32
      %dma_wait3A_59 = tpu.memref_slice %arg11[%dma_wait3A_57, %dma_wait3A_58] : memref<8x128xi32, #tpu.memory_space<vmem>> -> memref<1x128xi32, #tpu.memory_space<vmem>>
      %dma_wait3A_60 = tpu.memref_squeeze %dma_wait3A_59 : memref<1x128xi32, #tpu.memory_space<vmem>> -> memref<128xi32, #tpu.memory_space<vmem>>
      %dma_wait3A_61 = arith.constant 0 : i32
      %dma_wait3A_62 = tpu.memref_slice %arg4[%arg1, %dma_wait3A_61] : memref<16x10240xi32, #tpu.memory_space<hbm>> -> memref<1x128xi32, #tpu.memory_space<hbm>>
      %dma_wait3A_63 = tpu.memref_squeeze %dma_wait3A_62 : memref<1x128xi32, #tpu.memory_space<hbm>> -> memref<128xi32, #tpu.memory_space<hbm>>
      %dma_wait3A_64 = arith.constant 0 : i32
      %dma_wait3A_65 = tpu.memref_slice %arg11[%dma_wait3A_57, %dma_wait3A_64] : memref<8x128xi32, #tpu.memory_space<vmem>> -> memref<1x128xi32, #tpu.memory_space<vmem>>
      %dma_wait3A_66 = tpu.memref_squeeze %dma_wait3A_65 : memref<1x128xi32, #tpu.memory_space<vmem>> -> memref<128xi32, #tpu.memory_space<vmem>>
      %dma_wait3A_67 = arith.constant 0 : i32
      %dma_wait3A_68 = tpu.memref_slice %arg4[%arg1, %dma_wait3A_67] : memref<16x10240xi32, #tpu.memory_space<hbm>> -> memref<1x128xi32, #tpu.memory_space<hbm>>
      %dma_wait3A_69 = tpu.memref_squeeze %dma_wait3A_68 : memref<1x128xi32, #tpu.memory_space<hbm>> -> memref<128xi32, #tpu.memory_space<hbm>>
      tpu.wait_dma2 semaphore(%arg16 : memref<!tpu.dma_semaphore, #tpu.memory_space<semaphore_mem>>) src(%dma_wait3A_69 : memref<128xi32, #tpu.memory_space<hbm>>) dst(%dma_wait3A_66 : memref<128xi32, #tpu.memory_space<vmem>>)
      %dma_wait3A_70 = arith.constant 0 : i32
      %dma_wait3A_71 = arith.constant 0 : i32
      %dma_wait3A_72 = tpu.memref_slice %arg10[%dma_wait3A_70, %dma_wait3A_71] : memref<8x128xi32, #tpu.memory_space<vmem>> -> memref<1x128xi32, #tpu.memory_space<vmem>>
      %dma_wait3A_73 = tpu.memref_squeeze %dma_wait3A_72 : memref<1x128xi32, #tpu.memory_space<vmem>> -> memref<128xi32, #tpu.memory_space<vmem>>
      %dma_wait3A_74 = arith.constant 0 : i32
      %dma_wait3A_75 = arith.constant 0 : i32
      %dma_wait3A_76 = tpu.memref_slice %arg3[%dma_wait3A_74, %dma_wait3A_75] : memref<10000x128xf32, #tpu.memory_space<hbm>> -> memref<10000x128xf32, #tpu.memory_space<hbm>>
      tpu.wait_indirect_dma semaphore(%arg17 : memref<!tpu.dma_semaphore, #tpu.memory_space<semaphore_mem>>) src(%dma_wait3A_76 : memref<10000x128xf32, #tpu.memory_space<hbm>>) dst(%arg12 : memref<128x128xf32, #tpu.memory_space<vmem>>)
      %dma_start3A_77 = arith.constant 0 : i32
      %dma_start3A_78 = arith.constant 0 : i32
      %dma_start3A_79 = tpu.memref_slice %arg11[%dma_start3A_77, %dma_start3A_78] : memref<8x128xi32, #tpu.memory_space<vmem>> -> memref<1x128xi32, #tpu.memory_space<vmem>>
      %dma_start3A_80 = tpu.memref_squeeze %dma_start3A_79 : memref<1x128xi32, #tpu.memory_space<vmem>> -> memref<128xi32, #tpu.memory_space<vmem>>
      %dma_start3A_81 = arith.constant 0 : i32
      %dma_start3A_82 = arith.constant 0 : i32
      %dma_start3A_83 = tpu.memref_slice %arg3[%dma_start3A_81, %dma_start3A_82] : memref<10000x128xf32, #tpu.memory_space<hbm>> -> memref<10000x128xf32, #tpu.memory_space<hbm>>
      tpu.enqueue_indirect_dma source(%dma_start3A_83 : memref<10000x128xf32, #tpu.memory_space<hbm>>) target(%arg13 : memref<128x128xf32, #tpu.memory_space<vmem>>) offsets(%dma_start3A_80 : memref<128xi32, #tpu.memory_space<vmem>>) semaphore(%arg18 : memref<!tpu.dma_semaphore, #tpu.memory_space<semaphore_mem>>)
      %run_scoped3A = arith.constant 78 : i32
      "tpu.region"() ({
        %run_scoped3A_93 = tpu.sem_alloc : memref<!tpu.dma_semaphore, #tpu.memory_space<semaphore_mem>>
        %dma_start3A_94 = arith.constant 0 : i32
        %dma_start3A_95 = tpu.memref_slice %arg9[%run_scoped3A, %dma_start3A_94] : memref<80x128xi32, #tpu.memory_space<vmem>> -> memref<1x128xi32, #tpu.memory_space<vmem>>
        %dma_start3A_96 = tpu.memref_squeeze %dma_start3A_95 : memref<1x128xi32, #tpu.memory_space<vmem>> -> memref<128xi32, #tpu.memory_space<vmem>>
        %dma_start3A_97 = arith.constant 0 : i32
        %dma_start3A_98 = arith.constant 0 : i32
        %dma_start3A_99 = tpu.memref_slice %arg14[%dma_start3A_97, %dma_start3A_98] : memref<10240x128xf32, #tpu.memory_space<vmem_shared>> -> memref<10240x128xf32, #tpu.memory_space<vmem_shared>>
        tpu.enqueue_indirect_dma source(%arg12 : memref<128x128xf32, #tpu.memory_space<vmem>>) target(%dma_start3A_99 : memref<10240x128xf32, #tpu.memory_space<vmem_shared>>) offsets(%dma_start3A_96 : memref<128xi32, #tpu.memory_space<vmem>>) semaphore(%run_scoped3A_93 : memref<!tpu.dma_semaphore, #tpu.memory_space<semaphore_mem>>) {add = true}
        %dma_wait3A_100 = arith.constant 0 : i32
        %dma_wait3A_101 = tpu.memref_slice %arg9[%run_scoped3A, %dma_wait3A_100] : memref<80x128xi32, #tpu.memory_space<vmem>> -> memref<1x128xi32, #tpu.memory_space<vmem>>
        %dma_wait3A_102 = tpu.memref_squeeze %dma_wait3A_101 : memref<1x128xi32, #tpu.memory_space<vmem>> -> memref<128xi32, #tpu.memory_space<vmem>>
        %dma_wait3A_103 = arith.constant 0 : i32
        %dma_wait3A_104 = arith.constant 0 : i32
        %dma_wait3A_105 = tpu.memref_slice %arg14[%dma_wait3A_103, %dma_wait3A_104] : memref<10240x128xf32, #tpu.memory_space<vmem_shared>> -> memref<10240x128xf32, #tpu.memory_space<vmem_shared>>
        tpu.wait_indirect_dma semaphore(%run_scoped3A_93 : memref<!tpu.dma_semaphore, #tpu.memory_space<semaphore_mem>>) src(%arg12 : memref<128x128xf32, #tpu.memory_space<vmem>>) dst(%dma_wait3A_105 : memref<10240x128xf32, #tpu.memory_space<vmem_shared>>)
        tpu.yield
      }) : () -> ()
      %dma_wait3A_84 = arith.constant 0 : i32
      %dma_wait3A_85 = arith.constant 0 : i32
      %dma_wait3A_86 = tpu.memref_slice %arg10[%dma_wait3A_84, %dma_wait3A_85] : memref<8x128xi32, #tpu.memory_space<vmem>> -> memref<1x128xi32, #tpu.memory_space<vmem>>
      %dma_wait3A_87 = tpu.memref_squeeze %dma_wait3A_86 : memref<1x128xi32, #tpu.memory_space<vmem>> -> memref<128xi32, #tpu.memory_space<vmem>>
      %dma_wait3A_88 = arith.constant 0 : i32
      %dma_wait3A_89 = arith.constant 0 : i32
      %dma_wait3A_90 = tpu.memref_slice %arg3[%dma_wait3A_88, %dma_wait3A_89] : memref<10000x128xf32, #tpu.memory_space<hbm>> -> memref<10000x128xf32, #tpu.memory_space<hbm>>
      tpu.wait_indirect_dma semaphore(%arg18 : memref<!tpu.dma_semaphore, #tpu.memory_space<semaphore_mem>>) src(%dma_wait3A_90 : memref<10000x128xf32, #tpu.memory_space<hbm>>) dst(%arg13 : memref<128x128xf32, #tpu.memory_space<vmem>>)
      %run_scoped3A_91 = arith.constant 79 : i32
      "tpu.region"() ({
        %run_scoped3A_93 = tpu.sem_alloc : memref<!tpu.dma_semaphore, #tpu.memory_space<semaphore_mem>>
        %dma_start3A_94 = arith.constant 0 : i32
        %dma_start3A_95 = tpu.memref_slice %arg9[%run_scoped3A_91, %dma_start3A_94] : memref<80x128xi32, #tpu.memory_space<vmem>> -> memref<1x128xi32, #tpu.memory_space<vmem>>
        %dma_start3A_96 = tpu.memref_squeeze %dma_start3A_95 : memref<1x128xi32, #tpu.memory_space<vmem>> -> memref<128xi32, #tpu.memory_space<vmem>>
        %dma_start3A_97 = arith.constant 0 : i32
        %dma_start3A_98 = arith.constant 0 : i32
        %dma_start3A_99 = tpu.memref_slice %arg14[%dma_start3A_97, %dma_start3A_98] : memref<10240x128xf32, #tpu.memory_space<vmem_shared>> -> memref<10240x128xf32, #tpu.memory_space<vmem_shared>>
        tpu.enqueue_indirect_dma source(%arg13 : memref<128x128xf32, #tpu.memory_space<vmem>>) target(%dma_start3A_99 : memref<10240x128xf32, #tpu.memory_space<vmem_shared>>) offsets(%dma_start3A_96 : memref<128xi32, #tpu.memory_space<vmem>>) semaphore(%run_scoped3A_93 : memref<!tpu.dma_semaphore, #tpu.memory_space<semaphore_mem>>) {add = true}
        %dma_wait3A_100 = arith.constant 0 : i32
        %dma_wait3A_101 = tpu.memref_slice %arg9[%run_scoped3A_91, %dma_wait3A_100] : memref<80x128xi32, #tpu.memory_space<vmem>> -> memref<1x128xi32, #tpu.memory_space<vmem>>
        %dma_wait3A_102 = tpu.memref_squeeze %dma_wait3A_101 : memref<1x128xi32, #tpu.memory_space<vmem>> -> memref<128xi32, #tpu.memory_space<vmem>>
        %dma_wait3A_103 = arith.constant 0 : i32
        %dma_wait3A_104 = arith.constant 0 : i32
        %dma_wait3A_105 = tpu.memref_slice %arg14[%dma_wait3A_103, %dma_wait3A_104] : memref<10240x128xf32, #tpu.memory_space<vmem_shared>> -> memref<10240x128xf32, #tpu.memory_space<vmem_shared>>
        tpu.wait_indirect_dma semaphore(%run_scoped3A_93 : memref<!tpu.dma_semaphore, #tpu.memory_space<semaphore_mem>>) src(%arg13 : memref<128x128xf32, #tpu.memory_space<vmem>>) dst(%dma_wait3A_105 : memref<10240x128xf32, #tpu.memory_space<vmem_shared>>)
        tpu.yield
      }) : () -> ()
      %barrier3A_92 = arith.constant 0 : index
      tpu.barrier barrier_id(%barrier3A_92)
      "tpu.region"() ({
        %run_scoped3A_93 = tpu.sem_alloc : memref<!tpu.dma_semaphore, #tpu.memory_space<semaphore_mem>>
        %dma_start3A_94 = arith.constant 0 : i32
        %dma_start3A_95 = tpu.memref_slice %arg8[%mul3A_0, %dma_start3A_94] : memref<10240x128xf32, #tpu.memory_space<hbm>> -> memref<640x128xf32, #tpu.memory_space<hbm>>
        %dma_start3A_96 = arith.constant 0 : i32
        %dma_start3A_97 = tpu.memref_slice %arg14[%mul3A_0, %dma_start3A_96] : memref<10240x128xf32, #tpu.memory_space<vmem_shared>> -> memref<640x128xf32, #tpu.memory_space<vmem_shared>>
        tpu.enqueue_dma source(%dma_start3A_97 : memref<640x128xf32, #tpu.memory_space<vmem_shared>>) target(%dma_start3A_95 : memref<640x128xf32, #tpu.memory_space<hbm>>) target_semaphore(%run_scoped3A_93 : memref<!tpu.dma_semaphore, #tpu.memory_space<semaphore_mem>>)
        %dma_wait3A_98 = arith.constant 0 : i32
        %dma_wait3A_99 = tpu.memref_slice %arg8[%mul3A_0, %dma_wait3A_98] : memref<10240x128xf32, #tpu.memory_space<hbm>> -> memref<640x128xf32, #tpu.memory_space<hbm>>
        %dma_wait3A_100 = arith.constant 0 : i32
        %dma_wait3A_101 = tpu.memref_slice %arg14[%mul3A_0, %dma_wait3A_100] : memref<10240x128xf32, #tpu.memory_space<vmem_shared>> -> memref<640x128xf32, #tpu.memory_space<vmem_shared>>
        tpu.wait_dma2 semaphore(%run_scoped3A_93 : memref<!tpu.dma_semaphore, #tpu.memory_space<semaphore_mem>>) src(%dma_wait3A_101 : memref<640x128xf32, #tpu.memory_space<vmem_shared>>) dst(%dma_wait3A_99 : memref<640x128xf32, #tpu.memory_space<hbm>>)
        tpu.yield
      }) : () -> ()
    } else {
    }
    return
  }
}

#map = affine_map<(d0, d1) -> (0, 0, 0)>
#map1 = affine_map<(d0, d1) -> (0, 0)>
module attributes {stable_mosaic.version = 14 : i64} {
  func.func @deg_sc(%arg0: i32, %arg1: i32, %arg2: memref<32x40x128xi32, #tpu.memory_space<hbm>>, %arg3: memref<128x128xf32, #tpu.memory_space<hbm>>, %arg4: memref<10240x128xf32, #tpu.memory_space<hbm>>, %arg5: memref<2x10240x128xf32, #tpu.memory_space<hbm>>, %arg6: memref<40x128xi32, #tpu.memory_space<vmem>>, %arg7: memref<128x128xf32, #tpu.memory_space<vmem>>, %arg8: memref<10240x128xf32, #tpu.memory_space<vmem_shared>>) attributes {dimension_semantics = [#tpu.dimension_semantics<core_parallel>, #tpu.dimension_semantics<subcore_parallel>], iteration_bounds = array<i64: 2, 16>, scalar_prefetch = 0 : i64, scratch_operands = 3 : i64, tpu.core_type = #tpu.core_type<sc_vector_subcore>, window_params = [{transform_indices = #map}, {transform_indices = #map1}, {transform_indices = #map1}, {transform_indices = #map}]} {
    %mul3A = arith.constant 16 : i32
    %mul3A_0 = arith.muli %arg0, %mul3A : i32
    %add3A = arith.addi %mul3A_0, %arg1 : i32
    "tpu.region"() ({
      %run_scoped3A = tpu.sem_alloc : memref<!tpu.dma_semaphore, #tpu.memory_space<semaphore_mem>>
      %dma_start3A = arith.constant 0 : i32
      %dma_start3A_9 = arith.constant 0 : i32
      %dma_start3A_10 = tpu.memref_slice %arg2[%add3A, %dma_start3A, %dma_start3A_9] : memref<32x40x128xi32, #tpu.memory_space<hbm>> -> memref<1x40x128xi32, #tpu.memory_space<hbm>>
      %dma_start3A_11 = tpu.memref_squeeze %dma_start3A_10 : memref<1x40x128xi32, #tpu.memory_space<hbm>> -> memref<40x128xi32, #tpu.memory_space<hbm>>
      %dma_start3A_12 = arith.constant 0 : i32
      %dma_start3A_13 = arith.constant 0 : i32
      %dma_start3A_14 = tpu.memref_slice %arg2[%add3A, %dma_start3A_12, %dma_start3A_13] : memref<32x40x128xi32, #tpu.memory_space<hbm>> -> memref<1x40x128xi32, #tpu.memory_space<hbm>>
      %dma_start3A_15 = tpu.memref_squeeze %dma_start3A_14 : memref<1x40x128xi32, #tpu.memory_space<hbm>> -> memref<40x128xi32, #tpu.memory_space<hbm>>
      tpu.enqueue_dma source(%dma_start3A_15 : memref<40x128xi32, #tpu.memory_space<hbm>>) target(%arg6 : memref<40x128xi32, #tpu.memory_space<vmem>>) target_semaphore(%run_scoped3A : memref<!tpu.dma_semaphore, #tpu.memory_space<semaphore_mem>>)
      %dma_wait3A = arith.constant 0 : i32
      %dma_wait3A_16 = arith.constant 0 : i32
      %dma_wait3A_17 = tpu.memref_slice %arg2[%add3A, %dma_wait3A, %dma_wait3A_16] : memref<32x40x128xi32, #tpu.memory_space<hbm>> -> memref<1x40x128xi32, #tpu.memory_space<hbm>>
      %dma_wait3A_18 = tpu.memref_squeeze %dma_wait3A_17 : memref<1x40x128xi32, #tpu.memory_space<hbm>> -> memref<40x128xi32, #tpu.memory_space<hbm>>
      %dma_wait3A_19 = arith.constant 0 : i32
      %dma_wait3A_20 = arith.constant 0 : i32
      %dma_wait3A_21 = tpu.memref_slice %arg2[%add3A, %dma_wait3A_19, %dma_wait3A_20] : memref<32x40x128xi32, #tpu.memory_space<hbm>> -> memref<1x40x128xi32, #tpu.memory_space<hbm>>
      %dma_wait3A_22 = tpu.memref_squeeze %dma_wait3A_21 : memref<1x40x128xi32, #tpu.memory_space<hbm>> -> memref<40x128xi32, #tpu.memory_space<hbm>>
      tpu.wait_dma2 semaphore(%run_scoped3A : memref<!tpu.dma_semaphore, #tpu.memory_space<semaphore_mem>>) src(%dma_wait3A_22 : memref<40x128xi32, #tpu.memory_space<hbm>>) dst(%arg6 : memref<40x128xi32, #tpu.memory_space<vmem>>)
      tpu.yield
    }) : () -> ()
    "tpu.region"() ({
      %run_scoped3A = tpu.sem_alloc : memref<!tpu.dma_semaphore, #tpu.memory_space<semaphore_mem>>
      tpu.enqueue_dma source(%arg3 : memref<128x128xf32, #tpu.memory_space<hbm>>) target(%arg7 : memref<128x128xf32, #tpu.memory_space<vmem>>) target_semaphore(%run_scoped3A : memref<!tpu.dma_semaphore, #tpu.memory_space<semaphore_mem>>)
      tpu.wait_dma2 semaphore(%run_scoped3A : memref<!tpu.dma_semaphore, #tpu.memory_space<semaphore_mem>>) src(%arg3 : memref<128x128xf32, #tpu.memory_space<hbm>>) dst(%arg7 : memref<128x128xf32, #tpu.memory_space<vmem>>)
      tpu.yield
    }) : () -> ()
    %mul3A_1 = arith.constant 640 : i32
    %mul3A_2 = arith.muli %arg1, %mul3A_1 : i32
    "tpu.region"() ({
      %run_scoped3A = tpu.sem_alloc : memref<!tpu.dma_semaphore, #tpu.memory_space<semaphore_mem>>
      %dma_start3A = arith.constant 0 : i32
      %dma_start3A_9 = tpu.memref_slice %arg8[%mul3A_2, %dma_start3A] : memref<10240x128xf32, #tpu.memory_space<vmem_shared>> -> memref<640x128xf32, #tpu.memory_space<vmem_shared>>
      %dma_start3A_10 = arith.constant 0 : i32
      %dma_start3A_11 = tpu.memref_slice %arg4[%mul3A_2, %dma_start3A_10] : memref<10240x128xf32, #tpu.memory_space<hbm>> -> memref<640x128xf32, #tpu.memory_space<hbm>>
      tpu.enqueue_dma source(%dma_start3A_11 : memref<640x128xf32, #tpu.memory_space<hbm>>) target(%dma_start3A_9 : memref<640x128xf32, #tpu.memory_space<vmem_shared>>) target_semaphore(%run_scoped3A : memref<!tpu.dma_semaphore, #tpu.memory_space<semaphore_mem>>)
      %dma_wait3A = arith.constant 0 : i32
      %dma_wait3A_12 = tpu.memref_slice %arg8[%mul3A_2, %dma_wait3A] : memref<10240x128xf32, #tpu.memory_space<vmem_shared>> -> memref<640x128xf32, #tpu.memory_space<vmem_shared>>
      %dma_wait3A_13 = arith.constant 0 : i32
      %dma_wait3A_14 = tpu.memref_slice %arg4[%mul3A_2, %dma_wait3A_13] : memref<10240x128xf32, #tpu.memory_space<hbm>> -> memref<640x128xf32, #tpu.memory_space<hbm>>
      tpu.wait_dma2 semaphore(%run_scoped3A : memref<!tpu.dma_semaphore, #tpu.memory_space<semaphore_mem>>) src(%dma_wait3A_14 : memref<640x128xf32, #tpu.memory_space<hbm>>) dst(%dma_wait3A_12 : memref<640x128xf32, #tpu.memory_space<vmem_shared>>)
      tpu.yield
    }) : () -> ()
    %barrier3A = arith.constant 0 : index
    tpu.barrier barrier_id(%barrier3A)
    %scan3A = arith.constant 0 : i32
    %scan3A_3 = arith.constant 0 : i32
    %scan3A_4 = arith.constant 40 : i32
    %scan3A_5 = arith.addi %scan3A_3, %scan3A_4 : i32
    %scan3A_6 = arith.constant 1 : i32
    scf.for %scan3A_9 = %scan3A_3 to %scan3A_5 step %scan3A_6  : i32 {
      "tpu.region"() ({
        %run_scoped3A = tpu.sem_alloc : memref<!tpu.dma_semaphore, #tpu.memory_space<semaphore_mem>>
        %dma_start3A = arith.constant 0 : i32
        %dma_start3A_10 = tpu.memref_slice %arg6[%scan3A_9, %dma_start3A] : memref<40x128xi32, #tpu.memory_space<vmem>> -> memref<1x128xi32, #tpu.memory_space<vmem>>
        %dma_start3A_11 = tpu.memref_squeeze %dma_start3A_10 : memref<1x128xi32, #tpu.memory_space<vmem>> -> memref<128xi32, #tpu.memory_space<vmem>>
        %dma_start3A_12 = arith.constant 0 : i32
        %dma_start3A_13 = arith.constant 0 : i32
        %dma_start3A_14 = tpu.memref_slice %arg8[%dma_start3A_12, %dma_start3A_13] : memref<10240x128xf32, #tpu.memory_space<vmem_shared>> -> memref<10240x128xf32, #tpu.memory_space<vmem_shared>>
        tpu.enqueue_indirect_dma source(%arg7 : memref<128x128xf32, #tpu.memory_space<vmem>>) target(%dma_start3A_14 : memref<10240x128xf32, #tpu.memory_space<vmem_shared>>) offsets(%dma_start3A_11 : memref<128xi32, #tpu.memory_space<vmem>>) semaphore(%run_scoped3A : memref<!tpu.dma_semaphore, #tpu.memory_space<semaphore_mem>>) {add = true}
        %dma_wait3A = arith.constant 0 : i32
        %dma_wait3A_15 = tpu.memref_slice %arg6[%scan3A_9, %dma_wait3A] : memref<40x128xi32, #tpu.memory_space<vmem>> -> memref<1x128xi32, #tpu.memory_space<vmem>>
        %dma_wait3A_16 = tpu.memref_squeeze %dma_wait3A_15 : memref<1x128xi32, #tpu.memory_space<vmem>> -> memref<128xi32, #tpu.memory_space<vmem>>
        %dma_wait3A_17 = arith.constant 0 : i32
        %dma_wait3A_18 = arith.constant 0 : i32
        %dma_wait3A_19 = tpu.memref_slice %arg8[%dma_wait3A_17, %dma_wait3A_18] : memref<10240x128xf32, #tpu.memory_space<vmem_shared>> -> memref<10240x128xf32, #tpu.memory_space<vmem_shared>>
        tpu.wait_indirect_dma semaphore(%run_scoped3A : memref<!tpu.dma_semaphore, #tpu.memory_space<semaphore_mem>>) src(%arg7 : memref<128x128xf32, #tpu.memory_space<vmem>>) dst(%dma_wait3A_19 : memref<10240x128xf32, #tpu.memory_space<vmem_shared>>)
        tpu.yield
      }) : () -> ()
    }
    %scan3A_7 = arith.constant 40 : i32
    %barrier3A_8 = arith.constant 0 : index
    tpu.barrier barrier_id(%barrier3A_8)
    "tpu.region"() ({
      %run_scoped3A = tpu.sem_alloc : memref<!tpu.dma_semaphore, #tpu.memory_space<semaphore_mem>>
      %dma_start3A = arith.constant 0 : i32
      %dma_start3A_9 = tpu.memref_slice %arg5[%arg0, %mul3A_2, %dma_start3A] : memref<2x10240x128xf32, #tpu.memory_space<hbm>> -> memref<1x640x128xf32, #tpu.memory_space<hbm>>
      %dma_start3A_10 = tpu.memref_squeeze %dma_start3A_9 : memref<1x640x128xf32, #tpu.memory_space<hbm>> -> memref<640x128xf32, #tpu.memory_space<hbm>>
      %dma_start3A_11 = arith.constant 0 : i32
      %dma_start3A_12 = tpu.memref_slice %arg8[%mul3A_2, %dma_start3A_11] : memref<10240x128xf32, #tpu.memory_space<vmem_shared>> -> memref<640x128xf32, #tpu.memory_space<vmem_shared>>
      tpu.enqueue_dma source(%dma_start3A_12 : memref<640x128xf32, #tpu.memory_space<vmem_shared>>) target(%dma_start3A_10 : memref<640x128xf32, #tpu.memory_space<hbm>>) target_semaphore(%run_scoped3A : memref<!tpu.dma_semaphore, #tpu.memory_space<semaphore_mem>>)
      %dma_wait3A = arith.constant 0 : i32
      %dma_wait3A_13 = tpu.memref_slice %arg5[%arg0, %mul3A_2, %dma_wait3A] : memref<2x10240x128xf32, #tpu.memory_space<hbm>> -> memref<1x640x128xf32, #tpu.memory_space<hbm>>
      %dma_wait3A_14 = tpu.memref_squeeze %dma_wait3A_13 : memref<1x640x128xf32, #tpu.memory_space<hbm>> -> memref<640x128xf32, #tpu.memory_space<hbm>>
      %dma_wait3A_15 = arith.constant 0 : i32
      %dma_wait3A_16 = tpu.memref_slice %arg8[%mul3A_2, %dma_wait3A_15] : memref<10240x128xf32, #tpu.memory_space<vmem_shared>> -> memref<640x128xf32, #tpu.memory_space<vmem_shared>>
      tpu.wait_dma2 semaphore(%run_scoped3A : memref<!tpu.dma_semaphore, #tpu.memory_space<semaphore_mem>>) src(%dma_wait3A_16 : memref<640x128xf32, #tpu.memory_space<vmem_shared>>) dst(%dma_wait3A_14 : memref<640x128xf32, #tpu.memory_space<hbm>>)
      tpu.yield
    }) : () -> ()
    return
  }
}

#map = affine_map<(d0, d1) -> (0, 0)>
#map1 = affine_map<(d0, d1) -> (0, 0, 0)>
module attributes {stable_mosaic.version = 14 : i64} {
  func.func @prop_es(%arg0: i32, %arg1: i32, %arg2: memref<10000x128xf32, #tpu.memory_space<hbm>>, %arg3: memref<32x5120xi32, #tpu.memory_space<hbm>>, %arg4: memref<32x40x128xi32, #tpu.memory_space<hbm>>, %arg5: memref<10240x128xf32, #tpu.memory_space<hbm>>, %arg6: memref<2x10240x128xf32, #tpu.memory_space<hbm>>, %arg7: memref<5120xi32, #tpu.memory_space<vmem>>, %arg8: memref<40x128xi32, #tpu.memory_space<vmem>>, %arg9: memref<128x128xf32, #tpu.memory_space<vmem>>, %arg10: memref<128x128xf32, #tpu.memory_space<vmem>>, %arg11: memref<10240x128xf32, #tpu.memory_space<vmem_shared>>, %arg12: memref<!tpu.dma_semaphore, #tpu.memory_space<semaphore_mem>>, %arg13: memref<!tpu.dma_semaphore, #tpu.memory_space<semaphore_mem>>) attributes {dimension_semantics = [#tpu.dimension_semantics<core_parallel>, #tpu.dimension_semantics<subcore_parallel>], iteration_bounds = array<i64: 2, 16>, scalar_prefetch = 0 : i64, scratch_operands = 7 : i64, tpu.core_type = #tpu.core_type<sc_vector_subcore>, window_params = [{transform_indices = #map}, {transform_indices = #map}, {transform_indices = #map1}, {transform_indices = #map}, {transform_indices = #map1}]} {
    %mul3A = arith.constant 16 : i32
    %mul3A_0 = arith.muli %arg0, %mul3A : i32
    %add3A = arith.addi %mul3A_0, %arg1 : i32
    "tpu.region"() ({
      %run_scoped3A_28 = tpu.sem_alloc : memref<!tpu.dma_semaphore, #tpu.memory_space<semaphore_mem>>
      %dma_start3A_29 = arith.constant 0 : i32
      %dma_start3A_30 = tpu.memref_slice %arg3[%add3A, %dma_start3A_29] : memref<32x5120xi32, #tpu.memory_space<hbm>> -> memref<1x5120xi32, #tpu.memory_space<hbm>>
      %dma_start3A_31 = tpu.memref_squeeze %dma_start3A_30 : memref<1x5120xi32, #tpu.memory_space<hbm>> -> memref<5120xi32, #tpu.memory_space<hbm>>
      %dma_start3A_32 = arith.constant 0 : i32
      %dma_start3A_33 = tpu.memref_slice %arg3[%add3A, %dma_start3A_32] : memref<32x5120xi32, #tpu.memory_space<hbm>> -> memref<1x5120xi32, #tpu.memory_space<hbm>>
      %dma_start3A_34 = tpu.memref_squeeze %dma_start3A_33 : memref<1x5120xi32, #tpu.memory_space<hbm>> -> memref<5120xi32, #tpu.memory_space<hbm>>
      tpu.enqueue_dma source(%dma_start3A_34 : memref<5120xi32, #tpu.memory_space<hbm>>) target(%arg7 : memref<5120xi32, #tpu.memory_space<vmem>>) target_semaphore(%run_scoped3A_28 : memref<!tpu.dma_semaphore, #tpu.memory_space<semaphore_mem>>)
      %dma_wait3A_35 = arith.constant 0 : i32
      %dma_wait3A_36 = tpu.memref_slice %arg3[%add3A, %dma_wait3A_35] : memref<32x5120xi32, #tpu.memory_space<hbm>> -> memref<1x5120xi32, #tpu.memory_space<hbm>>
      %dma_wait3A_37 = tpu.memref_squeeze %dma_wait3A_36 : memref<1x5120xi32, #tpu.memory_space<hbm>> -> memref<5120xi32, #tpu.memory_space<hbm>>
      %dma_wait3A_38 = arith.constant 0 : i32
      %dma_wait3A_39 = tpu.memref_slice %arg3[%add3A, %dma_wait3A_38] : memref<32x5120xi32, #tpu.memory_space<hbm>> -> memref<1x5120xi32, #tpu.memory_space<hbm>>
      %dma_wait3A_40 = tpu.memref_squeeze %dma_wait3A_39 : memref<1x5120xi32, #tpu.memory_space<hbm>> -> memref<5120xi32, #tpu.memory_space<hbm>>
      tpu.wait_dma2 semaphore(%run_scoped3A_28 : memref<!tpu.dma_semaphore, #tpu.memory_space<semaphore_mem>>) src(%dma_wait3A_40 : memref<5120xi32, #tpu.memory_space<hbm>>) dst(%arg7 : memref<5120xi32, #tpu.memory_space<vmem>>)
      tpu.yield
    }) : () -> ()
    "tpu.region"() ({
      %run_scoped3A_28 = tpu.sem_alloc : memref<!tpu.dma_semaphore, #tpu.memory_space<semaphore_mem>>
      %dma_start3A_29 = arith.constant 0 : i32
      %dma_start3A_30 = arith.constant 0 : i32
      %dma_start3A_31 = tpu.memref_slice %arg4[%add3A, %dma_start3A_29, %dma_start3A_30] : memref<32x40x128xi32, #tpu.memory_space<hbm>> -> memref<1x40x128xi32, #tpu.memory_space<hbm>>
      %dma_start3A_32 = tpu.memref_squeeze %dma_start3A_31 : memref<1x40x128xi32, #tpu.memory_space<hbm>> -> memref<40x128xi32, #tpu.memory_space<hbm>>
      %dma_start3A_33 = arith.constant 0 : i32
      %dma_start3A_34 = arith.constant 0 : i32
      %dma_start3A_35 = tpu.memref_slice %arg4[%add3A, %dma_start3A_33, %dma_start3A_34] : memref<32x40x128xi32, #tpu.memory_space<hbm>> -> memref<1x40x128xi32, #tpu.memory_space<hbm>>
      %dma_start3A_36 = tpu.memref_squeeze %dma_start3A_35 : memref<1x40x128xi32, #tpu.memory_space<hbm>> -> memref<40x128xi32, #tpu.memory_space<hbm>>
      tpu.enqueue_dma source(%dma_start3A_36 : memref<40x128xi32, #tpu.memory_space<hbm>>) target(%arg8 : memref<40x128xi32, #tpu.memory_space<vmem>>) target_semaphore(%run_scoped3A_28 : memref<!tpu.dma_semaphore, #tpu.memory_space<semaphore_mem>>)
      %dma_wait3A_37 = arith.constant 0 : i32
      %dma_wait3A_38 = arith.constant 0 : i32
      %dma_wait3A_39 = tpu.memref_slice %arg4[%add3A, %dma_wait3A_37, %dma_wait3A_38] : memref<32x40x128xi32, #tpu.memory_space<hbm>> -> memref<1x40x128xi32, #tpu.memory_space<hbm>>
      %dma_wait3A_40 = tpu.memref_squeeze %dma_wait3A_39 : memref<1x40x128xi32, #tpu.memory_space<hbm>> -> memref<40x128xi32, #tpu.memory_space<hbm>>
      %dma_wait3A_41 = arith.constant 0 : i32
      %dma_wait3A_42 = arith.constant 0 : i32
      %dma_wait3A_43 = tpu.memref_slice %arg4[%add3A, %dma_wait3A_41, %dma_wait3A_42] : memref<32x40x128xi32, #tpu.memory_space<hbm>> -> memref<1x40x128xi32, #tpu.memory_space<hbm>>
      %dma_wait3A_44 = tpu.memref_squeeze %dma_wait3A_43 : memref<1x40x128xi32, #tpu.memory_space<hbm>> -> memref<40x128xi32, #tpu.memory_space<hbm>>
      tpu.wait_dma2 semaphore(%run_scoped3A_28 : memref<!tpu.dma_semaphore, #tpu.memory_space<semaphore_mem>>) src(%dma_wait3A_44 : memref<40x128xi32, #tpu.memory_space<hbm>>) dst(%arg8 : memref<40x128xi32, #tpu.memory_space<vmem>>)
      tpu.yield
    }) : () -> ()
    %mul3A_1 = arith.constant 640 : i32
    %mul3A_2 = arith.muli %arg1, %mul3A_1 : i32
    "tpu.region"() ({
      %run_scoped3A_28 = tpu.sem_alloc : memref<!tpu.dma_semaphore, #tpu.memory_space<semaphore_mem>>
      %dma_start3A_29 = arith.constant 0 : i32
      %dma_start3A_30 = tpu.memref_slice %arg11[%mul3A_2, %dma_start3A_29] : memref<10240x128xf32, #tpu.memory_space<vmem_shared>> -> memref<640x128xf32, #tpu.memory_space<vmem_shared>>
      %dma_start3A_31 = arith.constant 0 : i32
      %dma_start3A_32 = tpu.memref_slice %arg5[%mul3A_2, %dma_start3A_31] : memref<10240x128xf32, #tpu.memory_space<hbm>> -> memref<640x128xf32, #tpu.memory_space<hbm>>
      tpu.enqueue_dma source(%dma_start3A_32 : memref<640x128xf32, #tpu.memory_space<hbm>>) target(%dma_start3A_30 : memref<640x128xf32, #tpu.memory_space<vmem_shared>>) target_semaphore(%run_scoped3A_28 : memref<!tpu.dma_semaphore, #tpu.memory_space<semaphore_mem>>)
      %dma_wait3A_33 = arith.constant 0 : i32
      %dma_wait3A_34 = tpu.memref_slice %arg11[%mul3A_2, %dma_wait3A_33] : memref<10240x128xf32, #tpu.memory_space<vmem_shared>> -> memref<640x128xf32, #tpu.memory_space<vmem_shared>>
      %dma_wait3A_35 = arith.constant 0 : i32
      %dma_wait3A_36 = tpu.memref_slice %arg5[%mul3A_2, %dma_wait3A_35] : memref<10240x128xf32, #tpu.memory_space<hbm>> -> memref<640x128xf32, #tpu.memory_space<hbm>>
      tpu.wait_dma2 semaphore(%run_scoped3A_28 : memref<!tpu.dma_semaphore, #tpu.memory_space<semaphore_mem>>) src(%dma_wait3A_36 : memref<640x128xf32, #tpu.memory_space<hbm>>) dst(%dma_wait3A_34 : memref<640x128xf32, #tpu.memory_space<vmem_shared>>)
      tpu.yield
    }) : () -> ()
    %barrier3A = arith.constant 0 : index
    tpu.barrier barrier_id(%barrier3A)
    %dma_start3A = arith.constant 0 : i32
    %dma_start3A_3 = tpu.memref_slice %arg7[%dma_start3A] : memref<5120xi32, #tpu.memory_space<vmem>> -> memref<128xi32, #tpu.memory_space<vmem>>
    %dma_start3A_4 = arith.constant 0 : i32
    %dma_start3A_5 = arith.constant 0 : i32
    %dma_start3A_6 = tpu.memref_slice %arg2[%dma_start3A_4, %dma_start3A_5] : memref<10000x128xf32, #tpu.memory_space<hbm>> -> memref<10000x128xf32, #tpu.memory_space<hbm>>
    tpu.enqueue_indirect_dma source(%dma_start3A_6 : memref<10000x128xf32, #tpu.memory_space<hbm>>) target(%arg9 : memref<128x128xf32, #tpu.memory_space<vmem>>) offsets(%dma_start3A_3 : memref<128xi32, #tpu.memory_space<vmem>>) semaphore(%arg12 : memref<!tpu.dma_semaphore, #tpu.memory_space<semaphore_mem>>)
    %dma_start3A_7 = arith.constant 128 : i32
    %dma_start3A_8 = tpu.memref_slice %arg7[%dma_start3A_7] : memref<5120xi32, #tpu.memory_space<vmem>> -> memref<128xi32, #tpu.memory_space<vmem>>
    %dma_start3A_9 = arith.constant 0 : i32
    %dma_start3A_10 = arith.constant 0 : i32
    %dma_start3A_11 = tpu.memref_slice %arg2[%dma_start3A_9, %dma_start3A_10] : memref<10000x128xf32, #tpu.memory_space<hbm>> -> memref<10000x128xf32, #tpu.memory_space<hbm>>
    tpu.enqueue_indirect_dma source(%dma_start3A_11 : memref<10000x128xf32, #tpu.memory_space<hbm>>) target(%arg10 : memref<128x128xf32, #tpu.memory_space<vmem>>) offsets(%dma_start3A_8 : memref<128xi32, #tpu.memory_space<vmem>>) semaphore(%arg13 : memref<!tpu.dma_semaphore, #tpu.memory_space<semaphore_mem>>)
    %scan3A = arith.constant 0 : i32
    %scan3A_12 = arith.constant 0 : i32
    %scan3A_13 = arith.constant 19 : i32
    %scan3A_14 = arith.addi %scan3A_12, %scan3A_13 : i32
    %scan3A_15 = arith.constant 1 : i32
    scf.for %scan3A_28 = %scan3A_12 to %scan3A_14 step %scan3A_15  : i32 {
      %mul3A_29 = arith.constant 2 : i32
      %mul3A_30 = arith.muli %mul3A_29, %scan3A_28 : i32
      %dma_wait3A_31 = arith.constant 0 : i32
      %dma_wait3A_32 = tpu.memref_slice %arg7[%dma_wait3A_31] : memref<5120xi32, #tpu.memory_space<vmem>> -> memref<128xi32, #tpu.memory_space<vmem>>
      %dma_wait3A_33 = arith.constant 0 : i32
      %dma_wait3A_34 = arith.constant 0 : i32
      %dma_wait3A_35 = tpu.memref_slice %arg2[%dma_wait3A_33, %dma_wait3A_34] : memref<10000x128xf32, #tpu.memory_space<hbm>> -> memref<10000x128xf32, #tpu.memory_space<hbm>>
      tpu.wait_indirect_dma semaphore(%arg12 : memref<!tpu.dma_semaphore, #tpu.memory_space<semaphore_mem>>) src(%dma_wait3A_35 : memref<10000x128xf32, #tpu.memory_space<hbm>>) dst(%arg9 : memref<128x128xf32, #tpu.memory_space<vmem>>)
      "tpu.region"() ({
        %run_scoped3A_59 = tpu.sem_alloc : memref<!tpu.dma_semaphore, #tpu.memory_space<semaphore_mem>>
        %dma_start3A_60 = arith.constant 0 : i32
        %dma_start3A_61 = tpu.memref_slice %arg8[%mul3A_30, %dma_start3A_60] : memref<40x128xi32, #tpu.memory_space<vmem>> -> memref<1x128xi32, #tpu.memory_space<vmem>>
        %dma_start3A_62 = tpu.memref_squeeze %dma_start3A_61 : memref<1x128xi32, #tpu.memory_space<vmem>> -> memref<128xi32, #tpu.memory_space<vmem>>
        %dma_start3A_63 = arith.constant 0 : i32
        %dma_start3A_64 = arith.constant 0 : i32
        %dma_start3A_65 = tpu.memref_slice %arg11[%dma_start3A_63, %dma_start3A_64] : memref<10240x128xf32, #tpu.memory_space<vmem_shared>> -> memref<10240x128xf32, #tpu.memory_space<vmem_shared>>
        tpu.enqueue_indirect_dma source(%arg9 : memref<128x128xf32, #tpu.memory_space<vmem>>) target(%dma_start3A_65 : memref<10240x128xf32, #tpu.memory_space<vmem_shared>>) offsets(%dma_start3A_62 : memref<128xi32, #tpu.memory_space<vmem>>) semaphore(%run_scoped3A_59 : memref<!tpu.dma_semaphore, #tpu.memory_space<semaphore_mem>>) {add = true}
        %dma_wait3A_66 = arith.constant 0 : i32
        %dma_wait3A_67 = tpu.memref_slice %arg8[%mul3A_30, %dma_wait3A_66] : memref<40x128xi32, #tpu.memory_space<vmem>> -> memref<1x128xi32, #tpu.memory_space<vmem>>
        %dma_wait3A_68 = tpu.memref_squeeze %dma_wait3A_67 : memref<1x128xi32, #tpu.memory_space<vmem>> -> memref<128xi32, #tpu.memory_space<vmem>>
        %dma_wait3A_69 = arith.constant 0 : i32
        %dma_wait3A_70 = arith.constant 0 : i32
        %dma_wait3A_71 = tpu.memref_slice %arg11[%dma_wait3A_69, %dma_wait3A_70] : memref<10240x128xf32, #tpu.memory_space<vmem_shared>> -> memref<10240x128xf32, #tpu.memory_space<vmem_shared>>
        tpu.wait_indirect_dma semaphore(%run_scoped3A_59 : memref<!tpu.dma_semaphore, #tpu.memory_space<semaphore_mem>>) src(%arg9 : memref<128x128xf32, #tpu.memory_space<vmem>>) dst(%dma_wait3A_71 : memref<10240x128xf32, #tpu.memory_space<vmem_shared>>)
        tpu.yield
      }) : () -> ()
      %add3A_36 = arith.constant 2 : i32
      %add3A_37 = arith.addi %mul3A_30, %add3A_36 : i32
      %mul3A_38 = arith.constant 128 : i32
      %mul3A_39 = arith.muli %add3A_37, %mul3A_38 : i32
      %dma_start3A_40 = tpu.memref_slice %arg7[%mul3A_39] : memref<5120xi32, #tpu.memory_space<vmem>> -> memref<128xi32, #tpu.memory_space<vmem>>
      %dma_start3A_41 = arith.constant 0 : i32
      %dma_start3A_42 = arith.constant 0 : i32
      %dma_start3A_43 = tpu.memref_slice %arg2[%dma_start3A_41, %dma_start3A_42] : memref<10000x128xf32, #tpu.memory_space<hbm>> -> memref<10000x128xf32, #tpu.memory_space<hbm>>
      tpu.enqueue_indirect_dma source(%dma_start3A_43 : memref<10000x128xf32, #tpu.memory_space<hbm>>) target(%arg9 : memref<128x128xf32, #tpu.memory_space<vmem>>) offsets(%dma_start3A_40 : memref<128xi32, #tpu.memory_space<vmem>>) semaphore(%arg12 : memref<!tpu.dma_semaphore, #tpu.memory_space<semaphore_mem>>)
      %dma_wait3A_44 = arith.constant 0 : i32
      %dma_wait3A_45 = tpu.memref_slice %arg7[%dma_wait3A_44] : memref<5120xi32, #tpu.memory_space<vmem>> -> memref<128xi32, #tpu.memory_space<vmem>>
      %dma_wait3A_46 = arith.constant 0 : i32
      %dma_wait3A_47 = arith.constant 0 : i32
      %dma_wait3A_48 = tpu.memref_slice %arg2[%dma_wait3A_46, %dma_wait3A_47] : memref<10000x128xf32, #tpu.memory_space<hbm>> -> memref<10000x128xf32, #tpu.memory_space<hbm>>
      tpu.wait_indirect_dma semaphore(%arg13 : memref<!tpu.dma_semaphore, #tpu.memory_space<semaphore_mem>>) src(%dma_wait3A_48 : memref<10000x128xf32, #tpu.memory_space<hbm>>) dst(%arg10 : memref<128x128xf32, #tpu.memory_space<vmem>>)
      %add3A_49 = arith.constant 1 : i32
      %add3A_50 = arith.addi %mul3A_30, %add3A_49 : i32
      "tpu.region"() ({
        %run_scoped3A_59 = tpu.sem_alloc : memref<!tpu.dma_semaphore, #tpu.memory_space<semaphore_mem>>
        %dma_start3A_60 = arith.constant 0 : i32
        %dma_start3A_61 = tpu.memref_slice %arg8[%add3A_50, %dma_start3A_60] : memref<40x128xi32, #tpu.memory_space<vmem>> -> memref<1x128xi32, #tpu.memory_space<vmem>>
        %dma_start3A_62 = tpu.memref_squeeze %dma_start3A_61 : memref<1x128xi32, #tpu.memory_space<vmem>> -> memref<128xi32, #tpu.memory_space<vmem>>
        %dma_start3A_63 = arith.constant 0 : i32
        %dma_start3A_64 = arith.constant 0 : i32
        %dma_start3A_65 = tpu.memref_slice %arg11[%dma_start3A_63, %dma_start3A_64] : memref<10240x128xf32, #tpu.memory_space<vmem_shared>> -> memref<10240x128xf32, #tpu.memory_space<vmem_shared>>
        tpu.enqueue_indirect_dma source(%arg10 : memref<128x128xf32, #tpu.memory_space<vmem>>) target(%dma_start3A_65 : memref<10240x128xf32, #tpu.memory_space<vmem_shared>>) offsets(%dma_start3A_62 : memref<128xi32, #tpu.memory_space<vmem>>) semaphore(%run_scoped3A_59 : memref<!tpu.dma_semaphore, #tpu.memory_space<semaphore_mem>>) {add = true}
        %dma_wait3A_66 = arith.constant 0 : i32
        %dma_wait3A_67 = tpu.memref_slice %arg8[%add3A_50, %dma_wait3A_66] : memref<40x128xi32, #tpu.memory_space<vmem>> -> memref<1x128xi32, #tpu.memory_space<vmem>>
        %dma_wait3A_68 = tpu.memref_squeeze %dma_wait3A_67 : memref<1x128xi32, #tpu.memory_space<vmem>> -> memref<128xi32, #tpu.memory_space<vmem>>
        %dma_wait3A_69 = arith.constant 0 : i32
        %dma_wait3A_70 = arith.constant 0 : i32
        %dma_wait3A_71 = tpu.memref_slice %arg11[%dma_wait3A_69, %dma_wait3A_70] : memref<10240x128xf32, #tpu.memory_space<vmem_shared>> -> memref<10240x128xf32, #tpu.memory_space<vmem_shared>>
        tpu.wait_indirect_dma semaphore(%run_scoped3A_59 : memref<!tpu.dma_semaphore, #tpu.memory_space<semaphore_mem>>) src(%arg10 : memref<128x128xf32, #tpu.memory_space<vmem>>) dst(%dma_wait3A_71 : memref<10240x128xf32, #tpu.memory_space<vmem_shared>>)
        tpu.yield
      }) : () -> ()
      %add3A_51 = arith.constant 3 : i32
      %add3A_52 = arith.addi %mul3A_30, %add3A_51 : i32
      %mul3A_53 = arith.constant 128 : i32
      %mul3A_54 = arith.muli %add3A_52, %mul3A_53 : i32
      %dma_start3A_55 = tpu.memref_slice %arg7[%mul3A_54] : memref<5120xi32, #tpu.memory_space<vmem>> -> memref<128xi32, #tpu.memory_space<vmem>>
      %dma_start3A_56 = arith.constant 0 : i32
      %dma_start3A_57 = arith.constant 0 : i32
      %dma_start3A_58 = tpu.memref_slice %arg2[%dma_start3A_56, %dma_start3A_57] : memref<10000x128xf32, #tpu.memory_space<hbm>> -> memref<10000x128xf32, #tpu.memory_space<hbm>>
      tpu.enqueue_indirect_dma source(%dma_start3A_58 : memref<10000x128xf32, #tpu.memory_space<hbm>>) target(%arg10 : memref<128x128xf32, #tpu.memory_space<vmem>>) offsets(%dma_start3A_55 : memref<128xi32, #tpu.memory_space<vmem>>) semaphore(%arg13 : memref<!tpu.dma_semaphore, #tpu.memory_space<semaphore_mem>>)
    }
    %scan3A_16 = arith.constant 19 : i32
    %dma_wait3A = arith.constant 0 : i32
    %dma_wait3A_17 = tpu.memref_slice %arg7[%dma_wait3A] : memref<5120xi32, #tpu.memory_space<vmem>> -> memref<128xi32, #tpu.memory_space<vmem>>
    %dma_wait3A_18 = arith.constant 0 : i32
    %dma_wait3A_19 = arith.constant 0 : i32
    %dma_wait3A_20 = tpu.memref_slice %arg2[%dma_wait3A_18, %dma_wait3A_19] : memref<10000x128xf32, #tpu.memory_space<hbm>> -> memref<10000x128xf32, #tpu.memory_space<hbm>>
    tpu.wait_indirect_dma semaphore(%arg12 : memref<!tpu.dma_semaphore, #tpu.memory_space<semaphore_mem>>) src(%dma_wait3A_20 : memref<10000x128xf32, #tpu.memory_space<hbm>>) dst(%arg9 : memref<128x128xf32, #tpu.memory_space<vmem>>)
    %run_scoped3A = arith.constant 38 : i32
    "tpu.region"() ({
      %run_scoped3A_28 = tpu.sem_alloc : memref<!tpu.dma_semaphore, #tpu.memory_space<semaphore_mem>>
      %dma_start3A_29 = arith.constant 0 : i32
      %dma_start3A_30 = tpu.memref_slice %arg8[%run_scoped3A, %dma_start3A_29] : memref<40x128xi32, #tpu.memory_space<vmem>> -> memref<1x128xi32, #tpu.memory_space<vmem>>
      %dma_start3A_31 = tpu.memref_squeeze %dma_start3A_30 : memref<1x128xi32, #tpu.memory_space<vmem>> -> memref<128xi32, #tpu.memory_space<vmem>>
      %dma_start3A_32 = arith.constant 0 : i32
      %dma_start3A_33 = arith.constant 0 : i32
      %dma_start3A_34 = tpu.memref_slice %arg11[%dma_start3A_32, %dma_start3A_33] : memref<10240x128xf32, #tpu.memory_space<vmem_shared>> -> memref<10240x128xf32, #tpu.memory_space<vmem_shared>>
      tpu.enqueue_indirect_dma source(%arg9 : memref<128x128xf32, #tpu.memory_space<vmem>>) target(%dma_start3A_34 : memref<10240x128xf32, #tpu.memory_space<vmem_shared>>) offsets(%dma_start3A_31 : memref<128xi32, #tpu.memory_space<vmem>>) semaphore(%run_scoped3A_28 : memref<!tpu.dma_semaphore, #tpu.memory_space<semaphore_mem>>) {add = true}
      %dma_wait3A_35 = arith.constant 0 : i32
      %dma_wait3A_36 = tpu.memref_slice %arg8[%run_scoped3A, %dma_wait3A_35] : memref<40x128xi32, #tpu.memory_space<vmem>> -> memref<1x128xi32, #tpu.memory_space<vmem>>
      %dma_wait3A_37 = tpu.memref_squeeze %dma_wait3A_36 : memref<1x128xi32, #tpu.memory_space<vmem>> -> memref<128xi32, #tpu.memory_space<vmem>>
      %dma_wait3A_38 = arith.constant 0 : i32
      %dma_wait3A_39 = arith.constant 0 : i32
      %dma_wait3A_40 = tpu.memref_slice %arg11[%dma_wait3A_38, %dma_wait3A_39] : memref<10240x128xf32, #tpu.memory_space<vmem_shared>> -> memref<10240x128xf32, #tpu.memory_space<vmem_shared>>
      tpu.wait_indirect_dma semaphore(%run_scoped3A_28 : memref<!tpu.dma_semaphore, #tpu.memory_space<semaphore_mem>>) src(%arg9 : memref<128x128xf32, #tpu.memory_space<vmem>>) dst(%dma_wait3A_40 : memref<10240x128xf32, #tpu.memory_space<vmem_shared>>)
      tpu.yield
    }) : () -> ()
    %dma_wait3A_21 = arith.constant 0 : i32
    %dma_wait3A_22 = tpu.memref_slice %arg7[%dma_wait3A_21] : memref<5120xi32, #tpu.memory_space<vmem>> -> memref<128xi32, #tpu.memory_space<vmem>>
    %dma_wait3A_23 = arith.constant 0 : i32
    %dma_wait3A_24 = arith.constant 0 : i32
    %dma_wait3A_25 = tpu.memref_slice %arg2[%dma_wait3A_23, %dma_wait3A_24] : memref<10000x128xf32, #tpu.memory_space<hbm>> -> memref<10000x128xf32, #tpu.memory_space<hbm>>
    tpu.wait_indirect_dma semaphore(%arg13 : memref<!tpu.dma_semaphore, #tpu.memory_space<semaphore_mem>>) src(%dma_wait3A_25 : memref<10000x128xf32, #tpu.memory_space<hbm>>) dst(%arg10 : memref<128x128xf32, #tpu.memory_space<vmem>>)
    %run_scoped3A_26 = arith.constant 39 : i32
    "tpu.region"() ({
      %run_scoped3A_28 = tpu.sem_alloc : memref<!tpu.dma_semaphore, #tpu.memory_space<semaphore_mem>>
      %dma_start3A_29 = arith.constant 0 : i32
      %dma_start3A_30 = tpu.memref_slice %arg8[%run_scoped3A_26, %dma_start3A_29] : memref<40x128xi32, #tpu.memory_space<vmem>> -> memref<1x128xi32, #tpu.memory_space<vmem>>
      %dma_start3A_31 = tpu.memref_squeeze %dma_start3A_30 : memref<1x128xi32, #tpu.memory_space<vmem>> -> memref<128xi32, #tpu.memory_space<vmem>>
      %dma_start3A_32 = arith.constant 0 : i32
      %dma_start3A_33 = arith.constant 0 : i32
      %dma_start3A_34 = tpu.memref_slice %arg11[%dma_start3A_32, %dma_start3A_33] : memref<10240x128xf32, #tpu.memory_space<vmem_shared>> -> memref<10240x128xf32, #tpu.memory_space<vmem_shared>>
      tpu.enqueue_indirect_dma source(%arg10 : memref<128x128xf32, #tpu.memory_space<vmem>>) target(%dma_start3A_34 : memref<10240x128xf32, #tpu.memory_space<vmem_shared>>) offsets(%dma_start3A_31 : memref<128xi32, #tpu.memory_space<vmem>>) semaphore(%run_scoped3A_28 : memref<!tpu.dma_semaphore, #tpu.memory_space<semaphore_mem>>) {add = true}
      %dma_wait3A_35 = arith.constant 0 : i32
      %dma_wait3A_36 = tpu.memref_slice %arg8[%run_scoped3A_26, %dma_wait3A_35] : memref<40x128xi32, #tpu.memory_space<vmem>> -> memref<1x128xi32, #tpu.memory_space<vmem>>
      %dma_wait3A_37 = tpu.memref_squeeze %dma_wait3A_36 : memref<1x128xi32, #tpu.memory_space<vmem>> -> memref<128xi32, #tpu.memory_space<vmem>>
      %dma_wait3A_38 = arith.constant 0 : i32
      %dma_wait3A_39 = arith.constant 0 : i32
      %dma_wait3A_40 = tpu.memref_slice %arg11[%dma_wait3A_38, %dma_wait3A_39] : memref<10240x128xf32, #tpu.memory_space<vmem_shared>> -> memref<10240x128xf32, #tpu.memory_space<vmem_shared>>
      tpu.wait_indirect_dma semaphore(%run_scoped3A_28 : memref<!tpu.dma_semaphore, #tpu.memory_space<semaphore_mem>>) src(%arg10 : memref<128x128xf32, #tpu.memory_space<vmem>>) dst(%dma_wait3A_40 : memref<10240x128xf32, #tpu.memory_space<vmem_shared>>)
      tpu.yield
    }) : () -> ()
    %barrier3A_27 = arith.constant 0 : index
    tpu.barrier barrier_id(%barrier3A_27)
    "tpu.region"() ({
      %run_scoped3A_28 = tpu.sem_alloc : memref<!tpu.dma_semaphore, #tpu.memory_space<semaphore_mem>>
      %dma_start3A_29 = arith.constant 0 : i32
      %dma_start3A_30 = tpu.memref_slice %arg6[%arg0, %mul3A_2, %dma_start3A_29] : memref<2x10240x128xf32, #tpu.memory_space<hbm>> -> memref<1x640x128xf32, #tpu.memory_space<hbm>>
      %dma_start3A_31 = tpu.memref_squeeze %dma_start3A_30 : memref<1x640x128xf32, #tpu.memory_space<hbm>> -> memref<640x128xf32, #tpu.memory_space<hbm>>
      %dma_start3A_32 = arith.constant 0 : i32
      %dma_start3A_33 = tpu.memref_slice %arg11[%mul3A_2, %dma_start3A_32] : memref<10240x128xf32, #tpu.memory_space<vmem_shared>> -> memref<640x128xf32, #tpu.memory_space<vmem_shared>>
      tpu.enqueue_dma source(%dma_start3A_33 : memref<640x128xf32, #tpu.memory_space<vmem_shared>>) target(%dma_start3A_31 : memref<640x128xf32, #tpu.memory_space<hbm>>) target_semaphore(%run_scoped3A_28 : memref<!tpu.dma_semaphore, #tpu.memory_space<semaphore_mem>>)
      %dma_wait3A_34 = arith.constant 0 : i32
      %dma_wait3A_35 = tpu.memref_slice %arg6[%arg0, %mul3A_2, %dma_wait3A_34] : memref<2x10240x128xf32, #tpu.memory_space<hbm>> -> memref<1x640x128xf32, #tpu.memory_space<hbm>>
      %dma_wait3A_36 = tpu.memref_squeeze %dma_wait3A_35 : memref<1x640x128xf32, #tpu.memory_space<hbm>> -> memref<640x128xf32, #tpu.memory_space<hbm>>
      %dma_wait3A_37 = arith.constant 0 : i32
      %dma_wait3A_38 = tpu.memref_slice %arg11[%mul3A_2, %dma_wait3A_37] : memref<10240x128xf32, #tpu.memory_space<vmem_shared>> -> memref<640x128xf32, #tpu.memory_space<vmem_shared>>
      tpu.wait_dma2 semaphore(%run_scoped3A_28 : memref<!tpu.dma_semaphore, #tpu.memory_space<semaphore_mem>>) src(%dma_wait3A_38 : memref<640x128xf32, #tpu.memory_space<vmem_shared>>) dst(%dma_wait3A_36 : memref<640x128xf32, #tpu.memory_space<hbm>>)
      tpu.yield
    }) : () -> ()
    return
  }
}

module attributes {stable_mosaic.version = 14 : i64} {
  func.func @_mm1_body(%arg0: i32, %arg1: memref<1000x256xf32, #tpu.memory_space<vmem>>, %arg2: memref<256x256xf32, #tpu.memory_space<vmem>>, %arg3: memref<2x1000x128xf32, #tpu.memory_space<vmem>>, %arg4: memref<1000x128xf32, #tpu.memory_space<vmem>>, %arg5: memref<1000x128xf32, #tpu.memory_space<vmem>>, %arg6: memref<1000x128xf32, #tpu.memory_space<vmem>>) attributes {dimension_semantics = [#tpu.dimension_semantics<arbitrary>], iteration_bounds = array<i64: 10>, scalar_prefetch = 0 : i64, scratch_operands = 0 : i64, tpu.core_type = #tpu.core_type<tc>, window_params = [{transform_indices = @transform_0, window_bounds = array<i64: 1000, 256>}, {pipeline_mode = #tpu.pipeline_mode<synchronous>, transform_indices = @transform_1, window_bounds = array<i64: 256, 256>}, {transform_indices = @transform_2, window_bounds = array<i64: 2, 1000, 128>}, {transform_indices = @transform_3, window_bounds = array<i64: 1000, 128>}, {transform_indices = @transform_4, window_bounds = array<i64: 1000, 128>}, {transform_indices = @transform_5, window_bounds = array<i64: 1000, 128>}]} {
    %get3A = arith.constant 0 : index
    %get3A_0 = arith.constant 0 : index
    %get3A_1 = arith.constant 0 : index
    %get3A_2 = vector.load %arg3[%get3A, %get3A_0, %get3A_1] : memref<2x1000x128xf32, #tpu.memory_space<vmem>>, vector<1x1000x128xf32>
    %get3A_3 = vector.shape_cast %get3A_2 : vector<1x1000x128xf32> to vector<1000x128xf32>
    %get3A_4 = arith.constant 1 : index
    %get3A_5 = arith.constant 0 : index
    %get3A_6 = arith.constant 0 : index
    %get3A_7 = vector.load %arg3[%get3A_4, %get3A_5, %get3A_6] : memref<2x1000x128xf32, #tpu.memory_space<vmem>>, vector<1x1000x128xf32>
    %get3A_8 = vector.shape_cast %get3A_7 : vector<1x1000x128xf32> to vector<1000x128xf32>
    %add3A = arith.addf %get3A_3, %get3A_8 : vector<1000x128xf32>
    %slice3A = vector.extract_strided_slice %add3A {offsets = [0, 0], sizes = [1000, 1], strides = [1, 1]} : vector<1000x128xf32> to vector<1000x1xf32>
    %max3A = arith.constant 1.000000e+00 : f32
    %max3A_9 = vector.broadcast %max3A : f32 to vector<1000x1xf32>
    %max3A_10 = arith.maximumf %slice3A, %max3A_9 : vector<1000x1xf32>
    %rsqrt3A = math.rsqrt %max3A_10 : vector<1000x1xf32>
    %get3A_11 = arith.constant 0 : index
    %get3A_12 = arith.constant 0 : index
    %get3A_13 = vector.load %arg1[%get3A_11, %get3A_12] : memref<1000x256xf32, #tpu.memory_space<vmem>>, vector<1000x256xf32>
    %get3A_14 = arith.constant 0 : index
    %get3A_15 = arith.constant 0 : index
    %get3A_16 = vector.load %arg2[%get3A_14, %get3A_15] : memref<256x256xf32, #tpu.memory_space<vmem>>, vector<256x256xf32>
    %dot_general3A = arith.constant dense<0.000000e+00> : vector<1000x256xf32>
    %dot_general3A_17 = tpu.matmul %get3A_13, %get3A_16, %dot_general3A {dimension_numbers = #tpu.dot_dimension_numbers<[1], [0], [0], [1], [0, 0, 1, 1], [], []>, transpose_lhs_hint = false} : vector<1000x256xf32>, vector<256x256xf32>, vector<1000x256xf32> -> vector<1000x256xf32>
    %mul3A = vector.broadcast %rsqrt3A : vector<1000x1xf32> to vector<1000x256xf32>
    %mul3A_18 = arith.mulf %dot_general3A_17, %mul3A : vector<1000x256xf32>
    %slice3A_19 = vector.extract_strided_slice %mul3A_18 {offsets = [0, 0], sizes = [1000, 128], strides = [1, 1]} : vector<1000x256xf32> to vector<1000x128xf32>
    %swap3A = arith.constant 0 : index
    %swap3A_20 = arith.constant 0 : index
    %swap3A_21 = vector.load %arg4[%swap3A, %swap3A_20] : memref<1000x128xf32, #tpu.memory_space<vmem>>, vector<1000x128xf32>
    tpu.vector_store %arg4[%swap3A, %swap3A_20], %slice3A_19 {strides = array<i32>} : memref<1000x128xf32, #tpu.memory_space<vmem>>, vector<1000x128xf32>,
    %slice3A_22 = vector.extract_strided_slice %mul3A_18 {offsets = [0, 128], sizes = [1000, 128], strides = [1, 1]} : vector<1000x256xf32> to vector<1000x128xf32>
    %swap3A_23 = arith.constant 0 : index
    %swap3A_24 = arith.constant 0 : index
    %swap3A_25 = vector.load %arg5[%swap3A_23, %swap3A_24] : memref<1000x128xf32, #tpu.memory_space<vmem>>, vector<1000x128xf32>
    tpu.vector_store %arg5[%swap3A_23, %swap3A_24], %slice3A_22 {strides = array<i32>} : memref<1000x128xf32, #tpu.memory_space<vmem>>, vector<1000x128xf32>,
    %broadcast_in_dim3A = vector.shape_cast %rsqrt3A : vector<1000x1xf32> to vector<1000x1xf32>
    %broadcast_in_dim3A_26 = vector.broadcast %broadcast_in_dim3A : vector<1000x1xf32> to vector<1000x128xf32>
    %swap3A_27 = arith.constant 0 : index
    %swap3A_28 = arith.constant 0 : index
    %swap3A_29 = vector.load %arg6[%swap3A_27, %swap3A_28] : memref<1000x128xf32, #tpu.memory_space<vmem>>, vector<1000x128xf32>
    tpu.vector_store %arg6[%swap3A_27, %swap3A_28], %broadcast_in_dim3A_26 {strides = array<i32>} : memref<1000x128xf32, #tpu.memory_space<vmem>>, vector<1000x128xf32>,
    return
  }
  func.func @transform_0(%arg0: i32) -> (i32, i32) {
    %c0_i32 = arith.constant 0 : i32
    %c0_i32_0 = arith.constant 0 : i32
    return %arg0, %c0_i32 : i32, i32
  }
  func.func @transform_1(%arg0: i32) -> (i32, i32) {
    %c0_i32 = arith.constant 0 : i32
    %c0_i32_0 = arith.constant 0 : i32
    %c0_i32_1 = arith.constant 0 : i32
    return %c0_i32, %c0_i32_0 : i32, i32
  }
  func.func @transform_2(%arg0: i32) -> (i32, i32, i32) {
    %c0_i32 = arith.constant 0 : i32
    %c0_i32_0 = arith.constant 0 : i32
    %c0_i32_1 = arith.constant 0 : i32
    return %c0_i32, %arg0, %c0_i32_0 : i32, i32, i32
  }
  func.func @transform_3(%arg0: i32) -> (i32, i32) {
    %c0_i32 = arith.constant 0 : i32
    %c0_i32_0 = arith.constant 0 : i32
    return %arg0, %c0_i32 : i32, i32
  }
  func.func @transform_4(%arg0: i32) -> (i32, i32) {
    %c0_i32 = arith.constant 0 : i32
    %c0_i32_0 = arith.constant 0 : i32
    return %arg0, %c0_i32 : i32, i32
  }
  func.func @transform_5(%arg0: i32) -> (i32, i32) {
    %c0_i32 = arith.constant 0 : i32
    %c0_i32_0 = arith.constant 0 : i32
    return %arg0, %c0_i32 : i32, i32
  }
}

module attributes {stable_mosaic.version = 14 : i64} {
  func.func @_mm2_body(%arg0: i32, %arg1: memref<1000x128xf32, #tpu.memory_space<vmem>>, %arg2: memref<1000x128xf32, #tpu.memory_space<vmem>>, %arg3: memref<1000x128xf32, #tpu.memory_space<vmem>>, %arg4: memref<256x64xf32, #tpu.memory_space<vmem>>, %arg5: memref<1000x128xf32, #tpu.memory_space<vmem>>) attributes {dimension_semantics = [#tpu.dimension_semantics<arbitrary>], iteration_bounds = array<i64: 10>, scalar_prefetch = 0 : i64, scratch_operands = 0 : i64, tpu.core_type = #tpu.core_type<tc>, window_params = [{transform_indices = @transform_0, window_bounds = array<i64: 1000, 128>}, {transform_indices = @transform_1, window_bounds = array<i64: 1000, 128>}, {transform_indices = @transform_2, window_bounds = array<i64: 1000, 128>}, {pipeline_mode = #tpu.pipeline_mode<synchronous>, transform_indices = @transform_3, window_bounds = array<i64: 256, 64>}, {transform_indices = @transform_4, window_bounds = array<i64: 1000, 128>}]} {
    %get3A = arith.constant 0 : index
    %get3A_0 = arith.constant 0 : index
    %get3A_1 = vector.load %arg3[%get3A, %get3A_0] : memref<1000x128xf32, #tpu.memory_space<vmem>>, vector<1000x128xf32>
    %get3A_2 = arith.constant 0 : index
    %get3A_3 = arith.constant 0 : index
    %get3A_4 = vector.load %arg1[%get3A_2, %get3A_3] : memref<1000x128xf32, #tpu.memory_space<vmem>>, vector<1000x128xf32>
    %mul3A = arith.mulf %get3A_4, %get3A_1 : vector<1000x128xf32>
    %max3A = arith.constant 0.000000e+00 : f32
    %max3A_5 = vector.broadcast %max3A : f32 to vector<1000x128xf32>
    %max3A_6 = arith.maximumf %mul3A, %max3A_5 : vector<1000x128xf32>
    %get3A_7 = arith.constant 0 : index
    %get3A_8 = arith.constant 0 : index
    %get3A_9 = vector.load %arg2[%get3A_7, %get3A_8] : memref<1000x128xf32, #tpu.memory_space<vmem>>, vector<1000x128xf32>
    %mul3A_10 = arith.mulf %get3A_9, %get3A_1 : vector<1000x128xf32>
    %max3A_11 = arith.constant 0.000000e+00 : f32
    %max3A_12 = vector.broadcast %max3A_11 : f32 to vector<1000x128xf32>
    %max3A_13 = arith.maximumf %mul3A_10, %max3A_12 : vector<1000x128xf32>
    %concatenate3A = tpu.concatenate %max3A_6, %max3A_13 in 1 : vector<1000x128xf32>, vector<1000x128xf32> -> vector<1000x256xf32>
    %get3A_14 = arith.constant 0 : index
    %get3A_15 = arith.constant 0 : index
    %get3A_16 = vector.load %arg4[%get3A_14, %get3A_15] : memref<256x64xf32, #tpu.memory_space<vmem>>, vector<256x64xf32>
    %dot_general3A = arith.constant dense<0.000000e+00> : vector<1000x64xf32>
    %dot_general3A_17 = tpu.matmul %concatenate3A, %get3A_16, %dot_general3A {dimension_numbers = #tpu.dot_dimension_numbers<[1], [0], [0], [1], [0, 0, 1, 1], [], []>, transpose_lhs_hint = false} : vector<1000x256xf32>, vector<256x64xf32>, vector<1000x64xf32> -> vector<1000x64xf32>
    %slice3A = vector.extract_strided_slice %get3A_1 {offsets = [0, 0], sizes = [1000, 64], strides = [1, 1]} : vector<1000x128xf32> to vector<1000x64xf32>
    %mul3A_18 = arith.mulf %dot_general3A_17, %slice3A : vector<1000x64xf32>
    %broadcast_in_dim3A = arith.constant 0.000000e+00 : f32
    %broadcast_in_dim3A_19 = vector.broadcast %broadcast_in_dim3A : f32 to vector<1000x64xf32>
    %concatenate3A_20 = tpu.concatenate %mul3A_18, %broadcast_in_dim3A_19 in 1 : vector<1000x64xf32>, vector<1000x64xf32> -> vector<1000x128xf32>
    %swap3A = arith.constant 0 : index
    %swap3A_21 = arith.constant 0 : index
    %swap3A_22 = vector.load %arg5[%swap3A, %swap3A_21] : memref<1000x128xf32, #tpu.memory_space<vmem>>, vector<1000x128xf32>
    tpu.vector_store %arg5[%swap3A, %swap3A_21], %concatenate3A_20 {strides = array<i32>} : memref<1000x128xf32, #tpu.memory_space<vmem>>, vector<1000x128xf32>,
    return
  }
  func.func @transform_0(%arg0: i32) -> (i32, i32) {
    %c0_i32 = arith.constant 0 : i32
    %c0_i32_0 = arith.constant 0 : i32
    return %arg0, %c0_i32 : i32, i32
  }
  func.func @transform_1(%arg0: i32) -> (i32, i32) {
    %c0_i32 = arith.constant 0 : i32
    %c0_i32_0 = arith.constant 0 : i32
    return %arg0, %c0_i32 : i32, i32
  }
  func.func @transform_2(%arg0: i32) -> (i32, i32) {
    %c0_i32 = arith.constant 0 : i32
    %c0_i32_0 = arith.constant 0 : i32
    return %arg0, %c0_i32 : i32, i32
  }
  func.func @transform_3(%arg0: i32) -> (i32, i32) {
    %c0_i32 = arith.constant 0 : i32
    %c0_i32_0 = arith.constant 0 : i32
    %c0_i32_1 = arith.constant 0 : i32
    return %c0_i32, %c0_i32_0 : i32, i32
  }
  func.func @transform_4(%arg0: i32) -> (i32, i32) {
    %c0_i32 = arith.constant 0 : i32
    %c0_i32_0 = arith.constant 0 : i32
    return %arg0, %c0_i32 : i32, i32
  }
}

module attributes {stable_mosaic.version = 14 : i64} {
  func.func @_tail_body(%arg0: i32, %arg1: memref<2x1000x128xf32, #tpu.memory_space<vmem>>, %arg2: memref<1000x128xf32, #tpu.memory_space<vmem>>, %arg3: memref<1000x64xf32, #tpu.memory_space<vmem>>) attributes {dimension_semantics = [#tpu.dimension_semantics<arbitrary>], iteration_bounds = array<i64: 10>, scalar_prefetch = 0 : i64, scratch_operands = 0 : i64, tpu.core_type = #tpu.core_type<tc>, window_params = [{transform_indices = @transform_0, window_bounds = array<i64: 2, 1000, 128>}, {transform_indices = @transform_1, window_bounds = array<i64: 1000, 128>}, {transform_indices = @transform_2, window_bounds = array<i64: 1000, 64>}]} {
    %get3A = arith.constant 0 : index
    %get3A_0 = arith.constant 0 : index
    %get3A_1 = arith.constant 0 : index
    %get3A_2 = vector.load %arg1[%get3A, %get3A_0, %get3A_1] : memref<2x1000x128xf32, #tpu.memory_space<vmem>>, vector<1x1000x128xf32>
    %get3A_3 = vector.shape_cast %get3A_2 : vector<1x1000x128xf32> to vector<1000x128xf32>
    %slice3A = vector.extract_strided_slice %get3A_3 {offsets = [0, 0], sizes = [1000, 64], strides = [1, 1]} : vector<1000x128xf32> to vector<1000x64xf32>
    %get3A_4 = arith.constant 1 : index
    %get3A_5 = arith.constant 0 : index
    %get3A_6 = arith.constant 0 : index
    %get3A_7 = vector.load %arg1[%get3A_4, %get3A_5, %get3A_6] : memref<2x1000x128xf32, #tpu.memory_space<vmem>>, vector<1x1000x128xf32>
    %get3A_8 = vector.shape_cast %get3A_7 : vector<1x1000x128xf32> to vector<1000x128xf32>
    %slice3A_9 = vector.extract_strided_slice %get3A_8 {offsets = [0, 0], sizes = [1000, 64], strides = [1, 1]} : vector<1000x128xf32> to vector<1000x64xf32>
    %add3A = arith.addf %slice3A, %slice3A_9 : vector<1000x64xf32>
    %get3A_10 = arith.constant 0 : index
    %get3A_11 = arith.constant 0 : index
    %get3A_12 = vector.load %arg2[%get3A_10, %get3A_11] : memref<1000x128xf32, #tpu.memory_space<vmem>>, vector<1000x128xf32>
    %slice3A_13 = vector.extract_strided_slice %get3A_12 {offsets = [0, 0], sizes = [1000, 64], strides = [1, 1]} : vector<1000x128xf32> to vector<1000x64xf32>
    %mul3A = arith.mulf %add3A, %slice3A_13 : vector<1000x64xf32>
    %swap3A = arith.constant 0 : index
    %swap3A_14 = arith.constant 0 : index
    %swap3A_15 = vector.load %arg3[%swap3A, %swap3A_14] : memref<1000x64xf32, #tpu.memory_space<vmem>>, vector<1000x64xf32>
    tpu.vector_store %arg3[%swap3A, %swap3A_14], %mul3A {strides = array<i32>} : memref<1000x64xf32, #tpu.memory_space<vmem>>, vector<1000x64xf32>,
    return
  }
  func.func @transform_0(%arg0: i32) -> (i32, i32, i32) {
    %c0_i32 = arith.constant 0 : i32
    %c0_i32_0 = arith.constant 0 : i32
    %c0_i32_1 = arith.constant 0 : i32
    return %c0_i32, %arg0, %c0_i32_0 : i32, i32, i32
  }
  func.func @transform_1(%arg0: i32) -> (i32, i32) {
    %c0_i32 = arith.constant 0 : i32
    %c0_i32_0 = arith.constant 0 : i32
    return %arg0, %c0_i32 : i32, i32
  }
  func.func @transform_2(%arg0: i32) -> (i32, i32) {
    %c0_i32 = arith.constant 0 : i32
    %c0_i32_0 = arith.constant 0 : i32
    return %arg0, %c0_i32 : i32, i32
  }
}

</mosaic_0001>

<sc_bundles>
// kernel: gather_offload_async_start.1
scs
__scs_entry_jumppad:
0x0: {  	(pc) =	sbr.rel $0x88, $3  }
0x1: {  	(tag) =	ssettag $0x0;
	lr =	simm.s32 $0x1  }
0x2: {  	[smem:$0x3F9D] =	sst lr;
	_ =	strace $0xD0000000  }
0x3: {  	_ = 	snop  }
0x4: {  	_ = 	snop  }
0x5: {  	_ = 	snop  }
0x6: {  	_ = 	snop  }
0x7: {  	_ = 	snop  }
__scs_overlays_trampoline_lowered:
0x8: {  	[smem:$0x3FAC] =	sst s0  }
0x9: {  	[smem:$0x3FAD] =	sst s1  }
0xa: {  	[smem:$0x3FAE] =	sst s2  }
0xb: {  	[smem:$0x3FAF] =	sst s3  }
0xc: {  	[smem:$0x3FB0] =	sst s4  }
0xd: {  	[smem:$0x3FB1] =	sst s5  }
0xe: {  	[smem:$0x3FB2] =	sst s6  }
0xf: {  	[smem:$0x3FB3] =	sst s7  }
0x10: {  	[smem:$0x3FB4] =	sst s8  }
0x11: {  	[smem:$0x3FB5] =	sst s9;
	s0 =	simm.s32 @!p0 $0x0  }
0x12: {  	s1 =	sld [smem:$0x3F9B];
	s0 =	simm.s32 @p0 $0x1  }
0x13: {  	[smem:$0x3FB6] =	sst s0;
	s0 =	simm.s32 @!p1 $0x0  }
0x14: {  	s2 =	sld [smem:$0x3F9A];
	s0 =	simm.s32 @p1 $0x1  }
0x15: {  	[smem:$0x3FB7] =	sst s0;
	s0 =	simm.s32 @!p2 $0x0  }
0x16: {  	s3 =	sld [smem:$0x3FDB];
	s0 =	simm.s32 @p2 $0x1  }
0x17: {  	s4 =	simm.s32 $0x1BF5;
	[smem:$0x3FB9] =	sst s0  }
0x18: {  	s0 =	sld [smem:$0x3F9C];
	_ =	swait.ge [sflag:s4], $0x0  }
0x19: {  	s7 =	sld [smem:$0x3F9D]  }
0x1a: {  	s8 =	sadd.s32 $0xFFFFE003, lr  }
0x1b: {  	s9 =	sadd.s32 $0xFFFFFEF7, lr;
	s5 =	simm.s32 $0xFFFFFFFF;
	p2 =	slt.u32 s8, $0xFFFFF086  }
0x1c: {  	p1 =	slt.u32 s9, $0xF7A;
	s5 =	simm.s32 @!p2 $0x0  }
0x1d: {  	s5 =	simm.s32 @p1 $0x1;
	p0 =	seq.s32 s7, s2  }
0x1e: {  	s7 =	smul.u32 @!p0 $0xF7A, s2;
	p2 =	seq.s32 @!p0 s5, $0x0  }
0x1f: {  	s9 =	smul.u32 $0xF7A, s1;
	s8 =	simm.s32 @!p0 $0x1BF5;
	p2 =	por !p2, p0  }
0x20: {  	[sflag:s8] =	ssyncset.s32 @!p0 $0xFFFFF086;
	s6 =	sadd.s32 @!p0 s3, s7;
	s7 =	simm.s32 @!p0 $0x108  }
0x21: {  	s3 =	sadd.s32 s3, s9;
	s6 =	sadd.s32 @!p0 $0x88, s6;
	s7 =	simm.s32 @p2 $0x1082  }
0x22: {  	[simem:s7], [sflag:s8] =	dma.local @!p0 [hbm:s6], $0xF7A  }
0x23: {  	s9 =	sor.u32 $0xD0000000, s2;
	s6 =	simm.s32 $0x108;
	_ =	swait.ge @!p0 [sflag:s8], $0x0  }
0x24: {  	s3 =	sadd.s32 $0x88, s3;
	s6 =	simm.s32 @!p1 $0x1082;
	[sflag:s4] =	ssyncset.s32 $0xFFFFF086  }
0x25: {  	[simem:s6], [sflag:s4] =	dma.local [hbm:s3], $0xF7A  }
0x26: {  	[smem:$0x3F9D] =	sst s1;
	(tag) =	ssettag s2;
	_ =	strace s9  }
0x27: {  	s1 =	sld [smem:$0x3FAD]  }
0x28: {  	s2 =	sld [smem:$0x3FAE]  }
0x29: {  	s4 =	sld [smem:$0x3FB0]  }
0x2a: {  	p0 =	seq.s32 s5, $0x0;
	s5 =	sld [smem:$0x3FB1]  }
0x2b: {  	s6 =	sld [smem:$0x3FB2]  }
0x2c: {  	s7 =	sld [smem:$0x3FB3]  }
0x2d: {  	s3 =	simm.s32 $0x108;
	s8 =	sld [smem:$0x3FB4]  }
0x2e: {  	s3 =	simm.s32 @!p0 $0x1082;
	s9 =	sld [smem:$0x3FB5]  }
0x2f: {  	lr =	sadd.s32 s0, s3;
	s0 =	sld [smem:$0x3FAC]  }
0x30: {  	s3 =	sld [smem:$0x3FAF]  }
0x31: {  	[smem:$0x3FB8] =	sst s10  }
0x32: {  	s10 =	sld [smem:$0x3FB6];
	_ =	sdelay $0x3  }
0x33: {  	p0 =	seq.s32 s10, $0x1;
	s10 =	sld [smem:$0x3FB8];
	_ =	sdelay $0x3  }
0x34: {  	[smem:$0x3FB8] =	sst s10  }
0x35: {  	s10 =	sld [smem:$0x3FB7];
	_ =	sdelay $0x3  }
0x36: {  	p1 =	seq.s32 s10, $0x1;
	s10 =	sld [smem:$0x3FB8];
	_ =	sdelay $0x3  }
0x37: {  	[smem:$0x3FB8] =	sst s10  }
0x38: {  	s10 =	sld [smem:$0x3FB9]  }
0x39: {  	_ = 	snop;
	(pc) =	sbr.ind lr, $3  }
0x3a: {  	_ = 	snop  }
0x3b: {  	_ = 	snop  }
0x3c: {  	p2 =	seq.s32 s10, $0x1;
	s10 =	sld [smem:$0x3FB8]  }
0x3d: {  	_ =	shalt  }
0x3e: {  	_ =	shalt  }
0x3f: {  	_ =	shalt  }
0x40: {  	_ =	shalt  }
0x41: {  	_ =	shalt  }
0x42: {  	_ =	shalt  }
0x43: {  	_ =	shalt  }
0x44: {  	_ =	shalt  }
0x45: {  	_ =	shalt  }
0x46: {  	_ =	shalt  }
0x47: {  	_ =	shalt  }
0x48: {  	_ =	shalt  }
0x49: {  	_ =	shalt  }
0x4a: {  	_ =	shalt  }
0x4b: {  	_ =	shalt  }
0x4c: {  	_ =	shalt  }
0x4d: {  	_ =	shalt  }
0x4e: {  	_ =	shalt  }
0x4f: {  	_ =	shalt  }
0x50: {  	_ =	shalt  }
0x51: {  	_ =	shalt  }
0x52: {  	_ =	shalt  }
0x53: {  	_ =	shalt  }
0x54: {  	_ =	shalt  }
0x55: {  	_ =	shalt  }
0x56: {  	_ =	shalt  }
0x57: {  	_ =	shalt  }
0x58: {  	_ =	shalt  }
0x59: {  	_ =	shalt  }
0x5a: {  	_ =	shalt  }
0x5b: {  	_ =	shalt  }
0x5c: {  	_ =	shalt  }
0x5d: {  	_ =	shalt  }
0x5e: {  	_ =	shalt  }
0x5f: {  	_ =	shalt  }
0x60: {  	_ =	shalt  }
0x61: {  	_ =	shalt  }
0x62: {  	_ =	shalt  }
0x63: {  	_ =	shalt  }
0x64: {  	_ =	shalt  }
0x65: {  	_ =	shalt  }
0x66: {  	_ =	shalt  }
0x67: {  	_ =	shalt  }
0x68: {  	_ =	shalt  }
0x69: {  	_ =	shalt  }
0x6a: {  	_ =	shalt  }
0x6b: {  	_ =	shalt  }
0x6c: {  	_ =	shalt  }
0x6d: {  	_ =	shalt  }
0x6e: {  	_ =	shalt  }
0x6f: {  	_ =	shalt  }
0x70: {  	_ =	shalt  }
0x71: {  	_ =	shalt  }
0x72: {  	_ =	shalt  }
0x73: {  	_ =	shalt  }
0x74: {  	_ =	shalt  }
0x75: {  	_ =	shalt  }
0x76: {  	_ =	shalt  }
0x77: {  	_ =	shalt  }
0x78: {  	_ =	shalt  }
0x79: {  	_ =	shalt  }
0x7a: {  	_ =	shalt  }
0x7b: {  	_ =	shalt  }
0x7c: {  	_ =	shalt  }
0x7d: {  	_ =	shalt  }
0x7e: {  	_ =	shalt  }
0x7f: {  	_ =	shalt  }
0x80: {  	_ =	shalt  }
0x81: {  	_ =	shalt  }
0x82: {  	_ =	shalt  }
0x83: {  	_ =	shalt  }
0x84: {  	_ =	shalt  }
0x85: {  	_ =	shalt  }
0x86: {  	_ =	shalt  }
0x87: {  	_ =	shalt  }
.Lfunc_end0:
.L_simem_size_0:
called_computation.1_lowered:
.L_overlay_start_0:
0x88: {  	s2 =	sld [smem:$0x3FD9]  }
0x89: {  	s3 =	sld [smem:$0x3FFE];
	_ =	sdelay $0x1  }
0x8a: {  	s1 =	srdreg.scid  }
0x8b: {  	s0 =	sand.u32 $0x1, s1  }
0x8c: {  	s17 =	sshll.u32 s0, $0xA;
	s2 =	sadd.s32 s3, s2  }
0x8d: {  	s2 =	sadd.s32 s2, s17  }
0x8e: {  	[smem:$0x3FC4] =	sst s2  }
0x8f: {  	_ = 	snop  }
0x90: {  	s2 =	sld [smem:$0x3FD0];
	(tm) =	ssettm $0x1  }
0x91: {  	s18 =	sld [smem:$0x3FFB];
	_ =	sdelay $0x3  }
0x92: {  	_ =	strace s18  }
0x93: {  	s3 =	sld [smem:$0x3FFC];
	_ =	sdelay $0x3  }
0x94: {  	_ =	strace s3  }
0x95: {  	s3 =	sld [smem:$0x3FFD];
	_ =	sdelay $0x3  }
0x96: {  	_ =	strace s3  }
0x97: {  	_ =	strace $0x8FFFFFFF  }
0x98: {  	s19 =	sld [smem:$0x3FDB];
	_ =	sdelay $0x1  }
0x99: {  	s4 =	simm.s32 $_scs_section_size  }
0x9a: {  	s5 =	simm.s32 $_size__tile_overlayer_lowered;
	s6 =	simm.s32 $_tile_overlayer_lowered  }
0x9b: {  	s22 =	simm.s32 $0x1BFF;
	s21 =	sshll.u32 s6, $0x1;
	s3 =	sadd.s32 s4, s19  }
0x9c: {  	s7 =	simm.s32 $0x0;
	s20 =	sshll.u32 s5, $0x1;
	s5 =	sadd.s32 s21, s3  }
0x9d: {  	[timem:s7], [sflag:s22] =	dma.local [hbm:s5], s20  }
0x9e: {  	_ =	swait.ge [sflag:s22], s20  }
0x9f: {  	s4 =	ssub.s32 $0x0, s20;
	[sflag:s22] =	ssyncset.done $0x0  }
0xa0: {  	[sflag:s22] =	ssyncadd.s32 s4;
	_ =	sdelay $0x1  }
0xa1: {  	s23 =	simm.s32 $0x1B8B  }
0xa2: {  	_ =	swait.ge [sflag:s23], $0x1  }
0xa3: {  	[sflag:s23] =	ssyncset.done $0x0  }
0xa4: {  	s25 =	simm.s32 $0x1B8E;
	s24 =	sld [smem:$0x3FFE];
	[sflag:s23] =	ssyncadd.s32 $0xFFFFFFFF  }
0xa5: {  	s26 =	simm.s32 $execute0_lowered;
	[smem:$0x3FD2] =	sst s25  }
0xa6: {  	s5 =	sshll.u32 s26, $0x1;
	_ =	strace $0x80000046;
	[dreg:$0x1] =	wrdreg $0xFFFFFFFF  }
0xa7: {  	s28 =	simm.s32 $_size_execute0_lowered;
	s3 =	sadd.s32 s3, s5;
	[dreg:$0x0] =	wrdreg $0x0  }
0xa8: {  	s5 =	sshll.u32 s28, $0x1;
	[dreg:$0x2] =	wrdreg s3  }
0xa9: {  	[dreg:$0x3] =	wrdreg s5  }
0xaa: {  	[dreg:$0x4] =	wrdreg $0xC0  }
0xab: {  	_ =	task [dreg:s7], $0x5FFFF  }
0xac: {  	[dreg:$0x1] =	wrdreg $0xFFFFFFFF  }
0xad: {  	[dreg:$0x0] =	wrdreg $0x60  }
0xae: {  	[dreg:$0x2] =	wrdreg s2  }
0xaf: {  	[dreg:$0x3] =	wrdreg s24  }
0xb0: {  	[dreg:$0x4] =	wrdreg $0x9  }
0xb1: {  	_ =	task.clear_ibuf [dreg:s7], $0x5FFFF;
	_ =	strace $0x90000046  }
0xb2: {  	s29 =	simm.s32 $0x9;
	_ =	strace $0x80000048  }
0xb3: {  	_ =	swait.ge [sflag:s29], $0x1  }
0xb4: {  	[sflag:s29] =	ssyncadd.s32 $0xFFFFFFFF  }
0xb5: {  	_ =	strace $0x90000048  }
0xb6: {  	_ =	sfence  }
0xb7: {  	s30 =	sld [smem:$0x0];
	_ =	sdelay $0x2  }
0xb8: {  	s31 =	sshll.u32 s1, $0xD;
	s1 =	sshrl.u32 s1, $0x2  }
0xb9: {  	s3 =	sand.u32 $0x4000, s31;
	s1 =	sadd.s32 s1, s30  }
0xba: {  	s0 =	sor.u32 s3, s0;
	s1 =	sshll.u32 s1, $0x11  }
0xbb: {  	s0 =	sor.u32 s1, s0  }
0xbc: {  	s0 =	sadd.s32 $0x8F2B, s0  }
0xbd: {  	[sflag:s0] =	ssyncadd.remote.s32 $0x1  }
0xbe: {  	_ =	sfence.sel $0xFFFF  }
0xbf: {  	[dreg:$0x0] =	wrdreg $0xFFFFFFFF;
	(pc) =	sbr.abs _section_cstart, $3  }
0xc0: {  	[dreg:$0x1] =	wrdreg $0xFFFFFFFF  }
0xc1: {  	_ =	task.clear_ibuf [dreg:s7], $0x2FFFF;
	_ =	strace $0x9FFFFFFF  }
0xc2: {  	(tm) =	ssettm $0x7FFFFFFF  }
0xc3: {  	_ =	shalt  }
tec
execute0_lowered:
.L_overlay_start_1:
0x0: {  	(tag) =	ssettag $0x1  }
0x1: {  	s2 =	rddreg [dreg:$0x0]  }
0x2: {  	s8 =	rddreg [dreg:$0x1]  }
0x3: {  	s0 =	rddreg [dreg:$0x2];
	s1 =	stileid.u32  }
0x4: {  	s3 =	srdreg.scid;
	_ =	strace $0x80000047;
	s4 =	simm.s32 $0x1  }
0x5: {  	s7 =	simm.s32 $0x1;
	s9 =	simm.s32 $0x1;
	s10 =	simm.s32 $0x3  }
0x6: {  	s13 =	simm.s32 $0x0;
	s5 =	sand.u32 $0x1, s3;
	s6 =	sshll.u32 s1, $0x1  }
0x7: {  	s12 =	simm.s32 $0x0;
	s3 =	sadd.s32 $0x6800, s8;
	s5 =	sor.u32 s6, s5  }
.Ltmp0:
0x8: {  	[sflag:s4] =	ssyncpa.u1 $0x0;
	p0 =	slt.u32 s5, $0x9;
	(pc) =	sbr.rel .LBB2_1-.Ltmp0, $4  }
0x9: {  	s6 =	simm.s32 $0x2;
	s7 =	simm.s32 @!p0 $0x0;
	p0 =	sne.s32 s5, $0x8  }
0xa: {  	[sflag:s6] =	ssyncpa.u1 $0x0;
	s5 =	smul.u32 $0xFA0, s5;
	s9 =	simm.s32 @!p0 $0x0  }
0xb: {  	s8 =	sadd.s32 $0xB800, s8;
	[sflag:s10] =	ssyncpa.u1 $0x0;
	s7 =	sadd.s32 s9, s7  }
0xc: {  	vm0 =	vmmov $0xffff;
	s10 =	simm.s32 $0x0;
	s11 =	smov.u32 s5;
	s9 =	sadd.s32 $0x1, s7  }
.LBB2_4:
0xd: {  	v2 =	vnsel vm1, $0x0, v2  }
0xe: {  	vm1 =	vgt.s32 v0, $0x0;
	v2 =	vmin.u32 v2, $0x270FF  }
0xf: {  	v0 =	vnsel vm1, $0x0, v0  }
0x10: {  	v0 =	vmin.u32 v0, $0x270FF  }
0x11: {  	[tilespmem:s18], [sflag:$0x1] =	stream.indirect_vreg.gather [hbm4b:s2+s10], $0x1, v1, vm0, $0x4038;
	[tilespmem:$0x3E80] =	vst v63  }
0x12: {  	(ifvalue) =	ssetifvalue $0x7FFFFFFF  }
0x13: {  	[tilespmem:s15], [sflag:$0x1] =	stream.indirect_vreg.gather [hbm4b:s2+s10], $0x1, v2, vm0, $0x4038;
	[tilespmem:$0x3E80] =	vst v63  }
0x14: {  	s29 =	sadd.s32 $0x10, s15;
	(ifvalue) =	ssetifvalue $0x7FFFFFFF  }
0x15: {  	[tilespmem:s29], [sflag:$0x1] =	stream.indirect_vreg.gather [hbm4b:s2+s10], $0x1, v0, vm0, $0x4038;
	[tilespmem:$0x3E80] =	vst v63  }
0x16: {  	_ =	swait.ge [sflag:s4], $0xFA0  }
0x17: {  	s30 =	sshrl.u32 s13, $0x3;
	[sflag:s4] =	ssyncset.done $0x0  }
0x18: {  	s31 =	sand.u32 $0x7, s13;
	s15 =	sadd.s32 s8, s30;
	[sflag:s4] =	ssyncadd.s32 $0xFFFFF060  }
0x19: {  	[hbm4b:s15+s31] =	stream.linear.scatter [tilespmem:s14], [sflag:$0x3], $0xFA0, $0x38;
	[tilespmem:$0x3E80] =	vst v63  }
.LBB2_5:
0x1a: {  	s15 =	sadd.s32 $0x1F400, s11  }
0x1b: {  	p1 =	sgt.s32 s15, $0x270FF  }
0x1c: {  	s15 =	smov.u32 @p1 s5;
	p1 =	sne.s32 s12, s9  }
.Ltmp1:
0x1d: {  	p0 =	slt.u32 s12, $0x2;
	(pc) =	sbr.rel @!p1 .LBB2_6-.Ltmp1, $4  }
0x1e: {  	s14 =	simm.s32 @!p0 $0x3  }
0x1f: {  	_ =	swait.ge @!p0 [sflag:s14], $0xFA0  }
0x20: {  	s16 =	sadd.s32 $0x1, s12;
	s13 =	smov.u32 s11;
	[sflag:s14] =	ssyncset.done @!p0 $0x0  }
0x21: {  	s12 =	smov.u32 s16;
	s11 =	smov.u32 s15;
	[sflag:s14] =	ssyncadd.s32 @!p0 $0xFFFFF060  }
.LBB2_1:
0x22: {  	p0 =	sge.u32 s12, s7  }
0x23: {  	s14 =	sxor.u32 @!p0 $0x1, s12  }
0x24: {  	s14 =	smul.u32 @!p0 $0x3E80, s14  }
0x25: {  	s31 =	sadd.s32 $0xFFFFFFFF, s12;
	s15 =	sshrl.u32 @!p0 s11, $0x3  }
0x26: {  	s16 =	sand.u32 @!p0 $0x7, s11;
	s15 =	sadd.s32 @!p0 s3, s15;
	s14 =	sshra.s32 @!p0 s14, $0x2  }
0x27: {  	[tilespmem:s14], [sflag:$0x2] =	stream.linear.gather @!p0 [hbm4b:s15+s16], $0xFA0, $0x38;
	[tilespmem:$0x3E80] =	vst v63  }
0x28: {  	p0 =	sge.u32 s31, s7  }
.Ltmp2:
0x29: {  	_ = 	snop;
	(pc) =	sbr.rel @p0 .LBB2_5-.Ltmp2, $1  }
0x2a: {  	_ =	sdelay $0x3  }
0x2b: {  	s14 =	sand.u32 $0x1, s12  }
0x2c: {  	_ =	swait.ge [sflag:s6], $0xFA0;
	p0 =	seq.s32 s14, $0x1;
	s14 =	simm.s32 $0xFA0  }
0x2d: {  	[sflag:s6] =	ssyncset.done $0x0;
	s14 =	simm.s32 @!p0 $0x0  }
0x2e: {  	[sflag:s6] =	ssyncadd.s32 $0xFFFFF060;
	(ifvalue) =	ssetifvalue $0x7FFFFFFF;
	v0 =	vld.msk [tilespmem:s14+$0x0 ss:$0x1], $0xffff;
	_ =	sdelay $0x4  }
0x2f: {  	s15 =	sadd.s32 $0x10, s14;
	vm1 =	vgt.s32 v0, $0x0  }
0x30: {  	v2 =	vld.msk [tilespmem:s15+$0x0 ss:$0x1], $0xffff;
	v1 =	vnsel vm1, $0x0, v0  }
0x31: {  	v1 =	vmin.u32 v1, $0x270FF;
	_ =	sdelay $0x2  }
0x32: {  	s17 =	simm.s32 $0x20;
	s14 =	sadd.s32 $0x1F40, s14;
	s16 =	sadd.s32 $0x10, s15  }
0x33: {  	s15 =	sadd.s32 $0x10, s14;
	s18 =	smov.u32 s14;
	v0 =	vld.msk [tilespmem:s16+$0x0 ss:$0x1], $0xffff;
	vm1 =	vgt.s32 v2, $0x0;
	(ifvalue) =	ssetifvalue $0x7FFFFFFF  }
.LBB2_3:
0x34: {  	[tilespmem:s18], [sflag:$0x1] =	stream.indirect_vreg.gather [hbm4b:s2+s10], $0x1, v1, vm0, $0x4038;
	[tilespmem:$0x3E80] =	vst v63  }
0x35: {  	s17 =	sadd.s32 $0x10, s17  }
0x36: {  	v2 =	vnsel vm1, $0x0, v2;
	p0 =	slt.u32 s17, $0xF90  }
.Ltmp3:
0x37: {  	s18 =	smov.u32 s15;
	v1 =	vmin.u32 v2, $0x270FF;
	(pc) =	sbr.rel @p0 .LBB2_3-.Ltmp3, $3  }
0x38: {  	_ =	sdelay $0x1  }
0x39: {  	s16 =	sadd.s32 $0x10, s16  }
0x3a: {  	vm1 =	vgt.s32 v0, $0x0;
	s15 =	sadd.s32 $0x10, s15;
	v2 =	vmov v0;
	(ifvalue) =	ssetifvalue $0x7FFFFFFF;
	v0 =	vld.msk [tilespmem:s16+$0x0 ss:$0x1], $0xffff  }
.Ltmp4:
0x3b: {  	_ = 	snop;
	(pc) =	sbr.rel .LBB2_4-.Ltmp4, $1  }
0x3c: {  	_ =	sdelay $0x3  }
.LBB2_6:
0x3d: {  	_ =	sfence.sel $0x180000  }
0x3e: {  	s2 =	simm.s32 $0x2;
	[bflag:$0x0] =	sbarrier.arrive $0xFFFF  }
0x3f: {  	s30 =	simm.s32 $0x3;
	[sflag:s2] =	ssyncpa.u1 $0x1  }
0x40: {  	s31 =	simm.s32 $0x1;
	[sflag:s30] =	ssyncpa.u1 $0x1  }
0x41: {  	[sflag:s31] =	ssyncpa.u1 $0x1  }
0x42: {  	p0 =	sne.s32 s1, $0x0;
	_ =	strace $0x90000047  }
0x43: {  	s0 =	sadd.s32 @!p0 $0x100000, s0;
	[bflag:$0x2] =	sbarrier.arrive $0xFFFF  }
0x44: {  	[sflag:s0] =	ssyncadd.tile.s32 @!p0 $0x1;
	_ =	shalt  }
.Lfunc_end2:
_tile_overlayer_lowered:
.L_overlay_start_2:
0x45: {  	(tag) =	ssettag $0x2  }
0x46: {  	s0 =	rddreg [dreg:$0x0];
	s2 =	stileid.u32  }
0x47: {  	s1 =	rddreg [dreg:$0x1];
	p0 =	sne.s32 s2, $0x0  }
0x48: {  	s3 =	rddreg [dreg:$0x2];
	[bflag:$0x3] =	sbarrier.arrive $0xFFFF;
	s2 =	simm.s32 @!p0 $0x1C01  }
0x49: {  	[timem:s3], [sflag:s2] =	dma.local @!p0 [hbm:s0], s1  }
0x4a: {  	s0 =	simm.s32 @!p0 $0x1  }
0x4b: {  	_ =	swait.ge @!p0 [sflag:s0], s1  }
0x4c: {  	s1 =	ssub.s32 @!p0 $0x0, s1;
	[sflag:s0] =	ssyncset.done @!p0 $0x0  }
0x4d: {  	[sflag:s0] =	ssyncadd.s32 @!p0 s1  }
0x4e: {  	[bflag:$0x3] =	sbarrier.arrive $0xFFFF  }
0x4f: {  	_ =	shalt  }

// kernel: gather_offload_async_start
scs
__scs_entry_jumppad:
0x0: {  	(pc) =	sbr.rel $0x88, $3  }
0x1: {  	(tag) =	ssettag $0x0;
	lr =	simm.s32 $0x1  }
0x2: {  	[smem:$0x3F9D] =	sst lr;
	_ =	strace $0xD0000000  }
0x3: {  	_ = 	snop  }
0x4: {  	_ = 	snop  }
0x5: {  	_ = 	snop  }
0x6: {  	_ = 	snop  }
0x7: {  	_ = 	snop  }
__scs_overlays_trampoline_lowered:
0x8: {  	[smem:$0x3FAC] =	sst s0  }
0x9: {  	[smem:$0x3FAD] =	sst s1  }
0xa: {  	[smem:$0x3FAE] =	sst s2  }
0xb: {  	[smem:$0x3FAF] =	sst s3  }
0xc: {  	[smem:$0x3FB0] =	sst s4  }
0xd: {  	[smem:$0x3FB1] =	sst s5  }
0xe: {  	[smem:$0x3FB2] =	sst s6  }
0xf: {  	[smem:$0x3FB3] =	sst s7  }
0x10: {  	[smem:$0x3FB4] =	sst s8  }
0x11: {  	[smem:$0x3FB5] =	sst s9;
	s0 =	simm.s32 @!p0 $0x0  }
0x12: {  	s1 =	sld [smem:$0x3F9B];
	s0 =	simm.s32 @p0 $0x1  }
0x13: {  	[smem:$0x3FB6] =	sst s0;
	s0 =	simm.s32 @!p1 $0x0  }
0x14: {  	s2 =	sld [smem:$0x3F9A];
	s0 =	simm.s32 @p1 $0x1  }
0x15: {  	[smem:$0x3FB7] =	sst s0;
	s0 =	simm.s32 @!p2 $0x0  }
0x16: {  	s3 =	sld [smem:$0x3FDB];
	s0 =	simm.s32 @p2 $0x1  }
0x17: {  	s4 =	simm.s32 $0x1BF5;
	[smem:$0x3FB9] =	sst s0  }
0x18: {  	s0 =	sld [smem:$0x3F9C];
	_ =	swait.ge [sflag:s4], $0x0  }
0x19: {  	s7 =	sld [smem:$0x3F9D]  }
0x1a: {  	s8 =	sadd.s32 $0xFFFFE003, lr  }
0x1b: {  	s9 =	sadd.s32 $0xFFFFFEF7, lr;
	s5 =	simm.s32 $0xFFFFFFFF;
	p2 =	slt.u32 s8, $0xFFFFF086  }
0x1c: {  	p1 =	slt.u32 s9, $0xF7A;
	s5 =	simm.s32 @!p2 $0x0  }
0x1d: {  	s5 =	simm.s32 @p1 $0x1;
	p0 =	seq.s32 s7, s2  }
0x1e: {  	s7 =	smul.u32 @!p0 $0xF7A, s2;
	p2 =	seq.s32 @!p0 s5, $0x0  }
0x1f: {  	s9 =	smul.u32 $0xF7A, s1;
	s8 =	simm.s32 @!p0 $0x1BF5;
	p2 =	por !p2, p0  }
0x20: {  	[sflag:s8] =	ssyncset.s32 @!p0 $0xFFFFF086;
	s6 =	sadd.s32 @!p0 s3, s7;
	s7 =	simm.s32 @!p0 $0x108  }
0x21: {  	s3 =	sadd.s32 s3, s9;
	s6 =	sadd.s32 @!p0 $0x88, s6;
	s7 =	simm.s32 @p2 $0x1082  }
0x22: {  	[simem:s7], [sflag:s8] =	dma.local @!p0 [hbm:s6], $0xF7A  }
0x23: {  	s9 =	sor.u32 $0xD0000000, s2;
	s6 =	simm.s32 $0x108;
	_ =	swait.ge @!p0 [sflag:s8], $0x0  }
0x24: {  	s3 =	sadd.s32 $0x88, s3;
	s6 =	simm.s32 @!p1 $0x1082;
	[sflag:s4] =	ssyncset.s32 $0xFFFFF086  }
0x25: {  	[simem:s6], [sflag:s4] =	dma.local [hbm:s3], $0xF7A  }
0x26: {  	[smem:$0x3F9D] =	sst s1;
	(tag) =	ssettag s2;
	_ =	strace s9  }
0x27: {  	s1 =	sld [smem:$0x3FAD]  }
0x28: {  	s2 =	sld [smem:$0x3FAE]  }
0x29: {  	s4 =	sld [smem:$0x3FB0]  }
0x2a: {  	p0 =	seq.s32 s5, $0x0;
	s5 =	sld [smem:$0x3FB1]  }
0x2b: {  	s6 =	sld [smem:$0x3FB2]  }
0x2c: {  	s7 =	sld [smem:$0x3FB3]  }
0x2d: {  	s3 =	simm.s32 $0x108;
	s8 =	sld [smem:$0x3FB4]  }
0x2e: {  	s3 =	simm.s32 @!p0 $0x1082;
	s9 =	sld [smem:$0x3FB5]  }
0x2f: {  	lr =	sadd.s32 s0, s3;
	s0 =	sld [smem:$0x3FAC]  }
0x30: {  	s3 =	sld [smem:$0x3FAF]  }
0x31: {  	[smem:$0x3FB8] =	sst s10  }
0x32: {  	s10 =	sld [smem:$0x3FB6];
	_ =	sdelay $0x3  }
0x33: {  	p0 =	seq.s32 s10, $0x1;
	s10 =	sld [smem:$0x3FB8];
	_ =	sdelay $0x3  }
0x34: {  	[smem:$0x3FB8] =	sst s10  }
0x35: {  	s10 =	sld [smem:$0x3FB7];
	_ =	sdelay $0x3  }
0x36: {  	p1 =	seq.s32 s10, $0x1;
	s10 =	sld [smem:$0x3FB8];
	_ =	sdelay $0x3  }
0x37: {  	[smem:$0x3FB8] =	sst s10  }
0x38: {  	s10 =	sld [smem:$0x3FB9]  }
0x39: {  	_ = 	snop;
	(pc) =	sbr.ind lr, $3  }
0x3a: {  	_ = 	snop  }
0x3b: {  	_ = 	snop  }
0x3c: {  	p2 =	seq.s32 s10, $0x1;
	s10 =	sld [smem:$0x3FB8]  }
0x3d: {  	_ =	shalt  }
0x3e: {  	_ =	shalt  }
0x3f: {  	_ =	shalt  }
0x40: {  	_ =	shalt  }
0x41: {  	_ =	shalt  }
0x42: {  	_ =	shalt  }
0x43: {  	_ =	shalt  }
0x44: {  	_ =	shalt  }
0x45: {  	_ =	shalt  }
0x46: {  	_ =	shalt  }
0x47: {  	_ =	shalt  }
0x48: {  	_ =	shalt  }
0x49: {  	_ =	shalt  }
0x4a: {  	_ =	shalt  }
0x4b: {  	_ =	shalt  }
0x4c: {  	_ =	shalt  }
0x4d: {  	_ =	shalt  }
0x4e: {  	_ =	shalt  }
0x4f: {  	_ =	shalt  }
0x50: {  	_ =	shalt  }
0x51: {  	_ =	shalt  }
0x52: {  	_ =	shalt  }
0x53: {  	_ =	shalt  }
0x54: {  	_ =	shalt  }
0x55: {  	_ =	shalt  }
0x56: {  	_ =	shalt  }
0x57: {  	_ =	shalt  }
0x58: {  	_ =	shalt  }
0x59: {  	_ =	shalt  }
0x5a: {  	_ =	shalt  }
0x5b: {  	_ =	shalt  }
0x5c: {  	_ =	shalt  }
0x5d: {  	_ =	shalt  }
0x5e: {  	_ =	shalt  }
0x5f: {  	_ =	shalt  }
0x60: {  	_ =	shalt  }
0x61: {  	_ =	shalt  }
0x62: {  	_ =	shalt  }
0x63: {  	_ =	shalt  }
0x64: {  	_ =	shalt  }
0x65: {  	_ =	shalt  }
0x66: {  	_ =	shalt  }
0x67: {  	_ =	shalt  }
0x68: {  	_ =	shalt  }
0x69: {  	_ =	shalt  }
0x6a: {  	_ =	shalt  }
0x6b: {  	_ =	shalt  }
0x6c: {  	_ =	shalt  }
0x6d: {  	_ =	shalt  }
0x6e: {  	_ =	shalt  }
0x6f: {  	_ =	shalt  }
0x70: {  	_ =	shalt  }
0x71: {  	_ =	shalt  }
0x72: {  	_ =	shalt  }
0x73: {  	_ =	shalt  }
0x74: {  	_ =	shalt  }
0x75: {  	_ =	shalt  }
0x76: {  	_ =	shalt  }
0x77: {  	_ =	shalt  }
0x78: {  	_ =	shalt  }
0x79: {  	_ =	shalt  }
0x7a: {  	_ =	shalt  }
0x7b: {  	_ =	shalt  }
0x7c: {  	_ =	shalt  }
0x7d: {  	_ =	shalt  }
0x7e: {  	_ =	shalt  }
0x7f: {  	_ =	shalt  }
0x80: {  	_ =	shalt  }
0x81: {  	_ =	shalt  }
0x82: {  	_ =	shalt  }
0x83: {  	_ =	shalt  }
0x84: {  	_ =	shalt  }
0x85: {  	_ =	shalt  }
0x86: {  	_ =	shalt  }
0x87: {  	_ =	shalt  }
.Lfunc_end0:
.L_simem_size_0:
called_computation_lowered:
.L_overlay_start_0:
0x88: {  	s2 =	sld [smem:$0x3FD9]  }
0x89: {  	s3 =	sld [smem:$0x3FFE];
	_ =	sdelay $0x1  }
0x8a: {  	s1 =	srdreg.scid  }
0x8b: {  	s0 =	sand.u32 $0x1, s1  }
0x8c: {  	s16 =	sshll.u32 s0, $0xA;
	s2 =	sadd.s32 s3, s2  }
0x8d: {  	s2 =	sadd.s32 s2, s16  }
0x8e: {  	[smem:$0x3FC4] =	sst s2  }
0x8f: {  	_ = 	snop  }
0x90: {  	(tm) =	ssettm $0x1  }
0x91: {  	s17 =	sld [smem:$0x3FFB];
	_ =	sdelay $0x3  }
0x92: {  	_ =	strace s17  }
0x93: {  	s2 =	sld [smem:$0x3FFC];
	_ =	sdelay $0x3  }
0x94: {  	_ =	strace s2  }
0x95: {  	s2 =	sld [smem:$0x3FFD];
	_ =	sdelay $0x3  }
0x96: {  	_ =	strace s2  }
0x97: {  	_ =	strace $0x8FFFFFFF  }
0x98: {  	s18 =	sld [smem:$0x3FDB];
	_ =	sdelay $0x1  }
0x99: {  	s19 =	simm.s32 $_scs_section_size  }
0x9a: {  	s4 =	simm.s32 $_size__tile_overlayer_lowered;
	s5 =	simm.s32 $_tile_overlayer_lowered  }
0x9b: {  	s22 =	simm.s32 $0x1BFF;
	s21 =	sshll.u32 s5, $0x1;
	s2 =	sadd.s32 s19, s18  }
0x9c: {  	s6 =	simm.s32 $0x0;
	s20 =	sshll.u32 s4, $0x1;
	s4 =	sadd.s32 s21, s2  }
0x9d: {  	[timem:s6], [sflag:s22] =	dma.local [hbm:s4], s20  }
0x9e: {  	_ =	swait.ge [sflag:s22], s20  }
0x9f: {  	s3 =	ssub.s32 $0x0, s20;
	[sflag:s22] =	ssyncset.done $0x0  }
0xa0: {  	[sflag:s22] =	ssyncadd.s32 s3;
	_ =	sdelay $0x1  }
0xa1: {  	s23 =	simm.s32 $0x1B8B  }
0xa2: {  	_ =	swait.ge [sflag:s23], $0x1  }
0xa3: {  	[sflag:s23] =	ssyncset.done $0x0  }
0xa4: {  	s25 =	simm.s32 $0x1B8E;
	s24 =	sld [smem:$0x3FFE];
	[sflag:s23] =	ssyncadd.s32 $0xFFFFFFFF  }
0xa5: {  	s26 =	simm.s32 $execute0_lowered;
	[smem:$0x3FD2] =	sst s25  }
0xa6: {  	s4 =	sshll.u32 s26, $0x1;
	_ =	strace $0x80000049;
	[dreg:$0x1] =	wrdreg $0xFFFFFFFF  }
0xa7: {  	s28 =	simm.s32 $_size_execute0_lowered;
	s2 =	sadd.s32 s2, s4;
	[dreg:$0x0] =	wrdreg $0x0  }
0xa8: {  	s4 =	sshll.u32 s28, $0x1;
	[dreg:$0x2] =	wrdreg s2  }
0xa9: {  	[dreg:$0x3] =	wrdreg s4  }
0xaa: {  	[dreg:$0x4] =	wrdreg $0xC0  }
0xab: {  	_ =	task [dreg:s6], $0x5FFFF  }
0xac: {  	[dreg:$0x1] =	wrdreg $0xFFFFFFFF  }
0xad: {  	[dreg:$0x0] =	wrdreg $0x60  }
0xae: {  	[dreg:$0x2] =	wrdreg s24  }
0xaf: {  	[dreg:$0x3] =	wrdreg $0x9  }
0xb0: {  	_ =	task.clear_ibuf [dreg:s6], $0x4FFFF;
	_ =	strace $0x90000049  }
0xb1: {  	s29 =	simm.s32 $0x9;
	_ =	strace $0x8000004B  }
0xb2: {  	_ =	swait.ge [sflag:s29], $0x1  }
0xb3: {  	[sflag:s29] =	ssyncadd.s32 $0xFFFFFFFF  }
0xb4: {  	_ =	strace $0x9000004B  }
0xb5: {  	_ =	sfence  }
0xb6: {  	s30 =	sld [smem:$0x0];
	_ =	sdelay $0x2  }
0xb7: {  	s31 =	sshll.u32 s1, $0xD;
	s1 =	sshrl.u32 s1, $0x2  }
0xb8: {  	s3 =	sand.u32 $0x4000, s31;
	s1 =	sadd.s32 s1, s30  }
0xb9: {  	s0 =	sor.u32 s3, s0;
	s1 =	sshll.u32 s1, $0x11  }
0xba: {  	s0 =	sor.u32 s1, s0  }
0xbb: {  	s0 =	sadd.s32 $0x8F2B, s0  }
0xbc: {  	[sflag:s0] =	ssyncadd.remote.s32 $0x1  }
0xbd: {  	_ =	sfence.sel $0xFFFF  }
0xbe: {  	[dreg:$0x0] =	wrdreg $0xFFFFFFFF;
	(pc) =	sbr.abs _section_cstart, $3  }
0xbf: {  	[dreg:$0x1] =	wrdreg $0xFFFFFFFF  }
0xc0: {  	_ =	task.clear_ibuf [dreg:s6], $0x2FFFF;
	_ =	strace $0x9FFFFFFF  }
0xc1: {  	(tm) =	ssettm $0x7FFFFFFF  }
tec
execute0_lowered:
.L_overlay_start_1:
0x0: {  	(tag) =	ssettag $0x1  }
0x1: {  	s8 =	rddreg [dreg:$0x0]  }
0x2: {  	s0 =	rddreg [dreg:$0x1];
	_ =	strace $0x8000004A;
	s1 =	stileid.u32  }
0x3: {  	s3 =	srdreg.scid;
	s4 =	simm.s32 $0x1;
	s7 =	simm.s32 $0x1  }
0x4: {  	s9 =	simm.s32 $0x1;
	s10 =	simm.s32 $0x3;
	s13 =	simm.s32 $0x0  }
0x5: {  	s12 =	simm.s32 $0x0;
	s5 =	sand.u32 $0x1, s3;
	s6 =	sshll.u32 s1, $0x1  }
0x6: {  	s2 =	sadd.s32 $0x1800, s8;
	s3 =	sadd.s32 $0x6800, s8;
	s5 =	sor.u32 s6, s5  }
.Ltmp0:
0x7: {  	[sflag:s4] =	ssyncpa.u1 $0x0;
	p0 =	slt.u32 s5, $0x9;
	(pc) =	sbr.rel .LBB2_1-.Ltmp0, $4  }
0x8: {  	s6 =	simm.s32 $0x2;
	s7 =	simm.s32 @!p0 $0x0;
	p0 =	sne.s32 s5, $0x8  }
0x9: {  	[sflag:s6] =	ssyncpa.u1 $0x0;
	s5 =	smul.u32 $0xFA0, s5;
	s9 =	simm.s32 @!p0 $0x0  }
0xa: {  	s8 =	sadd.s32 $0x10800, s8;
	[sflag:s10] =	ssyncpa.u1 $0x0;
	s7 =	sadd.s32 s9, s7  }
0xb: {  	vm0 =	vmmov $0xffff;
	s10 =	simm.s32 $0x0;
	s11 =	smov.u32 s5;
	s9 =	sadd.s32 $0x1, s7  }
.LBB2_4:
0xc: {  	v2 =	vnsel vm1, $0x0, v2  }
0xd: {  	vm1 =	vgt.s32 v0, $0x0;
	v2 =	vmin.u32 v2, $0x270FF  }
0xe: {  	v0 =	vnsel vm1, $0x0, v0  }
0xf: {  	v0 =	vmin.u32 v0, $0x270FF  }
0x10: {  	[tilespmem:s18], [sflag:$0x1] =	stream.indirect_vreg.gather [hbm4b:s2+s10], $0x1, v1, vm0, $0x4038;
	[tilespmem:$0x3E80] =	vst v63  }
0x11: {  	(ifvalue) =	ssetifvalue $0x7FFFFFFF  }
0x12: {  	[tilespmem:s15], [sflag:$0x1] =	stream.indirect_vreg.gather [hbm4b:s2+s10], $0x1, v2, vm0, $0x4038;
	[tilespmem:$0x3E80] =	vst v63  }
0x13: {  	s29 =	sadd.s32 $0x10, s15;
	(ifvalue) =	ssetifvalue $0x7FFFFFFF  }
0x14: {  	[tilespmem:s29], [sflag:$0x1] =	stream.indirect_vreg.gather [hbm4b:s2+s10], $0x1, v0, vm0, $0x4038;
	[tilespmem:$0x3E80] =	vst v63  }
0x15: {  	_ =	swait.ge [sflag:s4], $0xFA0  }
0x16: {  	s30 =	sshrl.u32 s13, $0x3;
	[sflag:s4] =	ssyncset.done $0x0  }
0x17: {  	s31 =	sand.u32 $0x7, s13;
	s15 =	sadd.s32 s8, s30;
	[sflag:s4] =	ssyncadd.s32 $0xFFFFF060  }
0x18: {  	[hbm4b:s15+s31] =	stream.linear.scatter [tilespmem:s14], [sflag:$0x3], $0xFA0, $0x38;
	[tilespmem:$0x3E80] =	vst v63  }
.LBB2_5:
0x19: {  	s15 =	sadd.s32 $0x1F400, s11  }
0x1a: {  	p1 =	sgt.s32 s15, $0x270FF  }
0x1b: {  	s15 =	smov.u32 @p1 s5;
	p1 =	sne.s32 s12, s9  }
.Ltmp1:
0x1c: {  	p0 =	slt.u32 s12, $0x2;
	(pc) =	sbr.rel @!p1 .LBB2_6-.Ltmp1, $4  }
0x1d: {  	s14 =	simm.s32 @!p0 $0x3  }
0x1e: {  	_ =	swait.ge @!p0 [sflag:s14], $0xFA0  }
0x1f: {  	s16 =	sadd.s32 $0x1, s12;
	s13 =	smov.u32 s11;
	[sflag:s14] =	ssyncset.done @!p0 $0x0  }
0x20: {  	s12 =	smov.u32 s16;
	s11 =	smov.u32 s15;
	[sflag:s14] =	ssyncadd.s32 @!p0 $0xFFFFF060  }
.LBB2_1:
0x21: {  	p0 =	sge.u32 s12, s7  }
0x22: {  	s14 =	sxor.u32 @!p0 $0x1, s12  }
0x23: {  	s14 =	smul.u32 @!p0 $0x3E80, s14  }
0x24: {  	s31 =	sadd.s32 $0xFFFFFFFF, s12;
	s15 =	sshrl.u32 @!p0 s11, $0x3  }
0x25: {  	s16 =	sand.u32 @!p0 $0x7, s11;
	s15 =	sadd.s32 @!p0 s3, s15;
	s14 =	sshra.s32 @!p0 s14, $0x2  }
0x26: {  	[tilespmem:s14], [sflag:$0x2] =	stream.linear.gather @!p0 [hbm4b:s15+s16], $0xFA0, $0x38;
	[tilespmem:$0x3E80] =	vst v63  }
0x27: {  	p0 =	sge.u32 s31, s7  }
.Ltmp2:
0x28: {  	_ = 	snop;
	(pc) =	sbr.rel @p0 .LBB2_5-.Ltmp2, $1  }
0x29: {  	_ =	sdelay $0x3  }
0x2a: {  	s14 =	sand.u32 $0x1, s12  }
0x2b: {  	_ =	swait.ge [sflag:s6], $0xFA0;
	p0 =	seq.s32 s14, $0x1;
	s14 =	simm.s32 $0xFA0  }
0x2c: {  	[sflag:s6] =	ssyncset.done $0x0;
	s14 =	simm.s32 @!p0 $0x0  }
0x2d: {  	[sflag:s6] =	ssyncadd.s32 $0xFFFFF060;
	(ifvalue) =	ssetifvalue $0x7FFFFFFF;
	v0 =	vld.msk [tilespmem:s14+$0x0 ss:$0x1], $0xffff;
	_ =	sdelay $0x4  }
0x2e: {  	s15 =	sadd.s32 $0x10, s14;
	vm1 =	vgt.s32 v0, $0x0  }
0x2f: {  	v2 =	vld.msk [tilespmem:s15+$0x0 ss:$0x1], $0xffff;
	v1 =	vnsel vm1, $0x0, v0  }
0x30: {  	v1 =	vmin.u32 v1, $0x270FF;
	_ =	sdelay $0x2  }
0x31: {  	s17 =	simm.s32 $0x20;
	s14 =	sadd.s32 $0x1F40, s14;
	s16 =	sadd.s32 $0x10, s15  }
0x32: {  	s15 =	sadd.s32 $0x10, s14;
	s18 =	smov.u32 s14;
	v0 =	vld.msk [tilespmem:s16+$0x0 ss:$0x1], $0xffff;
	vm1 =	vgt.s32 v2, $0x0;
	(ifvalue) =	ssetifvalue $0x7FFFFFFF  }
.LBB2_3:
0x33: {  	[tilespmem:s18], [sflag:$0x1] =	stream.indirect_vreg.gather [hbm4b:s2+s10], $0x1, v1, vm0, $0x4038;
	[tilespmem:$0x3E80] =	vst v63  }
0x34: {  	s17 =	sadd.s32 $0x10, s17  }
0x35: {  	v2 =	vnsel vm1, $0x0, v2;
	p0 =	slt.u32 s17, $0xF90  }
.Ltmp3:
0x36: {  	s18 =	smov.u32 s15;
	v1 =	vmin.u32 v2, $0x270FF;
	(pc) =	sbr.rel @p0 .LBB2_3-.Ltmp3, $3  }
0x37: {  	_ =	sdelay $0x1  }
0x38: {  	s16 =	sadd.s32 $0x10, s16  }
0x39: {  	vm1 =	vgt.s32 v0, $0x0;
	s15 =	sadd.s32 $0x10, s15;
	v2 =	vmov v0;
	(ifvalue) =	ssetifvalue $0x7FFFFFFF;
	v0 =	vld.msk [tilespmem:s16+$0x0 ss:$0x1], $0xffff  }
.Ltmp4:
0x3a: {  	_ = 	snop;
	(pc) =	sbr.rel .LBB2_4-.Ltmp4, $1  }
0x3b: {  	_ =	sdelay $0x3  }
.LBB2_6:
0x3c: {  	_ =	sfence.sel $0x180000  }
0x3d: {  	s2 =	simm.s32 $0x2;
	[bflag:$0x0] =	sbarrier.arrive $0xFFFF  }
0x3e: {  	s30 =	simm.s32 $0x3;
	[sflag:s2] =	ssyncpa.u1 $0x1  }
0x3f: {  	s31 =	simm.s32 $0x1;
	[sflag:s30] =	ssyncpa.u1 $0x1  }
0x40: {  	[sflag:s31] =	ssyncpa.u1 $0x1  }
0x41: {  	p0 =	sne.s32 s1, $0x0;
	_ =	strace $0x9000004A  }
0x42: {  	s0 =	sadd.s32 @!p0 $0x100000, s0;
	[bflag:$0x2] =	sbarrier.arrive $0xFFFF  }
0x43: {  	[sflag:s0] =	ssyncadd.tile.s32 @!p0 $0x1;
	_ =	shalt  }
.Lfunc_end2:
_tile_overlayer_lowered:
.L_overlay_start_2:
0x44: {  	(tag) =	ssettag $0x2  }
0x45: {  	s0 =	rddreg [dreg:$0x0];
	s2 =	stileid.u32  }
0x46: {  	s1 =	rddreg [dreg:$0x1];
	p0 =	sne.s32 s2, $0x0  }
0x47: {  	s3 =	rddreg [dreg:$0x2];
	[bflag:$0x3] =	sbarrier.arrive $0xFFFF;
	s2 =	simm.s32 @!p0 $0x1C01  }
0x48: {  	[timem:s3], [sflag:s2] =	dma.local @!p0 [hbm:s0], s1  }
0x49: {  	s0 =	simm.s32 @!p0 $0x1  }
0x4a: {  	_ =	swait.ge @!p0 [sflag:s0], s1  }
0x4b: {  	s1 =	ssub.s32 @!p0 $0x0, s1;
	[sflag:s0] =	ssyncset.done @!p0 $0x0  }
0x4c: {  	[sflag:s0] =	ssyncadd.s32 @!p0 s1  }
0x4d: {  	[bflag:$0x3] =	sbarrier.arrive $0xFFFF  }
0x4e: {  	_ =	shalt  }

// kernel: kernel.11.cloned.1.call-start
scs
__scs_entry_jumppad:
0x0: {  	(pc) =	sbr.rel $0x88, $3  }
0x1: {  	(tag) =	ssettag $0x0;
	lr =	simm.s32 $0x1  }
0x2: {  	[smem:$0x3F9D] =	sst lr;
	_ =	strace $0xD0000000  }
0x3: {  	_ = 	snop  }
0x4: {  	_ = 	snop  }
0x5: {  	_ = 	snop  }
0x6: {  	_ = 	snop  }
0x7: {  	_ = 	snop  }
__scs_overlays_trampoline_lowered:
0x8: {  	[smem:$0x3FAC] =	sst s0  }
0x9: {  	[smem:$0x3FAD] =	sst s1  }
0xa: {  	[smem:$0x3FAE] =	sst s2  }
0xb: {  	[smem:$0x3FAF] =	sst s3  }
0xc: {  	[smem:$0x3FB0] =	sst s4  }
0xd: {  	[smem:$0x3FB1] =	sst s5  }
0xe: {  	[smem:$0x3FB2] =	sst s6  }
0xf: {  	[smem:$0x3FB3] =	sst s7  }
0x10: {  	[smem:$0x3FB4] =	sst s8  }
0x11: {  	[smem:$0x3FB5] =	sst s9;
	s0 =	simm.s32 @!p0 $0x0  }
0x12: {  	s1 =	sld [smem:$0x3F9B];
	s0 =	simm.s32 @p0 $0x1  }
0x13: {  	[smem:$0x3FB6] =	sst s0;
	s0 =	simm.s32 @!p1 $0x0  }
0x14: {  	s2 =	sld [smem:$0x3F9A];
	s0 =	simm.s32 @p1 $0x1  }
0x15: {  	[smem:$0x3FB7] =	sst s0;
	s0 =	simm.s32 @!p2 $0x0  }
0x16: {  	s3 =	sld [smem:$0x3FDB];
	s0 =	simm.s32 @p2 $0x1  }
0x17: {  	s4 =	simm.s32 $0x1BF5;
	[smem:$0x3FB9] =	sst s0  }
0x18: {  	s0 =	sld [smem:$0x3F9C];
	_ =	swait.ge [sflag:s4], $0x0  }
0x19: {  	s7 =	sld [smem:$0x3F9D]  }
0x1a: {  	s8 =	sadd.s32 $0xFFFFE003, lr  }
0x1b: {  	s9 =	sadd.s32 $0xFFFFFEF7, lr;
	s5 =	simm.s32 $0xFFFFFFFF;
	p2 =	slt.u32 s8, $0xFFFFF086  }
0x1c: {  	p1 =	slt.u32 s9, $0xF7A;
	s5 =	simm.s32 @!p2 $0x0  }
0x1d: {  	s5 =	simm.s32 @p1 $0x1;
	p0 =	seq.s32 s7, s2  }
0x1e: {  	s7 =	smul.u32 @!p0 $0xF7A, s2;
	p2 =	seq.s32 @!p0 s5, $0x0  }
0x1f: {  	s9 =	smul.u32 $0xF7A, s1;
	s8 =	simm.s32 @!p0 $0x1BF5;
	p2 =	por !p2, p0  }
0x20: {  	[sflag:s8] =	ssyncset.s32 @!p0 $0xFFFFF086;
	s6 =	sadd.s32 @!p0 s3, s7;
	s7 =	simm.s32 @!p0 $0x108  }
0x21: {  	s3 =	sadd.s32 s3, s9;
	s6 =	sadd.s32 @!p0 $0x88, s6;
	s7 =	simm.s32 @p2 $0x1082  }
0x22: {  	[simem:s7], [sflag:s8] =	dma.local @!p0 [hbm:s6], $0xF7A  }
0x23: {  	s9 =	sor.u32 $0xD0000000, s2;
	s6 =	simm.s32 $0x108;
	_ =	swait.ge @!p0 [sflag:s8], $0x0  }
0x24: {  	s3 =	sadd.s32 $0x88, s3;
	s6 =	simm.s32 @!p1 $0x1082;
	[sflag:s4] =	ssyncset.s32 $0xFFFFF086  }
0x25: {  	[simem:s6], [sflag:s4] =	dma.local [hbm:s3], $0xF7A  }
0x26: {  	[smem:$0x3F9D] =	sst s1;
	(tag) =	ssettag s2;
	_ =	strace s9  }
0x27: {  	s1 =	sld [smem:$0x3FAD]  }
0x28: {  	s2 =	sld [smem:$0x3FAE]  }
0x29: {  	s4 =	sld [smem:$0x3FB0]  }
0x2a: {  	p0 =	seq.s32 s5, $0x0;
	s5 =	sld [smem:$0x3FB1]  }
0x2b: {  	s6 =	sld [smem:$0x3FB2]  }
0x2c: {  	s7 =	sld [smem:$0x3FB3]  }
0x2d: {  	s3 =	simm.s32 $0x108;
	s8 =	sld [smem:$0x3FB4]  }
0x2e: {  	s3 =	simm.s32 @!p0 $0x1082;
	s9 =	sld [smem:$0x3FB5]  }
0x2f: {  	lr =	sadd.s32 s0, s3;
	s0 =	sld [smem:$0x3FAC]  }
0x30: {  	s3 =	sld [smem:$0x3FAF]  }
0x31: {  	[smem:$0x3FB8] =	sst s10  }
0x32: {  	s10 =	sld [smem:$0x3FB6];
	_ =	sdelay $0x3  }
0x33: {  	p0 =	seq.s32 s10, $0x1;
	s10 =	sld [smem:$0x3FB8];
	_ =	sdelay $0x3  }
0x34: {  	[smem:$0x3FB8] =	sst s10  }
0x35: {  	s10 =	sld [smem:$0x3FB7];
	_ =	sdelay $0x3  }
0x36: {  	p1 =	seq.s32 s10, $0x1;
	s10 =	sld [smem:$0x3FB8];
	_ =	sdelay $0x3  }
0x37: {  	[smem:$0x3FB8] =	sst s10  }
0x38: {  	s10 =	sld [smem:$0x3FB9]  }
0x39: {  	_ = 	snop;
	(pc) =	sbr.ind lr, $3  }
0x3a: {  	_ = 	snop  }
0x3b: {  	_ = 	snop  }
0x3c: {  	p2 =	seq.s32 s10, $0x1;
	s10 =	sld [smem:$0x3FB8]  }
0x3d: {  	_ =	shalt  }
0x3e: {  	_ =	shalt  }
0x3f: {  	_ =	shalt  }
0x40: {  	_ =	shalt  }
0x41: {  	_ =	shalt  }
0x42: {  	_ =	shalt  }
0x43: {  	_ =	shalt  }
0x44: {  	_ =	shalt  }
0x45: {  	_ =	shalt  }
0x46: {  	_ =	shalt  }
0x47: {  	_ =	shalt  }
0x48: {  	_ =	shalt  }
0x49: {  	_ =	shalt  }
0x4a: {  	_ =	shalt  }
0x4b: {  	_ =	shalt  }
0x4c: {  	_ =	shalt  }
0x4d: {  	_ =	shalt  }
0x4e: {  	_ =	shalt  }
0x4f: {  	_ =	shalt  }
0x50: {  	_ =	shalt  }
0x51: {  	_ =	shalt  }
0x52: {  	_ =	shalt  }
0x53: {  	_ =	shalt  }
0x54: {  	_ =	shalt  }
0x55: {  	_ =	shalt  }
0x56: {  	_ =	shalt  }
0x57: {  	_ =	shalt  }
0x58: {  	_ =	shalt  }
0x59: {  	_ =	shalt  }
0x5a: {  	_ =	shalt  }
0x5b: {  	_ =	shalt  }
0x5c: {  	_ =	shalt  }
0x5d: {  	_ =	shalt  }
0x5e: {  	_ =	shalt  }
0x5f: {  	_ =	shalt  }
0x60: {  	_ =	shalt  }
0x61: {  	_ =	shalt  }
0x62: {  	_ =	shalt  }
0x63: {  	_ =	shalt  }
0x64: {  	_ =	shalt  }
0x65: {  	_ =	shalt  }
0x66: {  	_ =	shalt  }
0x67: {  	_ =	shalt  }
0x68: {  	_ =	shalt  }
0x69: {  	_ =	shalt  }
0x6a: {  	_ =	shalt  }
0x6b: {  	_ =	shalt  }
0x6c: {  	_ =	shalt  }
0x6d: {  	_ =	shalt  }
0x6e: {  	_ =	shalt  }
0x6f: {  	_ =	shalt  }
0x70: {  	_ =	shalt  }
0x71: {  	_ =	shalt  }
0x72: {  	_ =	shalt  }
0x73: {  	_ =	shalt  }
0x74: {  	_ =	shalt  }
0x75: {  	_ =	shalt  }
0x76: {  	_ =	shalt  }
0x77: {  	_ =	shalt  }
0x78: {  	_ =	shalt  }
0x79: {  	_ =	shalt  }
0x7a: {  	_ =	shalt  }
0x7b: {  	_ =	shalt  }
0x7c: {  	_ =	shalt  }
0x7d: {  	_ =	shalt  }
0x7e: {  	_ =	shalt  }
0x7f: {  	_ =	shalt  }
0x80: {  	_ =	shalt  }
0x81: {  	_ =	shalt  }
0x82: {  	_ =	shalt  }
0x83: {  	_ =	shalt  }
0x84: {  	_ =	shalt  }
0x85: {  	_ =	shalt  }
0x86: {  	_ =	shalt  }
0x87: {  	_ =	shalt  }
.Lfunc_end0:
.L_simem_size_0:
called_computation.3_lowered:
.L_overlay_start_0:
0x88: {  	s2 =	sld [smem:$0x3FD9]  }
0x89: {  	s3 =	sld [smem:$0x3FFE];
	_ =	sdelay $0x1  }
0x8a: {  	s1 =	srdreg.scid  }
0x8b: {  	s0 =	sand.u32 $0x1, s1  }
0x8c: {  	s16 =	sshll.u32 s0, $0xA;
	s2 =	sadd.s32 s3, s2  }
0x8d: {  	s2 =	sadd.s32 s2, s16  }
0x8e: {  	[smem:$0x3FC4] =	sst s2  }
0x8f: {  	_ = 	snop  }
0x90: {  	(tm) =	ssettm $0x1  }
0x91: {  	s17 =	sld [smem:$0x3FFB];
	_ =	sdelay $0x3  }
0x92: {  	_ =	strace s17  }
0x93: {  	s2 =	sld [smem:$0x3FFC];
	_ =	sdelay $0x3  }
0x94: {  	_ =	strace s2  }
0x95: {  	s2 =	sld [smem:$0x3FFD];
	_ =	sdelay $0x3  }
0x96: {  	_ =	strace s2  }
0x97: {  	_ =	strace $0x8FFFFFFF  }
0x98: {  	s18 =	sld [smem:$0x3FDB];
	_ =	sdelay $0x1  }
0x99: {  	s19 =	simm.s32 $_scs_section_size  }
0x9a: {  	s4 =	simm.s32 $_size__tile_overlayer_lowered;
	s5 =	simm.s32 $_tile_overlayer_lowered  }
0x9b: {  	s22 =	simm.s32 $0x1BFF;
	s21 =	sshll.u32 s5, $0x1;
	s2 =	sadd.s32 s19, s18  }
0x9c: {  	s6 =	simm.s32 $0x0;
	s20 =	sshll.u32 s4, $0x1;
	s4 =	sadd.s32 s21, s2  }
0x9d: {  	[timem:s6], [sflag:s22] =	dma.local [hbm:s4], s20  }
0x9e: {  	_ =	swait.ge [sflag:s22], s20  }
0x9f: {  	s3 =	ssub.s32 $0x0, s20;
	[sflag:s22] =	ssyncset.done $0x0  }
0xa0: {  	[sflag:s22] =	ssyncadd.s32 s3;
	_ =	sdelay $0x1  }
0xa1: {  	s23 =	simm.s32 $0x1B8B  }
0xa2: {  	_ =	swait.ge [sflag:s23], $0x1  }
0xa3: {  	[sflag:s23] =	ssyncset.done $0x0  }
0xa4: {  	s25 =	simm.s32 $0x1B8E;
	s24 =	sld [smem:$0x3FFE];
	[sflag:s23] =	ssyncadd.s32 $0xFFFFFFFF  }
0xa5: {  	s26 =	simm.s32 $execute0_lowered;
	[smem:$0x3FD2] =	sst s25  }
0xa6: {  	s4 =	sshll.u32 s26, $0x1;
	_ =	strace $0x8000004F;
	[dreg:$0x1] =	wrdreg $0xFFFFFFFF  }
0xa7: {  	s28 =	simm.s32 $_size_execute0_lowered;
	s2 =	sadd.s32 s2, s4;
	[dreg:$0x0] =	wrdreg $0x0  }
0xa8: {  	s4 =	sshll.u32 s28, $0x1;
	[dreg:$0x2] =	wrdreg s2  }
0xa9: {  	[dreg:$0x3] =	wrdreg s4  }
0xaa: {  	[dreg:$0x4] =	wrdreg $0xC0  }
0xab: {  	_ =	task [dreg:s6], $0x5FFFF  }
0xac: {  	[dreg:$0x1] =	wrdreg $0xFFFFFFFF  }
0xad: {  	[dreg:$0x0] =	wrdreg $0x60  }
0xae: {  	[dreg:$0x2] =	wrdreg s24  }
0xaf: {  	[dreg:$0x3] =	wrdreg $0xB0000  }
0xb0: {  	[dreg:$0x4] =	wrdreg $0x9  }
0xb1: {  	_ =	task.clear_ibuf [dreg:s6], $0x5FFFF;
	_ =	strace $0x9000004F  }
0xb2: {  	s29 =	simm.s32 $0x9;
	_ =	strace $0x80000051  }
0xb3: {  	_ =	swait.ge [sflag:s29], $0x1  }
0xb4: {  	[sflag:s29] =	ssyncadd.s32 $0xFFFFFFFF  }
0xb5: {  	_ =	strace $0x90000051  }
0xb6: {  	_ =	sfence  }
0xb7: {  	s30 =	sld [smem:$0x0];
	_ =	sdelay $0x2  }
0xb8: {  	s31 =	sshll.u32 s1, $0xD;
	s1 =	sshrl.u32 s1, $0x2  }
0xb9: {  	s3 =	sand.u32 $0x4000, s31;
	s1 =	sadd.s32 s1, s30  }
0xba: {  	s0 =	sor.u32 s3, s0;
	s1 =	sshll.u32 s1, $0x11  }
0xbb: {  	s0 =	sor.u32 s1, s0  }
0xbc: {  	s0 =	sadd.s32 $0x8F2B, s0  }
0xbd: {  	[sflag:s0] =	ssyncadd.remote.s32 $0x1  }
0xbe: {  	_ =	sfence.sel $0xFFFF  }
0xbf: {  	[dreg:$0x0] =	wrdreg $0xFFFFFFFF;
	(pc) =	sbr.abs _section_cstart, $3  }
0xc0: {  	[dreg:$0x1] =	wrdreg $0xFFFFFFFF  }
0xc1: {  	_ =	task.clear_ibuf [dreg:s6], $0x2FFFF;
	_ =	strace $0x9FFFFFFF  }
0xc2: {  	(tm) =	ssettm $0x7FFFFFFF  }
0xc3: {  	_ =	shalt  }
tec
execute0_lowered:
.L_overlay_start_1:
0x0: {  	(tag) =	ssettag $0x1  }
0x1: {  	s0 =	rddreg [dreg:$0x0]  }
0x2: {  	s2 =	rddreg [dreg:$0x1];
	s3 =	simm.s32 $0x0  }
0x3: {  	s17 =	stileid.u32;
	s9 =	srdreg.scid;
	s20 =	simm.s32 $0x2800  }
0x4: {  	s28 =	simm.s32 $0x7000;
	s29 =	simm.s32 $0x4;
	s1 =	smul.u32 $0x500, s17  }
0x5: {  	[smem:$0x7FF] =	sst s3;
	s4 =	smul.u32 $0x2800, s17;
	s5 =	sadd.s32 $0x3D800, s0  }
0x6: {  	s6 =	sadd.s32 $0x64A00, s0;
	s7 =	sadd.s32 $0x1800, s0;
	s10 =	sadd.s32 $0x93000, s0  }
0x7: {  	s21 =	sand.u32 $0x1, s9;
	s22 =	smul.u32 $0x50000, s17;
	s11 =	sshrl.u32 s17, $0x3  }
0x8: {  	s14 =	sshll.u32 s17, $0x7;
	s31 =	sshll.u32 s17, $0x6;
	s17 =	simm.s32 $0x5  }
0x9: {  	_ =	strace $0x80000050;
	[dreg:$0x3] =	wrdreg s10;
	s9 =	ssub.s32 $0x2, s21  }
0xa: {  	s13 =	smul.u32 $0x14000, s11;
	s24 =	sand.u32 $0x380, s14;
	p0 =	seq.s32 s21, $0x1  }
0xb: {  	s18 =	sor.u32 $0x1C05, s31;
	s21 =	simm.s32 $0x1;
	s1 =	sadd.s32 s1, s0  }
0xc: {  	s8 =	sadd.s32 s4, s0;
	s0 =	sadd.s32 $0xBB000, s0;
	s12 =	sshrl.u32 s9, $0x1  }
0xd: {  	s23 =	sshrl.u32 s22, $0x2;
	s22 =	simm.s32 $0x3000;
	[dreg:$0x4] =	wrdreg s0  }
0xe: {  	s9 =	ssub.s32 s9, s12;
	s10 =	sadd.s32 $0x8E000, s1;
	s25 =	sadd.s32 s23, s2  }
0xf: {  	s16 =	sor.u32 s24, s13;
	s11 =	sadd.s32 $0x15800, s8;
	s13 =	sor.u32 s14, s13  }
.Ltmp0:
0x10: {  	s23 =	simm.s32 $0x2C00;
	s24 =	simm.s32 $0x2;
	(pc) =	sbr.rel .LBB2_1-.Ltmp0, $4  }
0x11: {  	s26 =	sshrl.u32 s16, $0x3;
	s30 =	sor.u32 $0xC00, s13;
	s14 =	smax.u32 s9, $0x1  }
0x12: {  	s16 =	sor.u32 $0x800, s16;
	s19 =	sshrl.u32 s25, $0x3;
	s25 =	simm.s32 $0x3  }
0x13: {  	s12 =	sadd.s32 s7, s26;
	s0 =	sshrl.u32 s30, $0x3;
	s26 =	simm.s32 $0x80  }
0x14: {  	s13 =	sadd.s32 $0x80, s12;
	s15 =	sadd.s32 s0, s7;
	s0 =	simm.s32 $0x0  }
.LBB2_7:
0x15: {  	[tilespmem:s23], [sflag:$0x2] =	stream.linear.gather [hbm4b:s30+s3], $0x80, $0x38;
	[tilespmem:$0x1F000] =	vst v63  }
0x16: {  	s8 =	smov.u32 s6;
	s1 =	rddreg [dreg:$0x4]  }
.LBB2_8:
0x17: {  	_ =	swait.ge [sflag:s24], $0x80  }
0x18: {  	[sflag:s24] =	ssyncset.done $0x0  }
0x19: {  	[sflag:s24] =	ssyncadd.s32 $0xFFFFFF80  }
0x1a: {  	_ =	swait.ge [sflag:s25], $0x4000  }
0x1b: {  	[sflag:s25] =	ssyncset.done $0x0  }
0x1c: {  	[sflag:s25] =	ssyncadd.s32 $0xFFFFC000  }
0x1d: {  	[tilespmem:s28], [sflag:$0x4] =	stream.indirect.gather [hbm4b:s8+s26], $0x80, s23, s26, $0xb8;
	[tilespmem:$0x1F000] =	vst v63  }
0x1e: {  	s30 =	simm.s32 $0x2700  }
0x1f: {  	[spmem:s2] =	stream.indirect.scatter.add.f32 [tilespmem:s22], [sflag:$0x5], $0x80, s30, s26, $0xb8;
	[tilespmem:$0x1F000] =	vst v63  }
0x20: {  	_ =	swait.ge [sflag:s17], $0x4000  }
0x21: {  	[sflag:s17] =	ssyncset.done $0x0  }
0x22: {  	[sflag:s17] =	ssyncadd.s32 $0xFFFFC000  }
0x23: {  	_ =	swait.ge [sflag:s29], $0x4000  }
0x24: {  	[sflag:s29] =	ssyncset.done $0x0  }
0x25: {  	s31 =	simm.s32 $0x2780;
	[sflag:s29] =	ssyncadd.s32 $0xFFFFC000  }
0x26: {  	[spmem:s2] =	stream.indirect.scatter.add.f32 [tilespmem:s28], [sflag:$0x5], $0x80, s31, s26, $0xb8;
	[tilespmem:$0x1F000] =	vst v63  }
0x27: {  	_ =	swait.ge [sflag:s17], $0x4000  }
0x28: {  	s0 =	sadd.s32 $0x1, s0;
	[sflag:s17] =	ssyncset.done $0x0  }
0x29: {  	p1 =	sne.s32 s0, s14;
	[sflag:s17] =	ssyncadd.s32 $0xFFFFC000  }
.Ltmp1:
0x2a: {  	s1 =	sadd.s32 s1, s4;
	[bflag:$0x0] =	sbarrier.arrive $0xFFFF;
	(pc) =	sbr.rel @!p1 .LBB2_9-.Ltmp1, $4  }
0x2b: {  	[hbm:s1], [sflag:s18] =	dma.local [spmem:s19], $0x2800  }
0x2c: {  	_ =	swait.ge [sflag:s17], $0x2800  }
0x2d: {  	[sflag:s17] =	ssyncset.done $0x0  }
0x2e: {  	[sflag:s17] =	ssyncadd.s32 $0xFFFFD800  }
.LBB2_1:
0x2f: {  	[tilespmem:s3], [sflag:$0x5] =	stream.linear.gather [hbm4b:s10+s3], $0x2800, $0x38;
	[tilespmem:$0x1F000] =	vst v63  }
0x30: {  	_ =	swait.ge [sflag:s17], $0x2800  }
0x31: {  	[sflag:s17] =	ssyncset.done $0x0  }
0x32: {  	[sflag:s17] =	ssyncadd.s32 $0xFFFFD800  }
0x33: {  	[spmem:s19], [sflag:s18] =	dma.local [hbm:s11], $0x2800  }
0x34: {  	_ =	swait.ge [sflag:s17], $0x2800  }
0x35: {  	[sflag:s17] =	ssyncset.done $0x0  }
0x36: {  	[sflag:s17] =	ssyncadd.s32 $0xFFFFD800  }
.Ltmp2:
0x37: {  	[bflag:$0x0] =	sbarrier.arrive $0xFFFF;
	(pc) =	sbr.rel @!p0 .LBB2_2-.Ltmp2, $4  }
0x38: {  	[tilespmem:s20], [sflag:$0x1] =	stream.linear.gather [hbm4b:s12+s3], $0x80, $0x38;
	[tilespmem:$0x1F000] =	vst v63  }
0x39: {  	_ =	swait.ge [sflag:s21], $0x80  }
0x3a: {  	[sflag:s21] =	ssyncset.done $0x0  }
0x3b: {  	s1 =	simm.s32 $0x80;
	[sflag:s21] =	ssyncadd.s32 $0xFFFFFF80  }
0x3c: {  	[tilespmem:s22], [sflag:$0x3] =	stream.indirect.gather [hbm4b:s6+s1], $0x80, s20, s1, $0xb8;
	[tilespmem:$0x1F000] =	vst v63  }
0x3d: {  	s8 =	simm.s32 $0x0  }
0x3e: {  	[tilespmem:s23], [sflag:$0x2] =	stream.linear.gather [hbm4b:s13+s8], $0x80, $0x38;
	[tilespmem:$0x1F000] =	vst v63  }
0x3f: {  	_ =	swait.ge [sflag:s24], $0x80  }
0x40: {  	[sflag:s24] =	ssyncset.done $0x0  }
0x41: {  	[sflag:s24] =	ssyncadd.s32 $0xFFFFFF80  }
0x42: {  	_ =	swait.ge [sflag:s25], $0x4000  }
0x43: {  	[sflag:s25] =	ssyncset.done $0x0  }
0x44: {  	[sflag:s25] =	ssyncadd.s32 $0xFFFFC000  }
0x45: {  	[tilespmem:s28], [sflag:$0x4] =	stream.indirect.gather [hbm4b:s6+s26], $0x80, s23, s26, $0xb8;
	[tilespmem:$0x1F000] =	vst v63  }
0x46: {  	s9 =	simm.s32 $0x0  }
0x47: {  	[spmem:s2] =	stream.indirect.scatter.add.f32 [tilespmem:s22], [sflag:$0x5], $0x80, s9, s26, $0xb8;
	[tilespmem:$0x1F000] =	vst v63  }
0x48: {  	_ =	swait.ge [sflag:s17], $0x4000  }
0x49: {  	s31 =	sshrl.u32 s16, $0x3;
	[sflag:s17] =	ssyncset.done $0x0  }
0x4a: {  	s8 =	sadd.s32 s7, s31;
	[sflag:s17] =	ssyncadd.s32 $0xFFFFC000  }
0x4b: {  	[tilespmem:s20], [sflag:$0x1] =	stream.linear.gather [hbm4b:s8+s3], $0x80, $0x38;
	[tilespmem:$0x1F000] =	vst v63  }
0x4c: {  	_ =	swait.ge [sflag:s29], $0x4000  }
0x4d: {  	[sflag:s29] =	ssyncset.done $0x0  }
0x4e: {  	[sflag:s29] =	ssyncadd.s32 $0xFFFFC000  }
0x4f: {  	_ =	swait.ge [sflag:s21], $0x80  }
0x50: {  	[sflag:s21] =	ssyncset.done $0x0  }
0x51: {  	[sflag:s21] =	ssyncadd.s32 $0xFFFFFF80  }
0x52: {  	[tilespmem:s22], [sflag:$0x3] =	stream.indirect.gather [hbm4b:s6+s26], $0x80, s20, s26, $0xb8;
	[tilespmem:$0x1F000] =	vst v63  }
0x53: {  	_ = 	snop  }
0x54: {  	[spmem:s2] =	stream.indirect.scatter.add.f32 [tilespmem:s28], [sflag:$0x5], $0x80, s1, s26, $0xb8;
	[tilespmem:$0x1F000] =	vst v63  }
0x55: {  	_ =	swait.ge [sflag:s17], $0x4000  }
0x56: {  	s30 =	sadd.s32 $0x0, s15;
	s9 =	sadd.s32 $0x800, s16;
	[sflag:s17] =	ssyncset.done $0x0  }
0x57: {  	s8 =	simm.s32 $0x180;
	s1 =	simm.s32 $0x100;
	[sflag:s17] =	ssyncadd.s32 $0xFFFFC000  }
.LBB2_6:
0x58: {  	[tilespmem:s23], [sflag:$0x2] =	stream.linear.gather [hbm4b:s30+s3], $0x80, $0x38;
	[tilespmem:$0x1F000] =	vst v63  }
0x59: {  	s30 =	smov.u32 s1  }
0x5a: {  	p1 =	sne.s32 s1, $0x2600;
	s1 =	sadd.s32 $0x100, s1;
	_ =	swait.ge [sflag:s24], $0x80  }
0x5b: {  	[sflag:s24] =	ssyncset.done $0x0  }
0x5c: {  	[sflag:s24] =	ssyncadd.s32 $0xFFFFFF80  }
0x5d: {  	_ =	swait.ge [sflag:s25], $0x4000  }
0x5e: {  	[sflag:s25] =	ssyncset.done $0x0  }
0x5f: {  	[sflag:s25] =	ssyncadd.s32 $0xFFFFC000  }
0x60: {  	[tilespmem:s28], [sflag:$0x4] =	stream.indirect.gather [hbm4b:s6+s26], $0x80, s23, s26, $0xb8;
	[tilespmem:$0x1F000] =	vst v63  }
0x61: {  	s31 =	sadd.s32 $0xFFFFFF80, s8  }
0x62: {  	[spmem:s2] =	stream.indirect.scatter.add.f32 [tilespmem:s22], [sflag:$0x5], $0x80, s31, s26, $0xb8;
	[tilespmem:$0x1F000] =	vst v63  }
0x63: {  	_ =	swait.ge [sflag:s17], $0x4000  }
0x64: {  	s31 =	sshrl.u32 s9, $0x3;
	[sflag:s17] =	ssyncset.done $0x0  }
0x65: {  	s31 =	sadd.s32 s7, s31;
	[sflag:s17] =	ssyncadd.s32 $0xFFFFC000  }
0x66: {  	[tilespmem:s20], [sflag:$0x1] =	stream.linear.gather [hbm4b:s31+s3], $0x80, $0x38;
	[tilespmem:$0x1F000] =	vst v63  }
0x67: {  	_ =	swait.ge [sflag:s29], $0x4000  }
0x68: {  	[sflag:s29] =	ssyncset.done $0x0  }
0x69: {  	[sflag:s29] =	ssyncadd.s32 $0xFFFFC000  }
0x6a: {  	_ =	swait.ge [sflag:s21], $0x80  }
0x6b: {  	[sflag:s21] =	ssyncset.done $0x0  }
0x6c: {  	[sflag:s21] =	ssyncadd.s32 $0xFFFFFF80  }
0x6d: {  	[tilespmem:s22], [sflag:$0x3] =	stream.indirect.gather [hbm4b:s6+s26], $0x80, s20, s26, $0xb8;
	[tilespmem:$0x1F000] =	vst v63  }
.Ltmp3:
0x6e: {  	(pc) =	sbr.rel @p1 .LBB2_6-.Ltmp3, $4  }
0x6f: {  	[spmem:s2] =	stream.indirect.scatter.add.f32 [tilespmem:s28], [sflag:$0x5], $0x80, s8, s26, $0xb8;
	[tilespmem:$0x1F000] =	vst v63  }
0x70: {  	_ =	swait.ge [sflag:s17], $0x4000  }
0x71: {  	s8 =	sadd.s32 $0x100, s8;
	[sflag:s17] =	ssyncset.done $0x0  }
0x72: {  	s30 =	sadd.s32 s30, s15;
	s9 =	sadd.s32 $0x800, s9;
	[sflag:s17] =	ssyncadd.s32 $0xFFFFC000  }
.Ltmp4:
0x73: {  	_ = 	snop;
	(pc) =	sbr.rel .LBB2_7-.Ltmp4, $1  }
0x74: {  	_ =	sdelay $0x3  }
.LBB2_2:
0x75: {  	[tilespmem:s22], [sflag:$0x3] =	stream.indirect.gather [hbm4b:s5+s1], $0x80, s20, s1, $0xb8;
	[tilespmem:$0x1F000] =	vst v63  }
0x76: {  	s8 =	simm.s32 $0x0  }
0x77: {  	[tilespmem:s23], [sflag:$0x2] =	stream.linear.gather [hbm4b:s13+s8], $0x80, $0x38;
	[tilespmem:$0x1F000] =	vst v63  }
0x78: {  	_ =	swait.ge [sflag:s24], $0x80  }
0x79: {  	[sflag:s24] =	ssyncset.done $0x0  }
0x7a: {  	[sflag:s24] =	ssyncadd.s32 $0xFFFFFF80  }
0x7b: {  	_ =	swait.ge [sflag:s25], $0x4000  }
0x7c: {  	[sflag:s25] =	ssyncset.done $0x0  }
0x7d: {  	[sflag:s25] =	ssyncadd.s32 $0xFFFFC000  }
0x7e: {  	[tilespmem:s28], [sflag:$0x4] =	stream.indirect.gather [hbm4b:s5+s26], $0x80, s23, s26, $0xb8;
	[tilespmem:$0x1F000] =	vst v63  }
0x7f: {  	s9 =	simm.s32 $0x0  }
0x80: {  	[spmem:s2] =	stream.indirect.scatter.add.f32 [tilespmem:s22], [sflag:$0x5], $0x80, s9, s26, $0xb8;
	[tilespmem:$0x1F000] =	vst v63  }
0x81: {  	_ =	swait.ge [sflag:s17], $0x4000  }
0x82: {  	s31 =	sshrl.u32 s16, $0x3;
	[sflag:s17] =	ssyncset.done $0x0  }
0x83: {  	s8 =	sadd.s32 s7, s31;
	[sflag:s17] =	ssyncadd.s32 $0xFFFFC000  }
0x84: {  	[tilespmem:s20], [sflag:$0x1] =	stream.linear.gather [hbm4b:s8+s3], $0x80, $0x38;
	[tilespmem:$0x1F000] =	vst v63  }
0x85: {  	_ =	swait.ge [sflag:s29], $0x4000  }
0x86: {  	[sflag:s29] =	ssyncset.done $0x0  }
0x87: {  	[sflag:s29] =	ssyncadd.s32 $0xFFFFC000  }
0x88: {  	_ =	swait.ge [sflag:s21], $0x80  }
0x89: {  	[sflag:s21] =	ssyncset.done $0x0  }
0x8a: {  	[sflag:s21] =	ssyncadd.s32 $0xFFFFFF80  }
0x8b: {  	[tilespmem:s22], [sflag:$0x3] =	stream.indirect.gather [hbm4b:s5+s26], $0x80, s20, s26, $0xb8;
	[tilespmem:$0x1F000] =	vst v63  }
0x8c: {  	_ = 	snop  }
0x8d: {  	[spmem:s2] =	stream.indirect.scatter.add.f32 [tilespmem:s28], [sflag:$0x5], $0x80, s1, s26, $0xb8;
	[tilespmem:$0x1F000] =	vst v63  }
0x8e: {  	_ =	swait.ge [sflag:s17], $0x4000  }
0x8f: {  	s30 =	sadd.s32 $0x0, s15;
	s9 =	sadd.s32 $0x800, s16;
	[sflag:s17] =	ssyncset.done $0x0  }
0x90: {  	s8 =	simm.s32 $0x180;
	s1 =	simm.s32 $0x100;
	[sflag:s17] =	ssyncadd.s32 $0xFFFFC000  }
.LBB2_3:
0x91: {  	[tilespmem:s23], [sflag:$0x2] =	stream.linear.gather [hbm4b:s30+s3], $0x80, $0x38;
	[tilespmem:$0x1F000] =	vst v63  }
0x92: {  	s30 =	smov.u32 s1  }
0x93: {  	p1 =	seq.s32 s1, $0x2600;
	s1 =	sadd.s32 $0x100, s1;
	_ =	swait.ge [sflag:s24], $0x80  }
0x94: {  	[sflag:s24] =	ssyncset.done $0x0  }
0x95: {  	[sflag:s24] =	ssyncadd.s32 $0xFFFFFF80  }
0x96: {  	_ =	swait.ge [sflag:s25], $0x4000  }
0x97: {  	[sflag:s25] =	ssyncset.done $0x0  }
0x98: {  	[sflag:s25] =	ssyncadd.s32 $0xFFFFC000  }
0x99: {  	[tilespmem:s28], [sflag:$0x4] =	stream.indirect.gather [hbm4b:s5+s26], $0x80, s23, s26, $0xb8;
	[tilespmem:$0x1F000] =	vst v63  }
0x9a: {  	s31 =	sadd.s32 $0xFFFFFF80, s8  }
0x9b: {  	[spmem:s2] =	stream.indirect.scatter.add.f32 [tilespmem:s22], [sflag:$0x5], $0x80, s31, s26, $0xb8;
	[tilespmem:$0x1F000] =	vst v63  }
0x9c: {  	_ =	swait.ge [sflag:s17], $0x4000  }
0x9d: {  	s31 =	sshrl.u32 s9, $0x3;
	[sflag:s17] =	ssyncset.done $0x0  }
0x9e: {  	s31 =	sadd.s32 s7, s31;
	[sflag:s17] =	ssyncadd.s32 $0xFFFFC000  }
0x9f: {  	[tilespmem:s20], [sflag:$0x1] =	stream.linear.gather [hbm4b:s31+s3], $0x80, $0x38;
	[tilespmem:$0x1F000] =	vst v63  }
0xa0: {  	_ =	swait.ge [sflag:s29], $0x4000  }
0xa1: {  	[sflag:s29] =	ssyncset.done $0x0  }
0xa2: {  	[sflag:s29] =	ssyncadd.s32 $0xFFFFC000  }
0xa3: {  	_ =	swait.ge [sflag:s21], $0x80  }
0xa4: {  	[sflag:s21] =	ssyncset.done $0x0  }
0xa5: {  	[sflag:s21] =	ssyncadd.s32 $0xFFFFFF80  }
0xa6: {  	[tilespmem:s22], [sflag:$0x3] =	stream.indirect.gather [hbm4b:s5+s26], $0x80, s20, s26, $0xb8;
	[tilespmem:$0x1F000] =	vst v63  }
.Ltmp5:
0xa7: {  	(pc) =	sbr.rel @!p1 .LBB2_3-.Ltmp5, $4  }
0xa8: {  	[spmem:s2] =	stream.indirect.scatter.add.f32 [tilespmem:s28], [sflag:$0x5], $0x80, s8, s26, $0xb8;
	[tilespmem:$0x1F000] =	vst v63  }
0xa9: {  	_ =	swait.ge [sflag:s17], $0x4000  }
0xaa: {  	s8 =	sadd.s32 $0x100, s8;
	[sflag:s17] =	ssyncset.done $0x0  }
0xab: {  	s30 =	sadd.s32 s30, s15;
	s9 =	sadd.s32 $0x800, s9;
	[sflag:s17] =	ssyncadd.s32 $0xFFFFC000  }
.Ltmp6:
0xac: {  	(pc) =	sbr.rel .LBB2_8-.Ltmp6, $3  }
0xad: {  	_ =	sdelay $0x1  }
0xae: {  	[tilespmem:s23], [sflag:$0x2] =	stream.linear.gather [hbm4b:s30+s3], $0x80, $0x38;
	[tilespmem:$0x1F000] =	vst v63  }
0xaf: {  	s8 =	smov.u32 s5;
	s1 =	rddreg [dreg:$0x3]  }
.LBB2_9:
0xb0: {  	_ =	sfence.sel $0x180000  }
0xb1: {  	[bflag:$0x0] =	sbarrier.arrive $0xFFFF  }
0xb2: {  	_ =	strace $0x90000050  }
0xb3: {  	s0 =	stileid.u32;
	[bflag:$0x2] =	sbarrier.arrive $0xFFFF  }
0xb4: {  	p0 =	sne.s32 s0, $0x0;
	s0 =	rddreg [dreg:$0x2]  }
0xb5: {  	s0 =	sadd.s32 @!p0 $0x100000, s0  }
0xb6: {  	[sflag:s0] =	ssyncadd.tile.s32 @!p0 $0x1;
	_ =	shalt  }
.Lfunc_end2:
_tile_overlayer_lowered:
.L_overlay_start_2:
0xb7: {  	(tag) =	ssettag $0x2  }
0xb8: {  	s0 =	rddreg [dreg:$0x0];
	s2 =	stileid.u32  }
0xb9: {  	s1 =	rddreg [dreg:$0x1];
	p0 =	sne.s32 s2, $0x0  }
0xba: {  	s3 =	rddreg [dreg:$0x2];
	[bflag:$0x3] =	sbarrier.arrive $0xFFFF;
	s2 =	simm.s32 @!p0 $0x1C05  }
0xbb: {  	[timem:s3], [sflag:s2] =	dma.local @!p0 [hbm:s0], s1  }
0xbc: {  	s0 =	simm.s32 @!p0 $0x5  }
0xbd: {  	_ =	swait.ge @!p0 [sflag:s0], s1  }
0xbe: {  	s1 =	ssub.s32 @!p0 $0x0, s1;
	[sflag:s0] =	ssyncset.done @!p0 $0x0  }
0xbf: {  	[sflag:s0] =	ssyncadd.s32 @!p0 s1  }
0xc0: {  	[bflag:$0x3] =	sbarrier.arrive $0xFFFF  }
0xc1: {  	_ =	shalt  }

// kernel: kernel.14.cloned.1.call-start
scs
__scs_entry_jumppad:
0x0: {  	(pc) =	sbr.rel $0x88, $3  }
0x1: {  	(tag) =	ssettag $0x0;
	lr =	simm.s32 $0x1  }
0x2: {  	[smem:$0x3F9D] =	sst lr;
	_ =	strace $0xD0000000  }
0x3: {  	_ = 	snop  }
0x4: {  	_ = 	snop  }
0x5: {  	_ = 	snop  }
0x6: {  	_ = 	snop  }
0x7: {  	_ = 	snop  }
__scs_overlays_trampoline_lowered:
0x8: {  	[smem:$0x3FAC] =	sst s0  }
0x9: {  	[smem:$0x3FAD] =	sst s1  }
0xa: {  	[smem:$0x3FAE] =	sst s2  }
0xb: {  	[smem:$0x3FAF] =	sst s3  }
0xc: {  	[smem:$0x3FB0] =	sst s4  }
0xd: {  	[smem:$0x3FB1] =	sst s5  }
0xe: {  	[smem:$0x3FB2] =	sst s6  }
0xf: {  	[smem:$0x3FB3] =	sst s7  }
0x10: {  	[smem:$0x3FB4] =	sst s8  }
0x11: {  	[smem:$0x3FB5] =	sst s9;
	s0 =	simm.s32 @!p0 $0x0  }
0x12: {  	s1 =	sld [smem:$0x3F9B];
	s0 =	simm.s32 @p0 $0x1  }
0x13: {  	[smem:$0x3FB6] =	sst s0;
	s0 =	simm.s32 @!p1 $0x0  }
0x14: {  	s2 =	sld [smem:$0x3F9A];
	s0 =	simm.s32 @p1 $0x1  }
0x15: {  	[smem:$0x3FB7] =	sst s0;
	s0 =	simm.s32 @!p2 $0x0  }
0x16: {  	s3 =	sld [smem:$0x3FDB];
	s0 =	simm.s32 @p2 $0x1  }
0x17: {  	s4 =	simm.s32 $0x1BF5;
	[smem:$0x3FB9] =	sst s0  }
0x18: {  	s0 =	sld [smem:$0x3F9C];
	_ =	swait.ge [sflag:s4], $0x0  }
0x19: {  	s7 =	sld [smem:$0x3F9D]  }
0x1a: {  	s8 =	sadd.s32 $0xFFFFE003, lr  }
0x1b: {  	s9 =	sadd.s32 $0xFFFFFEF7, lr;
	s5 =	simm.s32 $0xFFFFFFFF;
	p2 =	slt.u32 s8, $0xFFFFF086  }
0x1c: {  	p1 =	slt.u32 s9, $0xF7A;
	s5 =	simm.s32 @!p2 $0x0  }
0x1d: {  	s5 =	simm.s32 @p1 $0x1;
	p0 =	seq.s32 s7, s2  }
0x1e: {  	s7 =	smul.u32 @!p0 $0xF7A, s2;
	p2 =	seq.s32 @!p0 s5, $0x0  }
0x1f: {  	s9 =	smul.u32 $0xF7A, s1;
	s8 =	simm.s32 @!p0 $0x1BF5;
	p2 =	por !p2, p0  }
0x20: {  	[sflag:s8] =	ssyncset.s32 @!p0 $0xFFFFF086;
	s6 =	sadd.s32 @!p0 s3, s7;
	s7 =	simm.s32 @!p0 $0x108  }
0x21: {  	s3 =	sadd.s32 s3, s9;
	s6 =	sadd.s32 @!p0 $0x88, s6;
	s7 =	simm.s32 @p2 $0x1082  }
0x22: {  	[simem:s7], [sflag:s8] =	dma.local @!p0 [hbm:s6], $0xF7A  }
0x23: {  	s9 =	sor.u32 $0xD0000000, s2;
	s6 =	simm.s32 $0x108;
	_ =	swait.ge @!p0 [sflag:s8], $0x0  }
0x24: {  	s3 =	sadd.s32 $0x88, s3;
	s6 =	simm.s32 @!p1 $0x1082;
	[sflag:s4] =	ssyncset.s32 $0xFFFFF086  }
0x25: {  	[simem:s6], [sflag:s4] =	dma.local [hbm:s3], $0xF7A  }
0x26: {  	[smem:$0x3F9D] =	sst s1;
	(tag) =	ssettag s2;
	_ =	strace s9  }
0x27: {  	s1 =	sld [smem:$0x3FAD]  }
0x28: {  	s2 =	sld [smem:$0x3FAE]  }
0x29: {  	s4 =	sld [smem:$0x3FB0]  }
0x2a: {  	p0 =	seq.s32 s5, $0x0;
	s5 =	sld [smem:$0x3FB1]  }
0x2b: {  	s6 =	sld [smem:$0x3FB2]  }
0x2c: {  	s7 =	sld [smem:$0x3FB3]  }
0x2d: {  	s3 =	simm.s32 $0x108;
	s8 =	sld [smem:$0x3FB4]  }
0x2e: {  	s3 =	simm.s32 @!p0 $0x1082;
	s9 =	sld [smem:$0x3FB5]  }
0x2f: {  	lr =	sadd.s32 s0, s3;
	s0 =	sld [smem:$0x3FAC]  }
0x30: {  	s3 =	sld [smem:$0x3FAF]  }
0x31: {  	[smem:$0x3FB8] =	sst s10  }
0x32: {  	s10 =	sld [smem:$0x3FB6];
	_ =	sdelay $0x3  }
0x33: {  	p0 =	seq.s32 s10, $0x1;
	s10 =	sld [smem:$0x3FB8];
	_ =	sdelay $0x3  }
0x34: {  	[smem:$0x3FB8] =	sst s10  }
0x35: {  	s10 =	sld [smem:$0x3FB7];
	_ =	sdelay $0x3  }
0x36: {  	p1 =	seq.s32 s10, $0x1;
	s10 =	sld [smem:$0x3FB8];
	_ =	sdelay $0x3  }
0x37: {  	[smem:$0x3FB8] =	sst s10  }
0x38: {  	s10 =	sld [smem:$0x3FB9]  }
0x39: {  	_ = 	snop;
	(pc) =	sbr.ind lr, $3  }
0x3a: {  	_ = 	snop  }
0x3b: {  	_ = 	snop  }
0x3c: {  	p2 =	seq.s32 s10, $0x1;
	s10 =	sld [smem:$0x3FB8]  }
0x3d: {  	_ =	shalt  }
0x3e: {  	_ =	shalt  }
0x3f: {  	_ =	shalt  }
0x40: {  	_ =	shalt  }
0x41: {  	_ =	shalt  }
0x42: {  	_ =	shalt  }
0x43: {  	_ =	shalt  }
0x44: {  	_ =	shalt  }
0x45: {  	_ =	shalt  }
0x46: {  	_ =	shalt  }
0x47: {  	_ =	shalt  }
0x48: {  	_ =	shalt  }
0x49: {  	_ =	shalt  }
0x4a: {  	_ =	shalt  }
0x4b: {  	_ =	shalt  }
0x4c: {  	_ =	shalt  }
0x4d: {  	_ =	shalt  }
0x4e: {  	_ =	shalt  }
0x4f: {  	_ =	shalt  }
0x50: {  	_ =	shalt  }
0x51: {  	_ =	shalt  }
0x52: {  	_ =	shalt  }
0x53: {  	_ =	shalt  }
0x54: {  	_ =	shalt  }
0x55: {  	_ =	shalt  }
0x56: {  	_ =	shalt  }
0x57: {  	_ =	shalt  }
0x58: {  	_ =	shalt  }
0x59: {  	_ =	shalt  }
0x5a: {  	_ =	shalt  }
0x5b: {  	_ =	shalt  }
0x5c: {  	_ =	shalt  }
0x5d: {  	_ =	shalt  }
0x5e: {  	_ =	shalt  }
0x5f: {  	_ =	shalt  }
0x60: {  	_ =	shalt  }
0x61: {  	_ =	shalt  }
0x62: {  	_ =	shalt  }
0x63: {  	_ =	shalt  }
0x64: {  	_ =	shalt  }
0x65: {  	_ =	shalt  }
0x66: {  	_ =	shalt  }
0x67: {  	_ =	shalt  }
0x68: {  	_ =	shalt  }
0x69: {  	_ =	shalt  }
0x6a: {  	_ =	shalt  }
0x6b: {  	_ =	shalt  }
0x6c: {  	_ =	shalt  }
0x6d: {  	_ =	shalt  }
0x6e: {  	_ =	shalt  }
0x6f: {  	_ =	shalt  }
0x70: {  	_ =	shalt  }
0x71: {  	_ =	shalt  }
0x72: {  	_ =	shalt  }
0x73: {  	_ =	shalt  }
0x74: {  	_ =	shalt  }
0x75: {  	_ =	shalt  }
0x76: {  	_ =	shalt  }
0x77: {  	_ =	shalt  }
0x78: {  	_ =	shalt  }
0x79: {  	_ =	shalt  }
0x7a: {  	_ =	shalt  }
0x7b: {  	_ =	shalt  }
0x7c: {  	_ =	shalt  }
0x7d: {  	_ =	shalt  }
0x7e: {  	_ =	shalt  }
0x7f: {  	_ =	shalt  }
0x80: {  	_ =	shalt  }
0x81: {  	_ =	shalt  }
0x82: {  	_ =	shalt  }
0x83: {  	_ =	shalt  }
0x84: {  	_ =	shalt  }
0x85: {  	_ =	shalt  }
0x86: {  	_ =	shalt  }
0x87: {  	_ =	shalt  }
.Lfunc_end0:
.L_simem_size_0:
called_computation.4_lowered:
.L_overlay_start_0:
0x88: {  	s2 =	sld [smem:$0x3FD9]  }
0x89: {  	s3 =	sld [smem:$0x3FFE];
	_ =	sdelay $0x1  }
0x8a: {  	s1 =	srdreg.scid  }
0x8b: {  	s0 =	sand.u32 $0x1, s1  }
0x8c: {  	s17 =	sshll.u32 s0, $0xA;
	s2 =	sadd.s32 s3, s2  }
0x8d: {  	s2 =	sadd.s32 s2, s17  }
0x8e: {  	[smem:$0x3FC4] =	sst s2  }
0x8f: {  	_ = 	snop  }
0x90: {  	s2 =	sld [smem:$0x3FD0];
	(tm) =	ssettm $0x1  }
0x91: {  	s18 =	sld [smem:$0x3FFB];
	_ =	sdelay $0x3  }
0x92: {  	_ =	strace s18  }
0x93: {  	s3 =	sld [smem:$0x3FFC];
	_ =	sdelay $0x3  }
0x94: {  	_ =	strace s3  }
0x95: {  	s3 =	sld [smem:$0x3FFD];
	_ =	sdelay $0x3  }
0x96: {  	_ =	strace s3  }
0x97: {  	_ =	strace $0x8FFFFFFF  }
0x98: {  	s19 =	sld [smem:$0x3FDB];
	_ =	sdelay $0x1  }
0x99: {  	s4 =	simm.s32 $_scs_section_size  }
0x9a: {  	s5 =	simm.s32 $_size__tile_overlayer_lowered;
	s6 =	simm.s32 $_tile_overlayer_lowered  }
0x9b: {  	s22 =	simm.s32 $0x1BFF;
	s21 =	sshll.u32 s6, $0x1;
	s3 =	sadd.s32 s4, s19  }
0x9c: {  	s7 =	simm.s32 $0x0;
	s20 =	sshll.u32 s5, $0x1;
	s5 =	sadd.s32 s21, s3  }
0x9d: {  	[timem:s7], [sflag:s22] =	dma.local [hbm:s5], s20  }
0x9e: {  	_ =	swait.ge [sflag:s22], s20  }
0x9f: {  	s4 =	ssub.s32 $0x0, s20;
	[sflag:s22] =	ssyncset.done $0x0  }
0xa0: {  	[sflag:s22] =	ssyncadd.s32 s4;
	_ =	sdelay $0x1  }
0xa1: {  	s23 =	simm.s32 $0x1B8B  }
0xa2: {  	_ =	swait.ge [sflag:s23], $0x1  }
0xa3: {  	[sflag:s23] =	ssyncset.done $0x0  }
0xa4: {  	s25 =	simm.s32 $0x1B8E;
	s24 =	sld [smem:$0x3FFE];
	[sflag:s23] =	ssyncadd.s32 $0xFFFFFFFF  }
0xa5: {  	s26 =	simm.s32 $execute0_lowered;
	[smem:$0x3FD2] =	sst s25  }
0xa6: {  	s5 =	sshll.u32 s26, $0x1;
	_ =	strace $0x80000052;
	[dreg:$0x1] =	wrdreg $0xFFFFFFFF  }
0xa7: {  	s28 =	simm.s32 $_size_execute0_lowered;
	s3 =	sadd.s32 s3, s5;
	[dreg:$0x0] =	wrdreg $0x0  }
0xa8: {  	s5 =	sshll.u32 s28, $0x1;
	[dreg:$0x2] =	wrdreg s3  }
0xa9: {  	[dreg:$0x3] =	wrdreg s5  }
0xaa: {  	[dreg:$0x4] =	wrdreg $0xC0  }
0xab: {  	_ =	task [dreg:s7], $0x5FFFF  }
0xac: {  	[dreg:$0x1] =	wrdreg $0xFFFFFFFF  }
0xad: {  	[dreg:$0x0] =	wrdreg $0x60  }
0xae: {  	[dreg:$0x2] =	wrdreg s24  }
0xaf: {  	[dreg:$0x3] =	wrdreg s2  }
0xb0: {  	[dreg:$0x4] =	wrdreg $0xA8000  }
0xb1: {  	[dreg:$0x5] =	wrdreg $0x9  }
0xb2: {  	_ =	task.clear_ibuf [dreg:s7], $0x6FFFF;
	_ =	strace $0x90000052  }
0xb3: {  	s29 =	simm.s32 $0x9;
	_ =	strace $0x80000054  }
0xb4: {  	_ =	swait.ge [sflag:s29], $0x1  }
0xb5: {  	[sflag:s29] =	ssyncadd.s32 $0xFFFFFFFF  }
0xb6: {  	_ =	strace $0x90000054  }
0xb7: {  	_ =	sfence  }
0xb8: {  	s30 =	sld [smem:$0x0];
	_ =	sdelay $0x2  }
0xb9: {  	s31 =	sshll.u32 s1, $0xD;
	s1 =	sshrl.u32 s1, $0x2  }
0xba: {  	s3 =	sand.u32 $0x4000, s31;
	s1 =	sadd.s32 s1, s30  }
0xbb: {  	s0 =	sor.u32 s3, s0;
	s1 =	sshll.u32 s1, $0x11  }
0xbc: {  	s0 =	sor.u32 s1, s0  }
0xbd: {  	s0 =	sadd.s32 $0x8F2B, s0  }
0xbe: {  	[sflag:s0] =	ssyncadd.remote.s32 $0x1  }
0xbf: {  	_ =	sfence.sel $0xFFFF  }
0xc0: {  	[dreg:$0x0] =	wrdreg $0xFFFFFFFF;
	(pc) =	sbr.abs _section_cstart, $3  }
0xc1: {  	[dreg:$0x1] =	wrdreg $0xFFFFFFFF  }
0xc2: {  	_ =	task.clear_ibuf [dreg:s7], $0x2FFFF;
	_ =	strace $0x9FFFFFFF  }
0xc3: {  	(tm) =	ssettm $0x7FFFFFFF  }
tec
execute0_lowered:
.L_overlay_start_1:
0x0: {  	(tag) =	ssettag $0x1  }
0x1: {  	s6 =	rddreg [dreg:$0x0]  }
0x2: {  	s8 =	rddreg [dreg:$0x1]  }
0x3: {  	s0 =	srdreg.scid;
	s2 =	rddreg [dreg:$0x2];
	s3 =	simm.s32 $0x0  }
0x4: {  	s16 =	simm.s32 $0x2800;
	s17 =	simm.s32 $0x6800;
	s18 =	simm.s32 $0x1  }
0x5: {  	s19 =	simm.s32 $0x2;
	s20 =	simm.s32 $0x2700;
	s21 =	simm.s32 $0x2780  }
0x6: {  	s22 =	simm.s32 $0x0;
	s5 =	sand.u32 $0x1, s0;
	s0 =	stileid.u32  }
0x7: {  	[smem:$0x7FF] =	sst s3;
	s1 =	sshll.u32 s5, $0x4;
	s29 =	smul.u32 $0x14000, s0  }
0x8: {  	s9 =	sshll.u32 s0, $0x7;
	s11 =	smul.u32 $0x140000, s5;
	s5 =	ssub.s32 $0x2, s5  }
0x9: {  	s13 =	smul.u32 $0x50000, s0;
	s14 =	sshll.u32 s0, $0x6;
	s7 =	sor.u32 s0, s1  }
0xa: {  	s9 =	sand.u32 $0x380, s9;
	s30 =	sshrl.u32 s5, $0x1;
	s14 =	sor.u32 $0x1C03, s14  }
0xb: {  	s1 =	sshrl.u32 s7, $0x3;
	s12 =	sshrl.u32 s29, $0x3;
	s7 =	smul.u32 $0x280, s7  }
0xc: {  	s31 =	sshrl.u32 s13, $0x2;
	s13 =	simm.s32 $0x1400;
	s4 =	smul.u32 $0xA000, s1  }
0xd: {  	s1 =	rddreg [dreg:$0x3];
	_ =	strace $0x80000053;
	s15 =	sadd.s32 s31, s2  }
0xe: {  	s12 =	sadd.s32 s12, s6;
	s15 =	sshrl.u32 s15, $0x3;
	s4 =	sor.u32 s9, s4  }
0xf: {  	s9 =	sadd.s32 s29, s11;
	s11 =	ssub.s32 s5, s30;
	s10 =	sshrl.u32 s4, $0x3  }
0x10: {  	s4 =	sadd.s32 $0x3D800, s6;
	s9 =	sshrl.u32 s9, $0x3;
	s10 =	sadd.s32 s10, s6  }
0x11: {  	s9 =	sadd.s32 s9, s6;
	s6 =	sadd.s32 s8, s7;
	s7 =	sadd.s32 $0x15800, s12  }
0x12: {  	s12 =	simm.s32 $0x3;
	s5 =	sadd.s32 $0x6800, s10;
	s8 =	sadd.s32 $0x64A00, s9  }
0x13: {  	s9 =	smax.u32 s11, $0x1;
	s10 =	simm.s32 $0x80;
	s11 =	simm.s32 $0x400  }
.LBB2_1:
0x14: {  	[tilespmem:s3], [sflag:$0x3] =	stream.strided.gather [hbm4b:s5+s10], $0x1400, s11, s10, $0x38;
	[tilespmem:$0x1E800] =	vst v63  }
0x15: {  	_ =	swait.ge [sflag:s12], $0x1400  }
0x16: {  	[sflag:s12] =	ssyncset.done $0x0  }
0x17: {  	[sflag:s12] =	ssyncadd.s32 $0xFFFFEC00  }
0x18: {  	[tilespmem:s13], [sflag:$0x3] =	stream.linear.gather [hbm4b:s6+s3], $0x1400, $0x38;
	[tilespmem:$0x1E800] =	vst v63  }
0x19: {  	_ =	swait.ge [sflag:s12], $0x1400  }
0x1a: {  	[sflag:s12] =	ssyncset.done $0x0  }
0x1b: {  	[sflag:s12] =	ssyncadd.s32 $0xFFFFEC00  }
0x1c: {  	[spmem:s15], [sflag:s14] =	dma.local [hbm:s7], $0x2800  }
0x1d: {  	_ =	swait.ge [sflag:s12], $0x2800  }
0x1e: {  	[sflag:s12] =	ssyncset.done $0x0  }
0x1f: {  	[sflag:s12] =	ssyncadd.s32 $0xFFFFD800  }
0x20: {  	[bflag:$0x0] =	sbarrier.arrive $0xFFFF  }
0x21: {  	[tilespmem:s16], [sflag:$0x1] =	stream.indirect.gather [hbm4b:s4+s10], $0x80, s3, s10, $0xb8;
	[tilespmem:$0x1E800] =	vst v63  }
0x22: {  	_ = 	snop  }
0x23: {  	[tilespmem:s17], [sflag:$0x2] =	stream.indirect.gather [hbm4b:s4+s10], $0x80, s10, s10, $0xb8;
	[tilespmem:$0x1E800] =	vst v63  }
0x24: {  	_ =	swait.ge [sflag:s18], $0x4000  }
0x25: {  	[sflag:s18] =	ssyncset.done $0x0  }
0x26: {  	s23 =	simm.s32 $0x1400;
	[sflag:s18] =	ssyncadd.s32 $0xFFFFC000  }
0x27: {  	[spmem:s2] =	stream.indirect.scatter.add.f32 [tilespmem:s16], [sflag:$0x3], $0x80, s23, s10, $0xb8;
	[tilespmem:$0x1E800] =	vst v63  }
0x28: {  	_ =	swait.ge [sflag:s12], $0x4000  }
0x29: {  	[sflag:s12] =	ssyncset.done $0x0  }
0x2a: {  	s30 =	simm.s32 $0x100;
	[sflag:s12] =	ssyncadd.s32 $0xFFFFC000  }
0x2b: {  	[tilespmem:s16], [sflag:$0x1] =	stream.indirect.gather [hbm4b:s4+s10], $0x80, s30, s10, $0xb8;
	[tilespmem:$0x1E800] =	vst v63  }
0x2c: {  	_ =	swait.ge [sflag:s19], $0x4000  }
0x2d: {  	[sflag:s19] =	ssyncset.done $0x0  }
0x2e: {  	s31 =	simm.s32 $0x1480;
	[sflag:s19] =	ssyncadd.s32 $0xFFFFC000  }
0x2f: {  	[spmem:s2] =	stream.indirect.scatter.add.f32 [tilespmem:s17], [sflag:$0x3], $0x80, s31, s10, $0xb8;
	[tilespmem:$0x1E800] =	vst v63  }
0x30: {  	_ =	swait.ge [sflag:s12], $0x4000  }
0x31: {  	[sflag:s12] =	ssyncset.done $0x0  }
0x32: {  	s24 =	simm.s32 $0x180;
	s23 =	simm.s32 $0x400;
	[sflag:s12] =	ssyncadd.s32 $0xFFFFC000  }
.LBB2_2:
0x33: {  	[tilespmem:s17], [sflag:$0x2] =	stream.indirect.gather [hbm4b:s4+s10], $0x80, s24, s10, $0xb8;
	[tilespmem:$0x1E800] =	vst v63  }
0x34: {  	s24 =	smov.u32 s23  }
0x35: {  	p0 =	sne.s32 s23, $0x4800;
	s23 =	sadd.s32 $0x400, s23;
	_ =	swait.ge [sflag:s18], $0x4000  }
0x36: {  	s24 =	sshra.s32 s24, $0x2;
	[sflag:s18] =	ssyncset.done $0x0  }
0x37: {  	s25 =	sadd.s32 $0x1400, s24;
	[sflag:s18] =	ssyncadd.s32 $0xFFFFC000  }
0x38: {  	[spmem:s2] =	stream.indirect.scatter.add.f32 [tilespmem:s16], [sflag:$0x3], $0x80, s25, s10, $0xb8;
	[tilespmem:$0x1E800] =	vst v63  }
0x39: {  	_ =	swait.ge [sflag:s12], $0x4000  }
0x3a: {  	[sflag:s12] =	ssyncset.done $0x0  }
0x3b: {  	s25 =	sadd.s32 $0x100, s24;
	[sflag:s12] =	ssyncadd.s32 $0xFFFFC000  }
0x3c: {  	[tilespmem:s16], [sflag:$0x1] =	stream.indirect.gather [hbm4b:s4+s10], $0x80, s25, s10, $0xb8;
	[tilespmem:$0x1E800] =	vst v63  }
0x3d: {  	_ =	swait.ge [sflag:s19], $0x4000  }
0x3e: {  	[sflag:s19] =	ssyncset.done $0x0  }
.Ltmp0:
0x3f: {  	s25 =	sadd.s32 $0x1480, s24;
	[sflag:s19] =	ssyncadd.s32 $0xFFFFC000;
	(pc) =	sbr.rel @p0 .LBB2_2-.Ltmp0, $4  }
0x40: {  	[spmem:s2] =	stream.indirect.scatter.add.f32 [tilespmem:s17], [sflag:$0x3], $0x80, s25, s10, $0xb8;
	[tilespmem:$0x1E800] =	vst v63  }
0x41: {  	_ =	swait.ge [sflag:s12], $0x4000  }
0x42: {  	[sflag:s12] =	ssyncset.done $0x0  }
0x43: {  	s24 =	sadd.s32 $0x180, s24;
	[sflag:s12] =	ssyncadd.s32 $0xFFFFC000  }
0x44: {  	[tilespmem:s17], [sflag:$0x2] =	stream.indirect.gather [hbm4b:s4+s10], $0x80, s24, s10, $0xb8;
	[tilespmem:$0x1E800] =	vst v63  }
0x45: {  	_ =	swait.ge [sflag:s18], $0x4000  }
0x46: {  	[sflag:s18] =	ssyncset.done $0x0  }
0x47: {  	[sflag:s18] =	ssyncadd.s32 $0xFFFFC000  }
0x48: {  	[spmem:s2] =	stream.indirect.scatter.add.f32 [tilespmem:s16], [sflag:$0x3], $0x80, s20, s10, $0xb8;
	[tilespmem:$0x1E800] =	vst v63  }
0x49: {  	_ =	swait.ge [sflag:s12], $0x4000  }
0x4a: {  	[sflag:s12] =	ssyncset.done $0x0  }
0x4b: {  	[sflag:s12] =	ssyncadd.s32 $0xFFFFC000  }
0x4c: {  	_ =	swait.ge [sflag:s19], $0x4000  }
0x4d: {  	[sflag:s19] =	ssyncset.done $0x0  }
0x4e: {  	[sflag:s19] =	ssyncadd.s32 $0xFFFFC000  }
0x4f: {  	[spmem:s2] =	stream.indirect.scatter.add.f32 [tilespmem:s17], [sflag:$0x3], $0x80, s21, s10, $0xb8;
	[tilespmem:$0x1E800] =	vst v63  }
0x50: {  	_ =	swait.ge [sflag:s12], $0x4000  }
0x51: {  	s22 =	sadd.s32 $0x1, s22;
	[sflag:s12] =	ssyncset.done $0x0  }
0x52: {  	p0 =	sne.s32 s22, s9;
	[sflag:s12] =	ssyncadd.s32 $0xFFFFC000  }
.Ltmp1:
0x53: {  	[bflag:$0x0] =	sbarrier.arrive $0xFFFF;
	(pc) =	sbr.rel @p0 .LBB2_1-.Ltmp1, $4  }
0x54: {  	[hbm:s8], [sflag:s14] =	dma.local [spmem:s15], $0x2800  }
0x55: {  	_ =	swait.ge [sflag:s12], $0x2800  }
0x56: {  	[sflag:s12] =	ssyncset.done $0x0  }
0x57: {  	[sflag:s12] =	ssyncadd.s32 $0xFFFFD800  }
0x58: {  	_ =	sfence.sel $0x180000  }
0x59: {  	[bflag:$0x0] =	sbarrier.arrive $0xFFFF  }
0x5a: {  	p0 =	sne.s32 s0, $0x0;
	_ =	strace $0x90000053  }
0x5b: {  	s0 =	sadd.s32 @!p0 $0x100000, s1;
	[bflag:$0x2] =	sbarrier.arrive $0xFFFF  }
0x5c: {  	[sflag:s0] =	ssyncadd.tile.s32 @!p0 $0x1;
	_ =	shalt  }
.Lfunc_end2:
_tile_overlayer_lowered:
.L_overlay_start_2:
0x5d: {  	(tag) =	ssettag $0x2  }
0x5e: {  	s0 =	rddreg [dreg:$0x0];
	s2 =	stileid.u32  }
0x5f: {  	s1 =	rddreg [dreg:$0x1];
	p0 =	sne.s32 s2, $0x0  }
0x60: {  	s3 =	rddreg [dreg:$0x2];
	[bflag:$0x3] =	sbarrier.arrive $0xFFFF;
	s2 =	simm.s32 @!p0 $0x1C03  }
0x61: {  	[timem:s3], [sflag:s2] =	dma.local @!p0 [hbm:s0], s1  }
0x62: {  	s0 =	simm.s32 @!p0 $0x3  }
0x63: {  	_ =	swait.ge @!p0 [sflag:s0], s1  }
0x64: {  	s1 =	ssub.s32 @!p0 $0x0, s1;
	[sflag:s0] =	ssyncset.done @!p0 $0x0  }
0x65: {  	[sflag:s0] =	ssyncadd.s32 @!p0 s1  }
0x66: {  	[bflag:$0x3] =	sbarrier.arrive $0xFFFF  }
0x67: {  	_ =	shalt  }

// kernel: kernel.8.cloned.1.call-start
scs
__scs_entry_jumppad:
0x0: {  	(pc) =	sbr.rel $0x88, $3  }
0x1: {  	(tag) =	ssettag $0x0;
	lr =	simm.s32 $0x1  }
0x2: {  	[smem:$0x3F9D] =	sst lr;
	_ =	strace $0xD0000000  }
0x3: {  	_ = 	snop  }
0x4: {  	_ = 	snop  }
0x5: {  	_ = 	snop  }
0x6: {  	_ = 	snop  }
0x7: {  	_ = 	snop  }
__scs_overlays_trampoline_lowered:
0x8: {  	[smem:$0x3FAC] =	sst s0  }
0x9: {  	[smem:$0x3FAD] =	sst s1  }
0xa: {  	[smem:$0x3FAE] =	sst s2  }
0xb: {  	[smem:$0x3FAF] =	sst s3  }
0xc: {  	[smem:$0x3FB0] =	sst s4  }
0xd: {  	[smem:$0x3FB1] =	sst s5  }
0xe: {  	[smem:$0x3FB2] =	sst s6  }
0xf: {  	[smem:$0x3FB3] =	sst s7  }
0x10: {  	[smem:$0x3FB4] =	sst s8  }
0x11: {  	[smem:$0x3FB5] =	sst s9;
	s0 =	simm.s32 @!p0 $0x0  }
0x12: {  	s1 =	sld [smem:$0x3F9B];
	s0 =	simm.s32 @p0 $0x1  }
0x13: {  	[smem:$0x3FB6] =	sst s0;
	s0 =	simm.s32 @!p1 $0x0  }
0x14: {  	s2 =	sld [smem:$0x3F9A];
	s0 =	simm.s32 @p1 $0x1  }
0x15: {  	[smem:$0x3FB7] =	sst s0;
	s0 =	simm.s32 @!p2 $0x0  }
0x16: {  	s3 =	sld [smem:$0x3FDB];
	s0 =	simm.s32 @p2 $0x1  }
0x17: {  	s4 =	simm.s32 $0x1BF5;
	[smem:$0x3FB9] =	sst s0  }
0x18: {  	s0 =	sld [smem:$0x3F9C];
	_ =	swait.ge [sflag:s4], $0x0  }
0x19: {  	s7 =	sld [smem:$0x3F9D]  }
0x1a: {  	s8 =	sadd.s32 $0xFFFFE003, lr  }
0x1b: {  	s9 =	sadd.s32 $0xFFFFFEF7, lr;
	s5 =	simm.s32 $0xFFFFFFFF;
	p2 =	slt.u32 s8, $0xFFFFF086  }
0x1c: {  	p1 =	slt.u32 s9, $0xF7A;
	s5 =	simm.s32 @!p2 $0x0  }
0x1d: {  	s5 =	simm.s32 @p1 $0x1;
	p0 =	seq.s32 s7, s2  }
0x1e: {  	s7 =	smul.u32 @!p0 $0xF7A, s2;
	p2 =	seq.s32 @!p0 s5, $0x0  }
0x1f: {  	s9 =	smul.u32 $0xF7A, s1;
	s8 =	simm.s32 @!p0 $0x1BF5;
	p2 =	por !p2, p0  }
0x20: {  	[sflag:s8] =	ssyncset.s32 @!p0 $0xFFFFF086;
	s6 =	sadd.s32 @!p0 s3, s7;
	s7 =	simm.s32 @!p0 $0x108  }
0x21: {  	s3 =	sadd.s32 s3, s9;
	s6 =	sadd.s32 @!p0 $0x88, s6;
	s7 =	simm.s32 @p2 $0x1082  }
0x22: {  	[simem:s7], [sflag:s8] =	dma.local @!p0 [hbm:s6], $0xF7A  }
0x23: {  	s9 =	sor.u32 $0xD0000000, s2;
	s6 =	simm.s32 $0x108;
	_ =	swait.ge @!p0 [sflag:s8], $0x0  }
0x24: {  	s3 =	sadd.s32 $0x88, s3;
	s6 =	simm.s32 @!p1 $0x1082;
	[sflag:s4] =	ssyncset.s32 $0xFFFFF086  }
0x25: {  	[simem:s6], [sflag:s4] =	dma.local [hbm:s3], $0xF7A  }
0x26: {  	[smem:$0x3F9D] =	sst s1;
	(tag) =	ssettag s2;
	_ =	strace s9  }
0x27: {  	s1 =	sld [smem:$0x3FAD]  }
0x28: {  	s2 =	sld [smem:$0x3FAE]  }
0x29: {  	s4 =	sld [smem:$0x3FB0]  }
0x2a: {  	p0 =	seq.s32 s5, $0x0;
	s5 =	sld [smem:$0x3FB1]  }
0x2b: {  	s6 =	sld [smem:$0x3FB2]  }
0x2c: {  	s7 =	sld [smem:$0x3FB3]  }
0x2d: {  	s3 =	simm.s32 $0x108;
	s8 =	sld [smem:$0x3FB4]  }
0x2e: {  	s3 =	simm.s32 @!p0 $0x1082;
	s9 =	sld [smem:$0x3FB5]  }
0x2f: {  	lr =	sadd.s32 s0, s3;
	s0 =	sld [smem:$0x3FAC]  }
0x30: {  	s3 =	sld [smem:$0x3FAF]  }
0x31: {  	[smem:$0x3FB8] =	sst s10  }
0x32: {  	s10 =	sld [smem:$0x3FB6];
	_ =	sdelay $0x3  }
0x33: {  	p0 =	seq.s32 s10, $0x1;
	s10 =	sld [smem:$0x3FB8];
	_ =	sdelay $0x3  }
0x34: {  	[smem:$0x3FB8] =	sst s10  }
0x35: {  	s10 =	sld [smem:$0x3FB7];
	_ =	sdelay $0x3  }
0x36: {  	p1 =	seq.s32 s10, $0x1;
	s10 =	sld [smem:$0x3FB8];
	_ =	sdelay $0x3  }
0x37: {  	[smem:$0x3FB8] =	sst s10  }
0x38: {  	s10 =	sld [smem:$0x3FB9]  }
0x39: {  	_ = 	snop;
	(pc) =	sbr.ind lr, $3  }
0x3a: {  	_ = 	snop  }
0x3b: {  	_ = 	snop  }
0x3c: {  	p2 =	seq.s32 s10, $0x1;
	s10 =	sld [smem:$0x3FB8]  }
0x3d: {  	_ =	shalt  }
0x3e: {  	_ =	shalt  }
0x3f: {  	_ =	shalt  }
0x40: {  	_ =	shalt  }
0x41: {  	_ =	shalt  }
0x42: {  	_ =	shalt  }
0x43: {  	_ =	shalt  }
0x44: {  	_ =	shalt  }
0x45: {  	_ =	shalt  }
0x46: {  	_ =	shalt  }
0x47: {  	_ =	shalt  }
0x48: {  	_ =	shalt  }
0x49: {  	_ =	shalt  }
0x4a: {  	_ =	shalt  }
0x4b: {  	_ =	shalt  }
0x4c: {  	_ =	shalt  }
0x4d: {  	_ =	shalt  }
0x4e: {  	_ =	shalt  }
0x4f: {  	_ =	shalt  }
0x50: {  	_ =	shalt  }
0x51: {  	_ =	shalt  }
0x52: {  	_ =	shalt  }
0x53: {  	_ =	shalt  }
0x54: {  	_ =	shalt  }
0x55: {  	_ =	shalt  }
0x56: {  	_ =	shalt  }
0x57: {  	_ =	shalt  }
0x58: {  	_ =	shalt  }
0x59: {  	_ =	shalt  }
0x5a: {  	_ =	shalt  }
0x5b: {  	_ =	shalt  }
0x5c: {  	_ =	shalt  }
0x5d: {  	_ =	shalt  }
0x5e: {  	_ =	shalt  }
0x5f: {  	_ =	shalt  }
0x60: {  	_ =	shalt  }
0x61: {  	_ =	shalt  }
0x62: {  	_ =	shalt  }
0x63: {  	_ =	shalt  }
0x64: {  	_ =	shalt  }
0x65: {  	_ =	shalt  }
0x66: {  	_ =	shalt  }
0x67: {  	_ =	shalt  }
0x68: {  	_ =	shalt  }
0x69: {  	_ =	shalt  }
0x6a: {  	_ =	shalt  }
0x6b: {  	_ =	shalt  }
0x6c: {  	_ =	shalt  }
0x6d: {  	_ =	shalt  }
0x6e: {  	_ =	shalt  }
0x6f: {  	_ =	shalt  }
0x70: {  	_ =	shalt  }
0x71: {  	_ =	shalt  }
0x72: {  	_ =	shalt  }
0x73: {  	_ =	shalt  }
0x74: {  	_ =	shalt  }
0x75: {  	_ =	shalt  }
0x76: {  	_ =	shalt  }
0x77: {  	_ =	shalt  }
0x78: {  	_ =	shalt  }
0x79: {  	_ =	shalt  }
0x7a: {  	_ =	shalt  }
0x7b: {  	_ =	shalt  }
0x7c: {  	_ =	shalt  }
0x7d: {  	_ =	shalt  }
0x7e: {  	_ =	shalt  }
0x7f: {  	_ =	shalt  }
0x80: {  	_ =	shalt  }
0x81: {  	_ =	shalt  }
0x82: {  	_ =	shalt  }
0x83: {  	_ =	shalt  }
0x84: {  	_ =	shalt  }
0x85: {  	_ =	shalt  }
0x86: {  	_ =	shalt  }
0x87: {  	_ =	shalt  }
.Lfunc_end0:
.L_simem_size_0:
called_computation.2_lowered:
.L_overlay_start_0:
0x88: {  	s2 =	sld [smem:$0x3FD9]  }
0x89: {  	s3 =	sld [smem:$0x3FFE];
	_ =	sdelay $0x1  }
0x8a: {  	s1 =	srdreg.scid  }
0x8b: {  	s0 =	sand.u32 $0x1, s1  }
0x8c: {  	s17 =	sshll.u32 s0, $0xA;
	s2 =	sadd.s32 s3, s2  }
0x8d: {  	s2 =	sadd.s32 s2, s17  }
0x8e: {  	[smem:$0x3FC4] =	sst s2  }
0x8f: {  	_ = 	snop  }
0x90: {  	s18 =	sld [smem:$0x3FD0];
	(tm) =	ssettm $0x1  }
0x91: {  	s19 =	sld [smem:$0x3FFB];
	_ =	sdelay $0x3  }
0x92: {  	_ =	strace s19  }
0x93: {  	s2 =	sld [smem:$0x3FFC];
	_ =	sdelay $0x3  }
0x94: {  	_ =	strace s2  }
0x95: {  	s2 =	sld [smem:$0x3FFD];
	_ =	sdelay $0x3  }
0x96: {  	_ =	strace s2  }
0x97: {  	_ =	strace $0x8FFFFFFF  }
0x98: {  	s20 =	sld [smem:$0x3FDB];
	_ =	sdelay $0x1  }
0x99: {  	s4 =	simm.s32 $_scs_section_size  }
0x9a: {  	s5 =	simm.s32 $_size__tile_overlayer_lowered;
	s6 =	simm.s32 $_tile_overlayer_lowered  }
0x9b: {  	s7 =	simm.s32 $0x1BFF;
	s21 =	sshll.u32 s6, $0x1;
	s4 =	sadd.s32 s4, s20  }
0x9c: {  	s22 =	simm.s32 $0x0;
	s5 =	sshll.u32 s5, $0x1;
	s6 =	sadd.s32 s21, s4  }
0x9d: {  	[timem:s22], [sflag:s7] =	dma.local [hbm:s6], s5  }
0x9e: {  	_ =	swait.ge [sflag:s7], s5  }
0x9f: {  	s5 =	ssub.s32 $0x0, s5;
	[sflag:s7] =	ssyncset.done $0x0  }
0xa0: {  	[sflag:s7] =	ssyncadd.s32 s5;
	_ =	sdelay $0x1  }
0xa1: {  	s23 =	simm.s32 $0x1B8B  }
0xa2: {  	_ =	swait.ge [sflag:s23], $0x1  }
0xa3: {  	[sflag:s23] =	ssyncset.done $0x0  }
0xa4: {  	[sflag:s23] =	ssyncadd.s32 $0xFFFFFFFF  }
0xa5: {  	s5 =	sld [smem:$0x0]  }
0xa6: {  	s6 =	sand.u32 $0xFFFFFFFE, s1  }
0xa7: {  	p0 =	sne.s32 s1, s6  }
0xa8: {  	s6 =	sshll.u32 @p0 s6, $0xE  }
0xa9: {  	s6 =	sadd.s32 @p0 $0x11B8D, s6;
	s7 =	sshll.u32 @p0 s5, $0x11  }
0xaa: {  	s6 =	sor.u32 @p0 s7, s6  }
0xab: {  	[sflag:s6] =	ssyncadd.remote.s32 @p0 $0x1;
	_ =	sdelay $0x1  }
0xac: {  	s6 =	simm.s32 @p0 $0x1B8D  }
0xad: {  	_ =	swait.eq @p0 [sflag:s6], $0x1  }
0xae: {  	[sflag:s6] =	ssyncadd.s32 @p0 $0xFFFFFFFF  }
0xaf: {  	s7 =	sshll.u32 @!p0 s1, $0xE  }
0xb0: {  	s7 =	sor.u32 @!p0 $0x4000, s7;
	s6 =	simm.s32 @!p0 $0x1B8D  }
0xb1: {  	s5 =	sshll.u32 @!p0 s5, $0x11;
	s7 =	sadd.s32 @!p0 $0x11B8D, s7;
	_ =	swait.eq @!p0 [sflag:s6], $0x1  }
0xb2: {  	s5 =	sor.u32 @!p0 s5, s7;
	[sflag:s6] =	ssyncadd.s32 @!p0 $0xFFFFFFFF  }
0xb3: {  	s25 =	simm.s32 $0x1B8E;
	s24 =	sld [smem:$0x3FFE];
	[sflag:s5] =	ssyncadd.remote.s32 @!p0 $0x1  }
0xb4: {  	s26 =	simm.s32 $execute0_lowered;
	[smem:$0x3FD2] =	sst s25  }
0xb5: {  	s6 =	sshll.u32 s26, $0x1;
	_ =	strace $0x8000004C;
	[dreg:$0x1] =	wrdreg $0xFFFFFFFF  }
0xb6: {  	s28 =	simm.s32 $_size_execute0_lowered;
	s4 =	sadd.s32 s4, s6;
	[dreg:$0x0] =	wrdreg $0x0  }
0xb7: {  	s6 =	sshll.u32 s28, $0x1;
	[dreg:$0x2] =	wrdreg s4  }
0xb8: {  	[dreg:$0x3] =	wrdreg s6  }
0xb9: {  	[dreg:$0x4] =	wrdreg $0xC0  }
0xba: {  	_ =	task [dreg:s22], $0x5FFFF  }
0xbb: {  	[dreg:$0x1] =	wrdreg $0xFFFFFFFF  }
0xbc: {  	[dreg:$0x0] =	wrdreg $0x60  }
0xbd: {  	[dreg:$0x2] =	wrdreg s18  }
0xbe: {  	[dreg:$0x3] =	wrdreg s24  }
0xbf: {  	[dreg:$0x4] =	wrdreg $0x54000  }
0xc0: {  	[dreg:$0x5] =	wrdreg $0xA  }
0xc1: {  	_ =	task.clear_ibuf [dreg:s22], $0x6FFFF;
	_ =	strace $0x9000004C  }
0xc2: {  	s29 =	simm.s32 $0xA;
	_ =	strace $0x8000004E  }
0xc3: {  	_ =	swait.ge [sflag:s29], $0x1  }
0xc4: {  	[sflag:s29] =	ssyncadd.s32 $0xFFFFFFFF  }
0xc5: {  	_ =	strace $0x9000004E  }
0xc6: {  	_ =	sfence  }
0xc7: {  	s30 =	sld [smem:$0x0];
	_ =	sdelay $0x2  }
0xc8: {  	s31 =	sshll.u32 s1, $0xD;
	s1 =	sshrl.u32 s1, $0x2  }
0xc9: {  	s4 =	sand.u32 $0x4000, s31;
	s1 =	sadd.s32 s1, s30  }
0xca: {  	s0 =	sor.u32 s4, s0;
	s1 =	sshll.u32 s1, $0x11  }
0xcb: {  	s0 =	sor.u32 s1, s0  }
0xcc: {  	s0 =	sadd.s32 $0x8F2B, s0  }
0xcd: {  	[sflag:s0] =	ssyncadd.remote.s32 $0x1  }
0xce: {  	_ =	sfence.sel $0xFFFF  }
0xcf: {  	[dreg:$0x0] =	wrdreg $0xFFFFFFFF;
	(pc) =	sbr.abs _section_cstart, $3  }
0xd0: {  	[dreg:$0x1] =	wrdreg $0xFFFFFFFF  }
0xd1: {  	_ =	task.clear_ibuf [dreg:s22], $0x2FFFF;
	_ =	strace $0x9FFFFFFF  }
0xd2: {  	(tm) =	ssettm $0x7FFFFFFF  }
0xd3: {  	_ =	shalt  }
tec
execute0_lowered:
.L_overlay_start_1:
0x0: {  	(tag) =	ssettag $0x1  }
0x1: {  	s5 =	rddreg [dreg:$0x0]  }
0x2: {  	s6 =	rddreg [dreg:$0x1]  }
0x3: {  	s2 =	rddreg [dreg:$0x2]  }
0x4: {  	s0 =	rddreg [dreg:$0x3];
	s1 =	stileid.u32  }
0x5: {  	s4 =	srdreg.scid;
	s3 =	simm.s32 $0x0;
	s13 =	simm.s32 $0x80  }
0x6: {  	s14 =	simm.s32 $0x0;
	s7 =	smul.u32 $0x14000, s1;
	s8 =	sand.u32 $0x1, s4  }
0x7: {  	[smem:$0x7FF] =	sst s3;
	s4 =	sadd.s32 $0x3D800, s6;
	s11 =	smul.u32 $0x50000, s1  }
0x8: {  	s31 =	sshll.u32 s1, $0x6;
	s9 =	smul.u32 $0x140000, s8;
	_ =	strace $0x8000004D  }
0x9: {  	s28 =	sshll.u32 s8, $0x4;
	s8 =	ssub.s32 $0x2, s8;
	s10 =	sshrl.u32 s7, $0x3  }
0xa: {  	s12 =	sshrl.u32 s8, $0x1;
	s29 =	sshrl.u32 s11, $0x2;
	s11 =	sor.u32 $0x1C01, s31  }
0xb: {  	s10 =	sadd.s32 s10, s6;
	s7 =	sadd.s32 s7, s9;
	s9 =	sor.u32 s1, s28  }
0xc: {  	s8 =	ssub.s32 s8, s12;
	s30 =	sadd.s32 s29, s2;
	s7 =	sshrl.u32 s7, $0x3  }
0xd: {  	s9 =	smul.u32 $0x280, s9;
	s8 =	smax.u32 s8, $0x1;
	s12 =	sshrl.u32 s30, $0x3  }
0xe: {  	s7 =	sadd.s32 s7, s6;
	s6 =	sadd.s32 $0x15800, s10;
	s10 =	simm.s32 $0x1400  }
0xf: {  	s5 =	sadd.s32 s5, s9;
	s7 =	sadd.s32 $0x3E000, s7;
	s9 =	simm.s32 $0x1  }
.LBB2_1:
0x10: {  	[tilespmem:s3], [sflag:$0x1] =	stream.linear.gather [hbm4b:s5+s3], $0x1400, $0x38;
	[tilespmem:$0x19400] =	vst v63  }
0x11: {  	_ =	swait.ge [sflag:s9], $0x1400  }
0x12: {  	[sflag:s9] =	ssyncset.done $0x0  }
0x13: {  	[sflag:s9] =	ssyncadd.s32 $0xFFFFEC00  }
0x14: {  	[tilespmem:s10], [sflag:$0x1] =	stream.linear.gather [hbm4b:s4+s3], $0x4000, $0x38;
	[tilespmem:$0x19400] =	vst v63  }
0x15: {  	_ =	swait.ge [sflag:s9], $0x4000  }
0x16: {  	[sflag:s9] =	ssyncset.done $0x0  }
0x17: {  	[sflag:s9] =	ssyncadd.s32 $0xFFFFC000  }
0x18: {  	[spmem:s12], [sflag:s11] =	dma.local [hbm:s6], $0x2800  }
0x19: {  	_ =	swait.ge [sflag:s9], $0x2800  }
0x1a: {  	[sflag:s9] =	ssyncset.done $0x0  }
0x1b: {  	[sflag:s9] =	ssyncadd.s32 $0xFFFFD800  }
0x1c: {  	s15 =	simm.s32 $0x0;
	[bflag:$0x0] =	sbarrier.arrive $0xFFFF  }
0x1d: {  	[spmem:s2] =	stream.indirect.scatter.add.f32 [tilespmem:s10], [sflag:$0x1], $0x80, s15, s13, $0xb8;
	[tilespmem:$0x19400] =	vst v63  }
0x1e: {  	_ =	swait.ge [sflag:s9], $0x4000  }
0x1f: {  	s15 =	simm.s32 $0x200;
	[sflag:s9] =	ssyncset.done $0x0  }
.LBB2_2:
0x20: {  	s16 =	sshra.s32 s15, $0x2;
	[sflag:s9] =	ssyncadd.s32 $0xFFFFC000;
	p0 =	sne.s32 s15, $0x4E00  }
0x21: {  	[spmem:s2] =	stream.indirect.scatter.add.f32 [tilespmem:s10], [sflag:$0x1], $0x80, s16, s13, $0xb8;
	[tilespmem:$0x19400] =	vst v63  }
.Ltmp0:
0x22: {  	_ = 	snop;
	(pc) =	sbr.rel @p0 .LBB2_2-.Ltmp0, $4  }
0x23: {  	_ = 	snop  }
0x24: {  	s15 =	sadd.s32 $0x200, s15  }
0x25: {  	_ =	swait.ge [sflag:s9], $0x4000  }
0x26: {  	[sflag:s9] =	ssyncset.done $0x0  }
0x27: {  	s14 =	sadd.s32 $0x1, s14  }
0x28: {  	[sflag:s9] =	ssyncadd.s32 $0xFFFFC000;
	p0 =	sne.s32 s14, s8  }
.Ltmp1:
0x29: {  	[bflag:$0x0] =	sbarrier.arrive $0xFFFF;
	(pc) =	sbr.rel @p0 .LBB2_1-.Ltmp1, $4  }
0x2a: {  	[hbm:s7], [sflag:s11] =	dma.local [spmem:s12], $0x2800  }
0x2b: {  	_ =	swait.ge [sflag:s9], $0x2800  }
0x2c: {  	[sflag:s9] =	ssyncset.done $0x0  }
0x2d: {  	[sflag:s9] =	ssyncadd.s32 $0xFFFFD800  }
0x2e: {  	_ =	sfence.sel $0x180000  }
0x2f: {  	[bflag:$0x0] =	sbarrier.arrive $0xFFFF  }
0x30: {  	p0 =	sne.s32 s1, $0x0;
	_ =	strace $0x9000004D  }
0x31: {  	s0 =	sadd.s32 @!p0 $0x100000, s0;
	[bflag:$0x2] =	sbarrier.arrive $0xFFFF  }
0x32: {  	[sflag:s0] =	ssyncadd.tile.s32 @!p0 $0x1;
	_ =	shalt  }
.Lfunc_end2:
_tile_overlayer_lowered:
.L_overlay_start_2:
0x33: {  	(tag) =	ssettag $0x2  }
0x34: {  	s0 =	rddreg [dreg:$0x0];
	s2 =	stileid.u32  }
0x35: {  	s1 =	rddreg [dreg:$0x1];
	p0 =	sne.s32 s2, $0x0  }
0x36: {  	s3 =	rddreg [dreg:$0x2];
	[bflag:$0x3] =	sbarrier.arrive $0xFFFF;
	s2 =	simm.s32 @!p0 $0x1C01  }
0x37: {  	[timem:s3], [sflag:s2] =	dma.local @!p0 [hbm:s0], s1  }
0x38: {  	s0 =	simm.s32 @!p0 $0x1  }
0x39: {  	_ =	swait.ge @!p0 [sflag:s0], s1  }
0x3a: {  	s1 =	ssub.s32 @!p0 $0x0, s1;
	[sflag:s0] =	ssyncset.done @!p0 $0x0  }
0x3b: {  	[sflag:s0] =	ssyncadd.s32 @!p0 s1  }
0x3c: {  	[bflag:$0x3] =	sbarrier.arrive $0xFFFF  }
0x3d: {  	_ =	shalt  }

</sc_bundles>
